<compile_context>
chip_gen: v7x
topology: tpu7x:2x2x1
jax: 0.10.2.dev20260603
libtpu: 0.0.44.dev20260713+nightly
codegen_flags: <defaults>
</compile_context>

<pallas_src>
import functools

import jax
import jax.numpy as jnp
from jax import lax
from jax.experimental import pallas as pl
from jax.experimental.pallas import tpu as pltpu
from jax.experimental.pallas import tpu_sc as plsc

N = 10000
E = 320000
H = 128
G = 128

NC = 2
NS = 16
LANES = 16

EK = 128
EP = 327680
TILE_E = EP // (NC * NS)
NCHUNK = TILE_E // EK
NSLOT = 2
GRP = 8
NGRP = NCHUNK // GRP
NP = 10240
ROWS_T = NP // NS
ZR = 128

_mesh = plsc.VectorSubcoreMesh(
    core_axis_name="c", subcore_axis_name="s", num_cores=NC, num_subcores=NS
)


@functools.partial(
    pl.kernel,
    out_type=jax.ShapeDtypeStruct((NC, NP, H), jnp.float32),
    mesh=_mesh,
    scratch_types=[
        pltpu.VMEM((NCHUNK, EK), jnp.int32),
        pltpu.VMEM((EK, H), jnp.float32),
        pltpu.VMEM((ZR, H), jnp.float32),
        pltpu.VMEM_SHARED((NP, H), jnp.float32),
        pltpu.SemaphoreType.DMA,
    ],
)
def _sc_degree(dst_hbm, out_hbm, didx_all, ones_v, zbuf, acc, sem):
    c = lax.axis_index("c")
    s = lax.axis_index("s")

    def fill(k, _):
        ones_v[k // (H // LANES), pl.ds((k % (H // LANES)) * LANES, LANES)] = (
            jnp.full((LANES,), 1.0, jnp.float32)
        )
        return 0

    lax.fori_loop(0, EK * (H // LANES), fill, 0)

    def fillz(k, _):
        zbuf[k // (H // LANES), pl.ds((k % (H // LANES)) * LANES, LANES)] = (
            jnp.zeros((LANES,), jnp.float32)
        )
        return 0

    lax.fori_loop(0, ZR * (H // LANES), fillz, 0)

    def zero_acc(j, _):
        pltpu.sync_copy(zbuf, acc.at[pl.ds(s * ROWS_T + j * ZR, ZR)])
        return 0

    lax.fori_loop(0, ROWS_T // ZR, zero_acc, 0)

    wid = c * NS + s
    pltpu.sync_copy(dst_hbm.at[pl.ds(wid * NCHUNK, NCHUNK)], didx_all)
    plsc.subcore_barrier()

    def fire(i, _):
        pltpu.async_copy(ones_v, acc.at[didx_all.at[i]], sem, add=True)
        return 0

    lax.fori_loop(0, NCHUNK, fire, 0)

    def drain(i, _):
        pltpu.make_async_copy(ones_v, acc.at[didx_all.at[0]], sem).wait()
        return 0

    lax.fori_loop(0, NCHUNK, drain, 0)
    plsc.subcore_barrier()

    pltpu.sync_copy(
        acc.at[pl.ds(s * ROWS_T, ROWS_T)],
        out_hbm.at[c, pl.ds(s * ROWS_T, ROWS_T)],
    )


@functools.partial(
    pl.kernel,
    out_type=jax.ShapeDtypeStruct((NC, NP, H), jnp.float32),
    mesh=_mesh,
    scratch_types=[
        [pltpu.VMEM((GRP, EK), jnp.int32)] * 2,
        [pltpu.VMEM((GRP, EK), jnp.int32)] * 2,
        [pltpu.VMEM((EK, H), jnp.float32)] * NSLOT,
        pltpu.VMEM_SHARED((NP, H), jnp.float32),
        [pltpu.SemaphoreType.DMA] * NSLOT,
        [pltpu.SemaphoreType.DMA] * 2,
    ],
)
def _sc_agg(h_hbm, src_hbm, dst_hbm, out_hbm, sidx, didx, rows, acc,
            gsem, isem):
    c = lax.axis_index("c")
    s = lax.axis_index("s")

    def fillz(k, _):
        rows[0][k // (H // LANES), pl.ds((k % (H // LANES)) * LANES, LANES)] = (
            jnp.zeros((LANES,), jnp.float32)
        )
        return 0

    lax.fori_loop(0, EK * (H // LANES), fillz, 0)

    def zero_acc(j, _):
        pltpu.sync_copy(rows[0], acc.at[pl.ds(s * ROWS_T + j * ZR, ZR)])
        return 0

    lax.fori_loop(0, ROWS_T // ZR, zero_acc, 0)
    wid = c * NS + s
    plsc.subcore_barrier()

    def load_idx_async(g, p):
        base = wid * NCHUNK + g * GRP
        pltpu.async_copy(src_hbm.at[pl.ds(base, GRP)], sidx[p], isem[p])
        pltpu.async_copy(dst_hbm.at[pl.ds(base, GRP)], didx[p], isem[p])

    def wait_idx(p):
        pltpu.make_async_copy(src_hbm.at[pl.ds(0, GRP)], sidx[p], isem[p]).wait()
        pltpu.make_async_copy(dst_hbm.at[pl.ds(0, GRP)], didx[p], isem[p]).wait()

    def fire_gather(idx_row, t):
        pltpu.async_copy(h_hbm.at[idx_row], rows[t], gsem[t])

    def process_group(p, cross):
        for j in range(GRP):
            t = j % NSLOT
            if j < GRP - 1:
                fire_gather(sidx[p].at[j + 1], (j + 1) % NSLOT)
            elif cross:
                fire_gather(sidx[1 - p].at[0], 0)
            pltpu.make_async_copy(h_hbm.at[sidx[p].at[j]], rows[t], gsem[t]).wait()
            pltpu.sync_copy(rows[t], acc.at[didx[p].at[j]], add=True)

    pltpu.sync_copy(src_hbm.at[pl.ds(wid * NCHUNK, GRP)], sidx[0])
    pltpu.sync_copy(dst_hbm.at[pl.ds(wid * NCHUNK, GRP)], didx[0])
    load_idx_async(1, 1)
    fire_gather(sidx[0].at[0], 0)

    def super_body(sg, _):
        ga = 2 * sg

        @pl.when(sg > 0)
        def _():
            wait_idx(0)
            fire_gather(sidx[0].at[0], 0)

        wait_idx(1)
        process_group(0, cross=True)

        @pl.when(sg < NGRP // 2 - 1)
        def _():
            load_idx_async(ga + 2, 0)

        process_group(1, cross=False)

        @pl.when(sg < NGRP // 2 - 1)
        def _():
            load_idx_async(ga + 3, 1)

        return 0

    lax.fori_loop(0, NGRP // 2, super_body, 0)
    plsc.subcore_barrier()

    pltpu.sync_copy(
        acc.at[pl.ds(s * ROWS_T, ROWS_T)],
        out_hbm.at[c, pl.ds(s * ROWS_T, ROWS_T)],
    )


def _tc_mm1_body(x_ref, w_ref, degp_ref, h_ref, dinv_ref):
    dinv = lax.rsqrt(degp_ref[0, :N] + degp_ref[1, :N] + 1.0)
    h = jnp.dot(x_ref[...], w_ref[...], preferred_element_type=jnp.float32)
    dinv_ref[...] = dinv
    h_ref[...] = h * dinv


def _bn_relu(aggp, hp, dinv, b, g, be):
    z = (aggp[0, :N] + aggp[1, :N] + hp) * dinv + b
    mu = jnp.mean(z, axis=0, keepdims=True)
    var = jnp.mean((z - mu) ** 2, axis=0, keepdims=True)
    return jnp.maximum((z - mu) * lax.rsqrt(var + 1e-5) * g + be, 0.0)


def _tc_bn_mm_body(aggp_ref, hp_ref, dinv_ref, b_ref, g_ref, be_ref, w_ref,
                   o_ref):
    dinv = dinv_ref[...]
    y = _bn_relu(aggp_ref[...], hp_ref[...], dinv, b_ref[...], g_ref[...],
                 be_ref[...])
    o_ref[...] = jnp.dot(y, w_ref[...], preferred_element_type=jnp.float32) * dinv


def _tc_bn_pool_body(aggp_ref, hp_ref, dinv_ref, b_ref, g_ref, be_ref,
                     batch_ref, fc1w_ref, fc1b_ref, fc2w_ref, fc2b_ref, o_ref):
    dinv = dinv_ref[...]
    y = _bn_relu(aggp_ref[...], hp_ref[...], dinv, b_ref[...], g_ref[...],
                 be_ref[...])
    gid = lax.broadcasted_iota(jnp.int32, (G, N), 0)
    onehot_t = (batch_ref[...] == gid).astype(jnp.float32)
    sums = jnp.dot(onehot_t, y, preferred_element_type=jnp.float32)
    counts = jnp.sum(onehot_t, axis=1, keepdims=True)
    pooled = sums / jnp.maximum(counts, 1.0)
    a = jnp.maximum(
        jnp.dot(pooled, fc1w_ref[...], preferred_element_type=jnp.float32)
        + fc1b_ref[...],
        0.0,
    )
    o_ref[...] = (
        jnp.dot(a, fc2w_ref[...], preferred_element_type=jnp.float32)
        + fc2b_ref[...]
    )


def kernel(x, edge_index, batch, W1, b1, gamma1, beta1, W2, b2, gamma2, beta2,
           fc1_W, fc1_b, fc2_W, fc2_b):
    pad_iota = jnp.arange(EP - E, dtype=jnp.int32)
    src = jnp.concatenate([edge_index[0], pad_iota % N]).reshape(EP // EK, EK)
    dst = jnp.concatenate([edge_index[1], N + pad_iota % (NP - N)]).reshape(
        EP // EK, EK
    )

    degp = _sc_degree(dst)

    h1p, dinv = pl.pallas_call(
        _tc_mm1_body,
        out_shape=[
            jax.ShapeDtypeStruct((N, H), jnp.float32),
            jax.ShapeDtypeStruct((N, H), jnp.float32),
        ],
    )(x, W1, degp)

    agg1 = _sc_agg(h1p, src, dst)

    h2p = pl.pallas_call(
        _tc_bn_mm_body,
        out_shape=jax.ShapeDtypeStruct((N, H), jnp.float32),
    )(agg1, h1p, dinv, b1.reshape(1, H), gamma1.reshape(1, H),
      beta1.reshape(1, H), W2)

    agg2 = _sc_agg(h2p, src, dst)

    fc1w_p = jnp.pad(fc1_W, ((0, 0), (0, 128 - fc1_W.shape[1])))
    fc1b_p = jnp.pad(fc1_b, (0, 128 - fc1_b.shape[0])).reshape(1, 128)
    fc2w_p = jnp.pad(fc2_W, ((0, 128 - fc2_W.shape[0]), (0, 128 - fc2_W.shape[1])))
    fc2b_p = jnp.pad(fc2_b, (0, 128 - fc2_b.shape[0])).reshape(1, 128)

    out_p = pl.pallas_call(
        _tc_bn_pool_body,
        out_shape=jax.ShapeDtypeStruct((G, 128), jnp.float32),
    )(agg2, h2p, dinv, b2.reshape(1, H), gamma2.reshape(1, H),
      beta2.reshape(1, H), batch.reshape(1, N), fc1w_p, fc1b_p, fc2w_p, fc2b_p)

    return out_p[:, : fc2_W.shape[1]]

# --- scband reference (transcript-rebuilt; emitter-appended) ---
"""Pipeline reference for scband-gcnclassifier-6923487282676 (READ-ONLY COPY).

The authoritative reference and input builder live on the scoring server;
editing this copy changes nothing except your own understanding.
"""

import jax, jax.numpy as jnp
import numpy as np

N = 10000
E = 320000
F_IN = 128
H = 128
G = 128


def setup_inputs(seed: int = 0) -> dict:
    key = jax.random.key(seed)
    ks = jax.random.split(key, 12)
    x = jax.random.normal(ks[0], (N, F_IN), dtype=jnp.float32)
    edge_index = jax.random.randint(ks[1], (2, E), 0, N, dtype=jnp.int32)
    batch = jnp.sort(jax.random.randint(ks[2], (N,), 0, G, dtype=jnp.int32))
    W1 = jax.random.normal(ks[3], (F_IN, H), dtype=jnp.float32) * (1.0 / np.sqrt(F_IN))
    b1 = jnp.zeros((H,), dtype=jnp.float32)
    gamma1 = jnp.ones((H,), dtype=jnp.float32)
    beta1 = jnp.zeros((H,), dtype=jnp.float32)
    W2 = jax.random.normal(ks[4], (H, H), dtype=jnp.float32) * (1.0 / np.sqrt(H))
    b2 = jnp.zeros((H,), dtype=jnp.float32)
    gamma2 = jnp.ones((H,), dtype=jnp.float32)
    beta2 = jnp.zeros((H,), dtype=jnp.float32)
    fc1_W = jax.random.normal(ks[5], (H, 32), dtype=jnp.float32) * (1.0 / np.sqrt(H))
    fc1_b = jnp.zeros((32,), dtype=jnp.float32)
    fc2_W = jax.random.normal(ks[6], (32, 2), dtype=jnp.float32) * (1.0 / np.sqrt(32))
    fc2_b = jnp.zeros((2,), dtype=jnp.float32)
    return {"x": x, "edge_index": edge_index, "batch": batch,
            "W1": W1, "b1": b1, "gamma1": gamma1, "beta1": beta1,
            "W2": W2, "b2": b2, "gamma2": gamma2, "beta2": beta2,
            "fc1_W": fc1_W, "fc1_b": fc1_b, "fc2_W": fc2_W, "fc2_b": fc2_b}


def _gcn_conv(x, src, dst, W, b):
    n = x.shape[0]
    loop = jnp.arange(n, dtype=src.dtype)
    s = jnp.concatenate([src, loop])
    d = jnp.concatenate([dst, loop])
    deg = jax.ops.segment_sum(jnp.ones(s.shape, jnp.float32), d, num_segments=n)
    dinv = jnp.where(deg > 0, deg ** -0.5, 0.0)
    norm = dinv[s] * dinv[d]
    h = x @ W
    out = jax.ops.segment_sum(h[s] * norm[:, None], d, num_segments=n)
    return out + b


def _batchnorm(x, gamma, beta, eps=1e-5):
    mu = jnp.mean(x, axis=0)
    var = jnp.var(x, axis=0)
    return (x - mu) / jnp.sqrt(var + eps) * gamma + beta


def reference(x, edge_index, batch, W1, b1, gamma1, beta1, W2, b2, gamma2, beta2, fc1_W, fc1_b, fc2_W, fc2_b):
    src, dst = edge_index[0], edge_index[1]
    h = jax.nn.relu(_batchnorm(_gcn_conv(x, src, dst, W1, b1), gamma1, beta1))
    h = jax.nn.relu(_batchnorm(_gcn_conv(h, src, dst, W2, b2), gamma2, beta2))
    sums = jax.ops.segment_sum(h, batch, num_segments=G)
    counts = jax.ops.segment_sum(jnp.ones((h.shape[0],), jnp.float32), batch, num_segments=G)
    pooled = sums / jnp.clip(counts, 1.0)[:, None]
    h = jax.nn.relu(pooled @ fc1_W + fc1_b)
    return h @ fc2_W + fc2_b

if __name__ == "__main__":
    import jax
    _d = setup_inputs()
    print(jax.jit(kernel)(*tuple(_d.values())))

</pallas_src>

<mosaic_0001>
#map = affine_map<(d0, d1) -> (0, 0)>
#map1 = affine_map<(d0, d1) -> (0, 0, 0)>
module attributes {stable_mosaic.version = 14 : i64} {
  func.func @_sc_degree(%arg0: i32, %arg1: i32, %arg2: memref<2560x128xi32, #tpu.memory_space<hbm>>, %arg3: memref<2x10240x128xf32, #tpu.memory_space<hbm>>, %arg4: memref<80x128xi32, #tpu.memory_space<vmem>>, %arg5: memref<128x128xf32, #tpu.memory_space<vmem>>, %arg6: memref<128x128xf32, #tpu.memory_space<vmem>>, %arg7: memref<10240x128xf32, #tpu.memory_space<vmem_shared>>, %arg8: memref<!tpu.dma_semaphore, #tpu.memory_space<semaphore_mem>>) attributes {dimension_semantics = [#tpu.dimension_semantics<core_parallel>, #tpu.dimension_semantics<subcore_parallel>], iteration_bounds = array<i64: 2, 16>, scalar_prefetch = 0 : i64, scratch_operands = 5 : i64, tpu.core_type = #tpu.core_type<sc_vector_subcore>, window_params = [{transform_indices = #map}, {transform_indices = #map1}]} {
    %scan3A = arith.constant 0 : i32
    %scan3A_0 = arith.constant 0 : i32
    %scan3A_1 = arith.constant 1024 : i32
    %scan3A_2 = arith.addi %scan3A_0, %scan3A_1 : i32
    %scan3A_3 = arith.constant 1 : i32
    %scan3A_4 = scf.for %scan3A_42 = %scan3A_0 to %scan3A_2 step %scan3A_3 iter_args(%scan3A_43 = %scan3A) -> (i32)  : i32 {
      %broadcast_in_dim3A = arith.constant 1.000000e+00 : f32
      %broadcast_in_dim3A_44 = vector.broadcast %broadcast_in_dim3A : f32 to vector<16xf32>
      %jit3A = arith.constant 8 : i32
      %div3A = arith.divsi %scan3A_42, %jit3A : i32
      %sign3A = arith.constant 0 : i32
      %sign3A_45 = arith.cmpi sgt, %scan3A_42, %sign3A : i32
      %sign3A_46 = arith.extui %sign3A_45 : i1 to i32
      %sign3A_47 = arith.constant 0 : i32
      %sign3A_48 = arith.cmpi slt, %scan3A_42, %sign3A_47 : i32
      %sign3A_49 = arith.extui %sign3A_48 : i1 to i32
      %sign3A_50 = arith.subi %sign3A_46, %sign3A_49 : i32
      %sign3A_51 = arith.constant 0 : i32
      %sign3A_52 = arith.cmpi sgt, %jit3A, %sign3A_51 : i32
      %sign3A_53 = arith.extui %sign3A_52 : i1 to i32
      %sign3A_54 = arith.constant 0 : i32
      %sign3A_55 = arith.cmpi slt, %jit3A, %sign3A_54 : i32
      %sign3A_56 = arith.extui %sign3A_55 : i1 to i32
      %sign3A_57 = arith.subi %sign3A_53, %sign3A_56 : i32
      %ne3A = arith.cmpi ne, %sign3A_50, %sign3A_57 : i32
      %rem3A = arith.remsi %scan3A_42, %jit3A : i32
      %ne3A_58 = arith.constant 0 : i32
      %ne3A_59 = arith.cmpi ne, %rem3A, %ne3A_58 : i32
      %and3A = arith.andi %ne3A, %ne3A_59 : i1
      %sub3A = arith.constant 1 : i32
      %sub3A_60 = arith.subi %div3A, %sub3A : i32
      %select_n3A = arith.select %and3A, %sub3A_60, %div3A : i32
      %jit3A_61 = arith.constant 8 : i32
      %eq3A = arith.constant 0 : i32
      %eq3A_62 = arith.cmpi eq, %jit3A_61, %eq3A : i32
      %jit3A_63 = arith.constant 1 : i32
      %select_n3A_64 = arith.select %eq3A_62, %jit3A_63, %jit3A_61 : i32
      %rem3A_65 = arith.remsi %scan3A_42, %select_n3A_64 : i32
      %ne3A_66 = arith.constant 0 : i32
      %ne3A_67 = arith.cmpi ne, %rem3A_65, %ne3A_66 : i32
      %lt3A = arith.constant 0 : i32
      %lt3A_68 = arith.cmpi slt, %rem3A_65, %lt3A : i32
      %lt3A_69 = arith.constant 0 : i32
      %lt3A_70 = arith.cmpi slt, %select_n3A_64, %lt3A_69 : i32
      %ne3A_71 = arith.xori %lt3A_68, %lt3A_70 : i1
      %and3A_72 = arith.andi %ne3A_71, %ne3A_67 : i1
      %add3A_73 = arith.addi %rem3A_65, %select_n3A_64 : i32
      %select_n3A_74 = arith.select %and3A_72, %add3A_73, %rem3A_65 : i32
      %mul3A_75 = arith.constant 16 : i32
      %mul3A_76 = arith.muli %select_n3A_74, %mul3A_75 : i32
      %swap3A = arith.index_cast %select_n3A : i32 to index
      %swap3A_77 = arith.index_cast %mul3A_76 : i32 to index
      %swap3A_78 = tpu.vector_load %arg5[%swap3A, %swap3A_77] {strides = array<i32>} : memref<128x128xf32, #tpu.memory_space<vmem>>, vector<1x16xf32>,
      %swap3A_79 = vector.shape_cast %swap3A_78 : vector<1x16xf32> to vector<16xf32>
      %swap3A_80 = vector.shape_cast %broadcast_in_dim3A_44 : vector<16xf32> to vector<1x16xf32>
      tpu.vector_store %arg5[%swap3A, %swap3A_77], %swap3A_80 {strides = array<i32>} : memref<128x128xf32, #tpu.memory_space<vmem>>, vector<1x16xf32>,
      %scan3A_81 = arith.constant 0 : i32
      scf.yield %scan3A_81 : i32
    }
    %scan3A_5 = arith.constant 1024 : i32
    %scan3A_6 = arith.constant 0 : i32
    %scan3A_7 = arith.constant 0 : i32
    %scan3A_8 = arith.constant 1024 : i32
    %scan3A_9 = arith.addi %scan3A_7, %scan3A_8 : i32
    %scan3A_10 = arith.constant 1 : i32
    %scan3A_11 = scf.for %scan3A_42 = %scan3A_7 to %scan3A_9 step %scan3A_10 iter_args(%scan3A_43 = %scan3A_6) -> (i32)  : i32 {
      %broadcast_in_dim3A = arith.constant 0.000000e+00 : f32
      %broadcast_in_dim3A_44 = vector.broadcast %broadcast_in_dim3A : f32 to vector<16xf32>
      %jit3A = arith.constant 8 : i32
      %div3A = arith.divsi %scan3A_42, %jit3A : i32
      %sign3A = arith.constant 0 : i32
      %sign3A_45 = arith.cmpi sgt, %scan3A_42, %sign3A : i32
      %sign3A_46 = arith.extui %sign3A_45 : i1 to i32
      %sign3A_47 = arith.constant 0 : i32
      %sign3A_48 = arith.cmpi slt, %scan3A_42, %sign3A_47 : i32
      %sign3A_49 = arith.extui %sign3A_48 : i1 to i32
      %sign3A_50 = arith.subi %sign3A_46, %sign3A_49 : i32
      %sign3A_51 = arith.constant 0 : i32
      %sign3A_52 = arith.cmpi sgt, %jit3A, %sign3A_51 : i32
      %sign3A_53 = arith.extui %sign3A_52 : i1 to i32
      %sign3A_54 = arith.constant 0 : i32
      %sign3A_55 = arith.cmpi slt, %jit3A, %sign3A_54 : i32
      %sign3A_56 = arith.extui %sign3A_55 : i1 to i32
      %sign3A_57 = arith.subi %sign3A_53, %sign3A_56 : i32
      %ne3A = arith.cmpi ne, %sign3A_50, %sign3A_57 : i32
      %rem3A = arith.remsi %scan3A_42, %jit3A : i32
      %ne3A_58 = arith.constant 0 : i32
      %ne3A_59 = arith.cmpi ne, %rem3A, %ne3A_58 : i32
      %and3A = arith.andi %ne3A, %ne3A_59 : i1
      %sub3A = arith.constant 1 : i32
      %sub3A_60 = arith.subi %div3A, %sub3A : i32
      %select_n3A = arith.select %and3A, %sub3A_60, %div3A : i32
      %jit3A_61 = arith.constant 8 : i32
      %eq3A = arith.constant 0 : i32
      %eq3A_62 = arith.cmpi eq, %jit3A_61, %eq3A : i32
      %jit3A_63 = arith.constant 1 : i32
      %select_n3A_64 = arith.select %eq3A_62, %jit3A_63, %jit3A_61 : i32
      %rem3A_65 = arith.remsi %scan3A_42, %select_n3A_64 : i32
      %ne3A_66 = arith.constant 0 : i32
      %ne3A_67 = arith.cmpi ne, %rem3A_65, %ne3A_66 : i32
      %lt3A = arith.constant 0 : i32
      %lt3A_68 = arith.cmpi slt, %rem3A_65, %lt3A : i32
      %lt3A_69 = arith.constant 0 : i32
      %lt3A_70 = arith.cmpi slt, %select_n3A_64, %lt3A_69 : i32
      %ne3A_71 = arith.xori %lt3A_68, %lt3A_70 : i1
      %and3A_72 = arith.andi %ne3A_71, %ne3A_67 : i1
      %add3A_73 = arith.addi %rem3A_65, %select_n3A_64 : i32
      %select_n3A_74 = arith.select %and3A_72, %add3A_73, %rem3A_65 : i32
      %mul3A_75 = arith.constant 16 : i32
      %mul3A_76 = arith.muli %select_n3A_74, %mul3A_75 : i32
      %swap3A = arith.index_cast %select_n3A : i32 to index
      %swap3A_77 = arith.index_cast %mul3A_76 : i32 to index
      %swap3A_78 = tpu.vector_load %arg6[%swap3A, %swap3A_77] {strides = array<i32>} : memref<128x128xf32, #tpu.memory_space<vmem>>, vector<1x16xf32>,
      %swap3A_79 = vector.shape_cast %swap3A_78 : vector<1x16xf32> to vector<16xf32>
      %swap3A_80 = vector.shape_cast %broadcast_in_dim3A_44 : vector<16xf32> to vector<1x16xf32>
      tpu.vector_store %arg6[%swap3A, %swap3A_77], %swap3A_80 {strides = array<i32>} : memref<128x128xf32, #tpu.memory_space<vmem>>, vector<1x16xf32>,
      %scan3A_81 = arith.constant 0 : i32
      scf.yield %scan3A_81 : i32
    }
    %scan3A_12 = arith.constant 1024 : i32
    %scan3A_13 = arith.constant 0 : i32
    %scan3A_14 = arith.constant 0 : i32
    %scan3A_15 = arith.constant 5 : i32
    %scan3A_16 = arith.addi %scan3A_14, %scan3A_15 : i32
    %scan3A_17 = arith.constant 1 : i32
    %scan3A_18 = scf.for %scan3A_42 = %scan3A_14 to %scan3A_16 step %scan3A_17 iter_args(%scan3A_43 = %scan3A_13) -> (i32)  : i32 {
      %mul3A_44 = arith.constant 640 : i32
      %mul3A_45 = arith.muli %arg1, %mul3A_44 : i32
      %mul3A_46 = arith.constant 128 : i32
      %mul3A_47 = arith.muli %scan3A_42, %mul3A_46 : i32
      %add3A_48 = arith.addi %mul3A_45, %mul3A_47 : i32
      "tpu.region"() ({
        %run_scoped3A = tpu.sem_alloc : memref<!tpu.dma_semaphore, #tpu.memory_space<semaphore_mem>>
        %dma_start3A = arith.constant 0 : i32
        %dma_start3A_50 = tpu.memref_slice %arg7[%add3A_48, %dma_start3A] : memref<10240x128xf32, #tpu.memory_space<vmem_shared>> -> memref<128x128xf32, #tpu.memory_space<vmem_shared>>
        %dma_start3A_51 = arith.constant 0 : i32
        %dma_start3A_52 = tpu.memref_slice %arg7[%add3A_48, %dma_start3A_51] : memref<10240x128xf32, #tpu.memory_space<vmem_shared>> -> memref<128x128xf32, #tpu.memory_space<vmem_shared>>
        tpu.enqueue_dma source(%arg6 : memref<128x128xf32, #tpu.memory_space<vmem>>) target(%dma_start3A_52 : memref<128x128xf32, #tpu.memory_space<vmem_shared>>) target_semaphore(%run_scoped3A : memref<!tpu.dma_semaphore, #tpu.memory_space<semaphore_mem>>)
        %dma_wait3A = arith.constant 0 : i32
        %dma_wait3A_53 = tpu.memref_slice %arg7[%add3A_48, %dma_wait3A] : memref<10240x128xf32, #tpu.memory_space<vmem_shared>> -> memref<128x128xf32, #tpu.memory_space<vmem_shared>>
        %dma_wait3A_54 = arith.constant 0 : i32
        %dma_wait3A_55 = tpu.memref_slice %arg7[%add3A_48, %dma_wait3A_54] : memref<10240x128xf32, #tpu.memory_space<vmem_shared>> -> memref<128x128xf32, #tpu.memory_space<vmem_shared>>
        tpu.wait_dma2 semaphore(%run_scoped3A : memref<!tpu.dma_semaphore, #tpu.memory_space<semaphore_mem>>) src(%arg6 : memref<128x128xf32, #tpu.memory_space<vmem>>) dst(%dma_wait3A_55 : memref<128x128xf32, #tpu.memory_space<vmem_shared>>)
        tpu.yield
      }) : () -> ()
      %scan3A_49 = arith.constant 0 : i32
      scf.yield %scan3A_49 : i32
    }
    %scan3A_19 = arith.constant 5 : i32
    %mul3A = arith.constant 16 : i32
    %mul3A_20 = arith.muli %arg0, %mul3A : i32
    %add3A = arith.addi %mul3A_20, %arg1 : i32
    %mul3A_21 = arith.constant 80 : i32
    %mul3A_22 = arith.muli %add3A, %mul3A_21 : i32
    "tpu.region"() ({
      %run_scoped3A = tpu.sem_alloc : memref<!tpu.dma_semaphore, #tpu.memory_space<semaphore_mem>>
      %dma_start3A = arith.constant 0 : i32
      %dma_start3A_42 = tpu.memref_slice %arg2[%mul3A_22, %dma_start3A] : memref<2560x128xi32, #tpu.memory_space<hbm>> -> memref<80x128xi32, #tpu.memory_space<hbm>>
      %dma_start3A_43 = arith.constant 0 : i32
      %dma_start3A_44 = tpu.memref_slice %arg2[%mul3A_22, %dma_start3A_43] : memref<2560x128xi32, #tpu.memory_space<hbm>> -> memref<80x128xi32, #tpu.memory_space<hbm>>
      tpu.enqueue_dma source(%dma_start3A_44 : memref<80x128xi32, #tpu.memory_space<hbm>>) target(%arg4 : memref<80x128xi32, #tpu.memory_space<vmem>>) target_semaphore(%run_scoped3A : memref<!tpu.dma_semaphore, #tpu.memory_space<semaphore_mem>>)
      %dma_wait3A = arith.constant 0 : i32
      %dma_wait3A_45 = tpu.memref_slice %arg2[%mul3A_22, %dma_wait3A] : memref<2560x128xi32, #tpu.memory_space<hbm>> -> memref<80x128xi32, #tpu.memory_space<hbm>>
      %dma_wait3A_46 = arith.constant 0 : i32
      %dma_wait3A_47 = tpu.memref_slice %arg2[%mul3A_22, %dma_wait3A_46] : memref<2560x128xi32, #tpu.memory_space<hbm>> -> memref<80x128xi32, #tpu.memory_space<hbm>>
      tpu.wait_dma2 semaphore(%run_scoped3A : memref<!tpu.dma_semaphore, #tpu.memory_space<semaphore_mem>>) src(%dma_wait3A_47 : memref<80x128xi32, #tpu.memory_space<hbm>>) dst(%arg4 : memref<80x128xi32, #tpu.memory_space<vmem>>)
      tpu.yield
    }) : () -> ()
    %barrier3A = arith.constant 0 : index
    tpu.barrier barrier_id(%barrier3A)
    %scan3A_23 = arith.constant 0 : i32
    %scan3A_24 = arith.constant 0 : i32
    %scan3A_25 = arith.constant 80 : i32
    %scan3A_26 = arith.addi %scan3A_24, %scan3A_25 : i32
    %scan3A_27 = arith.constant 1 : i32
    %scan3A_28 = scf.for %scan3A_42 = %scan3A_24 to %scan3A_26 step %scan3A_27 iter_args(%scan3A_43 = %scan3A_23) -> (i32)  : i32 {
      %dma_start3A = arith.constant 0 : i32
      %dma_start3A_44 = tpu.memref_slice %arg4[%scan3A_42, %dma_start3A] : memref<80x128xi32, #tpu.memory_space<vmem>> -> memref<1x128xi32, #tpu.memory_space<vmem>>
      %dma_start3A_45 = tpu.memref_squeeze %dma_start3A_44 : memref<1x128xi32, #tpu.memory_space<vmem>> -> memref<128xi32, #tpu.memory_space<vmem>>
      %dma_start3A_46 = arith.constant 0 : i32
      %dma_start3A_47 = arith.constant 0 : i32
      %dma_start3A_48 = tpu.memref_slice %arg7[%dma_start3A_46, %dma_start3A_47] : memref<10240x128xf32, #tpu.memory_space<vmem_shared>> -> memref<10240x128xf32, #tpu.memory_space<vmem_shared>>
      tpu.enqueue_indirect_dma source(%arg5 : memref<128x128xf32, #tpu.memory_space<vmem>>) target(%dma_start3A_48 : memref<10240x128xf32, #tpu.memory_space<vmem_shared>>) offsets(%dma_start3A_45 : memref<128xi32, #tpu.memory_space<vmem>>) semaphore(%arg8 : memref<!tpu.dma_semaphore, #tpu.memory_space<semaphore_mem>>) {add = true}
      %scan3A_49 = arith.constant 0 : i32
      scf.yield %scan3A_49 : i32
    }
    %scan3A_29 = arith.constant 80 : i32
    %scan3A_30 = arith.constant 0 : i32
    %scan3A_31 = arith.constant 0 : i32
    %scan3A_32 = arith.constant 80 : i32
    %scan3A_33 = arith.addi %scan3A_31, %scan3A_32 : i32
    %scan3A_34 = arith.constant 1 : i32
    %scan3A_35 = scf.for %scan3A_42 = %scan3A_31 to %scan3A_33 step %scan3A_34 iter_args(%scan3A_43 = %scan3A_30) -> (i32)  : i32 {
      %dma_wait3A = arith.constant 0 : i32
      %dma_wait3A_44 = arith.constant 0 : i32
      %dma_wait3A_45 = tpu.memref_slice %arg4[%dma_wait3A, %dma_wait3A_44] : memref<80x128xi32, #tpu.memory_space<vmem>> -> memref<1x128xi32, #tpu.memory_space<vmem>>
      %dma_wait3A_46 = tpu.memref_squeeze %dma_wait3A_45 : memref<1x128xi32, #tpu.memory_space<vmem>> -> memref<128xi32, #tpu.memory_space<vmem>>
      %dma_wait3A_47 = arith.constant 0 : i32
      %dma_wait3A_48 = arith.constant 0 : i32
      %dma_wait3A_49 = tpu.memref_slice %arg7[%dma_wait3A_47, %dma_wait3A_48] : memref<10240x128xf32, #tpu.memory_space<vmem_shared>> -> memref<10240x128xf32, #tpu.memory_space<vmem_shared>>
      tpu.wait_indirect_dma semaphore(%arg8 : memref<!tpu.dma_semaphore, #tpu.memory_space<semaphore_mem>>) src(%arg5 : memref<128x128xf32, #tpu.memory_space<vmem>>) dst(%dma_wait3A_49 : memref<10240x128xf32, #tpu.memory_space<vmem_shared>>)
      %scan3A_50 = arith.constant 0 : i32
      scf.yield %scan3A_50 : i32
    }
    %scan3A_36 = arith.constant 80 : i32
    %barrier3A_37 = arith.constant 0 : index
    tpu.barrier barrier_id(%barrier3A_37)
    %mul3A_38 = arith.constant 640 : i32
    %mul3A_39 = arith.muli %arg1, %mul3A_38 : i32
    %mul3A_40 = arith.constant 640 : i32
    %mul3A_41 = arith.muli %arg1, %mul3A_40 : i32
    "tpu.region"() ({
      %run_scoped3A = tpu.sem_alloc : memref<!tpu.dma_semaphore, #tpu.memory_space<semaphore_mem>>
      %dma_start3A = arith.constant 0 : i32
      %dma_start3A_42 = tpu.memref_slice %arg3[%arg0, %mul3A_41, %dma_start3A] : memref<2x10240x128xf32, #tpu.memory_space<hbm>> -> memref<1x640x128xf32, #tpu.memory_space<hbm>>
      %dma_start3A_43 = tpu.memref_squeeze %dma_start3A_42 : memref<1x640x128xf32, #tpu.memory_space<hbm>> -> memref<640x128xf32, #tpu.memory_space<hbm>>
      %dma_start3A_44 = arith.constant 0 : i32
      %dma_start3A_45 = tpu.memref_slice %arg7[%mul3A_39, %dma_start3A_44] : memref<10240x128xf32, #tpu.memory_space<vmem_shared>> -> memref<640x128xf32, #tpu.memory_space<vmem_shared>>
      tpu.enqueue_dma source(%dma_start3A_45 : memref<640x128xf32, #tpu.memory_space<vmem_shared>>) target(%dma_start3A_43 : memref<640x128xf32, #tpu.memory_space<hbm>>) target_semaphore(%run_scoped3A : memref<!tpu.dma_semaphore, #tpu.memory_space<semaphore_mem>>)
      %dma_wait3A = arith.constant 0 : i32
      %dma_wait3A_46 = tpu.memref_slice %arg3[%arg0, %mul3A_41, %dma_wait3A] : memref<2x10240x128xf32, #tpu.memory_space<hbm>> -> memref<1x640x128xf32, #tpu.memory_space<hbm>>
      %dma_wait3A_47 = tpu.memref_squeeze %dma_wait3A_46 : memref<1x640x128xf32, #tpu.memory_space<hbm>> -> memref<640x128xf32, #tpu.memory_space<hbm>>
      %dma_wait3A_48 = arith.constant 0 : i32
      %dma_wait3A_49 = tpu.memref_slice %arg7[%mul3A_39, %dma_wait3A_48] : memref<10240x128xf32, #tpu.memory_space<vmem_shared>> -> memref<640x128xf32, #tpu.memory_space<vmem_shared>>
      tpu.wait_dma2 semaphore(%run_scoped3A : memref<!tpu.dma_semaphore, #tpu.memory_space<semaphore_mem>>) src(%dma_wait3A_49 : memref<640x128xf32, #tpu.memory_space<vmem_shared>>) dst(%dma_wait3A_47 : memref<640x128xf32, #tpu.memory_space<hbm>>)
      tpu.yield
    }) : () -> ()
    return
  }
}

#map = affine_map<(d0, d1) -> (0, 0)>
#map1 = affine_map<(d0, d1) -> (0, 0, 0)>
module attributes {stable_mosaic.version = 14 : i64} {
  func.func @_sc_agg(%arg0: i32, %arg1: i32, %arg2: memref<10000x128xf32, #tpu.memory_space<hbm>>, %arg3: memref<2560x128xi32, #tpu.memory_space<hbm>>, %arg4: memref<2560x128xi32, #tpu.memory_space<hbm>>, %arg5: memref<2x10240x128xf32, #tpu.memory_space<hbm>>, %arg6: memref<8x128xi32, #tpu.memory_space<vmem>>, %arg7: memref<8x128xi32, #tpu.memory_space<vmem>>, %arg8: memref<8x128xi32, #tpu.memory_space<vmem>>, %arg9: memref<8x128xi32, #tpu.memory_space<vmem>>, %arg10: memref<128x128xf32, #tpu.memory_space<vmem>>, %arg11: memref<128x128xf32, #tpu.memory_space<vmem>>, %arg12: memref<10240x128xf32, #tpu.memory_space<vmem_shared>>, %arg13: memref<!tpu.dma_semaphore, #tpu.memory_space<semaphore_mem>>, %arg14: memref<!tpu.dma_semaphore, #tpu.memory_space<semaphore_mem>>, %arg15: memref<!tpu.dma_semaphore, #tpu.memory_space<semaphore_mem>>, %arg16: memref<!tpu.dma_semaphore, #tpu.memory_space<semaphore_mem>>) attributes {dimension_semantics = [#tpu.dimension_semantics<core_parallel>, #tpu.dimension_semantics<subcore_parallel>], iteration_bounds = array<i64: 2, 16>, scalar_prefetch = 0 : i64, scratch_operands = 11 : i64, tpu.core_type = #tpu.core_type<sc_vector_subcore>, window_params = [{transform_indices = #map}, {transform_indices = #map}, {transform_indices = #map}, {transform_indices = #map1}]} {
    %scan3A = arith.constant 0 : i32
    %scan3A_0 = arith.constant 0 : i32
    %scan3A_1 = arith.constant 1024 : i32
    %scan3A_2 = arith.addi %scan3A_0, %scan3A_1 : i32
    %scan3A_3 = arith.constant 1 : i32
    %scan3A_4 = scf.for %scan3A_48 = %scan3A_0 to %scan3A_2 step %scan3A_3 iter_args(%scan3A_49 = %scan3A) -> (i32)  : i32 {
      %broadcast_in_dim3A = arith.constant 0.000000e+00 : f32
      %broadcast_in_dim3A_50 = vector.broadcast %broadcast_in_dim3A : f32 to vector<16xf32>
      %jit3A = arith.constant 8 : i32
      %div3A = arith.divsi %scan3A_48, %jit3A : i32
      %sign3A = arith.constant 0 : i32
      %sign3A_51 = arith.cmpi sgt, %scan3A_48, %sign3A : i32
      %sign3A_52 = arith.extui %sign3A_51 : i1 to i32
      %sign3A_53 = arith.constant 0 : i32
      %sign3A_54 = arith.cmpi slt, %scan3A_48, %sign3A_53 : i32
      %sign3A_55 = arith.extui %sign3A_54 : i1 to i32
      %sign3A_56 = arith.subi %sign3A_52, %sign3A_55 : i32
      %sign3A_57 = arith.constant 0 : i32
      %sign3A_58 = arith.cmpi sgt, %jit3A, %sign3A_57 : i32
      %sign3A_59 = arith.extui %sign3A_58 : i1 to i32
      %sign3A_60 = arith.constant 0 : i32
      %sign3A_61 = arith.cmpi slt, %jit3A, %sign3A_60 : i32
      %sign3A_62 = arith.extui %sign3A_61 : i1 to i32
      %sign3A_63 = arith.subi %sign3A_59, %sign3A_62 : i32
      %ne3A = arith.cmpi ne, %sign3A_56, %sign3A_63 : i32
      %rem3A = arith.remsi %scan3A_48, %jit3A : i32
      %ne3A_64 = arith.constant 0 : i32
      %ne3A_65 = arith.cmpi ne, %rem3A, %ne3A_64 : i32
      %and3A = arith.andi %ne3A, %ne3A_65 : i1
      %sub3A = arith.constant 1 : i32
      %sub3A_66 = arith.subi %div3A, %sub3A : i32
      %select_n3A = arith.select %and3A, %sub3A_66, %div3A : i32
      %jit3A_67 = arith.constant 8 : i32
      %eq3A = arith.constant 0 : i32
      %eq3A_68 = arith.cmpi eq, %jit3A_67, %eq3A : i32
      %jit3A_69 = arith.constant 1 : i32
      %select_n3A_70 = arith.select %eq3A_68, %jit3A_69, %jit3A_67 : i32
      %rem3A_71 = arith.remsi %scan3A_48, %select_n3A_70 : i32
      %ne3A_72 = arith.constant 0 : i32
      %ne3A_73 = arith.cmpi ne, %rem3A_71, %ne3A_72 : i32
      %lt3A = arith.constant 0 : i32
      %lt3A_74 = arith.cmpi slt, %rem3A_71, %lt3A : i32
      %lt3A_75 = arith.constant 0 : i32
      %lt3A_76 = arith.cmpi slt, %select_n3A_70, %lt3A_75 : i32
      %ne3A_77 = arith.xori %lt3A_74, %lt3A_76 : i1
      %and3A_78 = arith.andi %ne3A_77, %ne3A_73 : i1
      %add3A_79 = arith.addi %rem3A_71, %select_n3A_70 : i32
      %select_n3A_80 = arith.select %and3A_78, %add3A_79, %rem3A_71 : i32
      %mul3A_81 = arith.constant 16 : i32
      %mul3A_82 = arith.muli %select_n3A_80, %mul3A_81 : i32
      %swap3A = arith.index_cast %select_n3A : i32 to index
      %swap3A_83 = arith.index_cast %mul3A_82 : i32 to index
      %swap3A_84 = tpu.vector_load %arg10[%swap3A, %swap3A_83] {strides = array<i32>} : memref<128x128xf32, #tpu.memory_space<vmem>>, vector<1x16xf32>,
      %swap3A_85 = vector.shape_cast %swap3A_84 : vector<1x16xf32> to vector<16xf32>
      %swap3A_86 = vector.shape_cast %broadcast_in_dim3A_50 : vector<16xf32> to vector<1x16xf32>
      tpu.vector_store %arg10[%swap3A, %swap3A_83], %swap3A_86 {strides = array<i32>} : memref<128x128xf32, #tpu.memory_space<vmem>>, vector<1x16xf32>,
      %scan3A_87 = arith.constant 0 : i32
      scf.yield %scan3A_87 : i32
    }
    %scan3A_5 = arith.constant 1024 : i32
    %scan3A_6 = arith.constant 0 : i32
    %scan3A_7 = arith.constant 0 : i32
    %scan3A_8 = arith.constant 5 : i32
    %scan3A_9 = arith.addi %scan3A_7, %scan3A_8 : i32
    %scan3A_10 = arith.constant 1 : i32
    %scan3A_11 = scf.for %scan3A_48 = %scan3A_7 to %scan3A_9 step %scan3A_10 iter_args(%scan3A_49 = %scan3A_6) -> (i32)  : i32 {
      %mul3A_50 = arith.constant 640 : i32
      %mul3A_51 = arith.muli %arg1, %mul3A_50 : i32
      %mul3A_52 = arith.constant 128 : i32
      %mul3A_53 = arith.muli %scan3A_48, %mul3A_52 : i32
      %add3A_54 = arith.addi %mul3A_51, %mul3A_53 : i32
      "tpu.region"() ({
        %run_scoped3A = tpu.sem_alloc : memref<!tpu.dma_semaphore, #tpu.memory_space<semaphore_mem>>
        %dma_start3A_56 = arith.constant 0 : i32
        %dma_start3A_57 = tpu.memref_slice %arg12[%add3A_54, %dma_start3A_56] : memref<10240x128xf32, #tpu.memory_space<vmem_shared>> -> memref<128x128xf32, #tpu.memory_space<vmem_shared>>
        %dma_start3A_58 = arith.constant 0 : i32
        %dma_start3A_59 = tpu.memref_slice %arg12[%add3A_54, %dma_start3A_58] : memref<10240x128xf32, #tpu.memory_space<vmem_shared>> -> memref<128x128xf32, #tpu.memory_space<vmem_shared>>
        tpu.enqueue_dma source(%arg10 : memref<128x128xf32, #tpu.memory_space<vmem>>) target(%dma_start3A_59 : memref<128x128xf32, #tpu.memory_space<vmem_shared>>) target_semaphore(%run_scoped3A : memref<!tpu.dma_semaphore, #tpu.memory_space<semaphore_mem>>)
        %dma_wait3A = arith.constant 0 : i32
        %dma_wait3A_60 = tpu.memref_slice %arg12[%add3A_54, %dma_wait3A] : memref<10240x128xf32, #tpu.memory_space<vmem_shared>> -> memref<128x128xf32, #tpu.memory_space<vmem_shared>>
        %dma_wait3A_61 = arith.constant 0 : i32
        %dma_wait3A_62 = tpu.memref_slice %arg12[%add3A_54, %dma_wait3A_61] : memref<10240x128xf32, #tpu.memory_space<vmem_shared>> -> memref<128x128xf32, #tpu.memory_space<vmem_shared>>
        tpu.wait_dma2 semaphore(%run_scoped3A : memref<!tpu.dma_semaphore, #tpu.memory_space<semaphore_mem>>) src(%arg10 : memref<128x128xf32, #tpu.memory_space<vmem>>) dst(%dma_wait3A_62 : memref<128x128xf32, #tpu.memory_space<vmem_shared>>)
        tpu.yield
      }) : () -> ()
      %scan3A_55 = arith.constant 0 : i32
      scf.yield %scan3A_55 : i32
    }
    %scan3A_12 = arith.constant 5 : i32
    %mul3A = arith.constant 16 : i32
    %mul3A_13 = arith.muli %arg0, %mul3A : i32
    %add3A = arith.addi %mul3A_13, %arg1 : i32
    %barrier3A = arith.constant 0 : index
    tpu.barrier barrier_id(%barrier3A)
    %mul3A_14 = arith.constant 80 : i32
    %mul3A_15 = arith.muli %add3A, %mul3A_14 : i32
    "tpu.region"() ({
      %run_scoped3A = tpu.sem_alloc : memref<!tpu.dma_semaphore, #tpu.memory_space<semaphore_mem>>
      %dma_start3A_48 = arith.constant 0 : i32
      %dma_start3A_49 = tpu.memref_slice %arg3[%mul3A_15, %dma_start3A_48] : memref<2560x128xi32, #tpu.memory_space<hbm>> -> memref<8x128xi32, #tpu.memory_space<hbm>>
      %dma_start3A_50 = arith.constant 0 : i32
      %dma_start3A_51 = tpu.memref_slice %arg3[%mul3A_15, %dma_start3A_50] : memref<2560x128xi32, #tpu.memory_space<hbm>> -> memref<8x128xi32, #tpu.memory_space<hbm>>
      tpu.enqueue_dma source(%dma_start3A_51 : memref<8x128xi32, #tpu.memory_space<hbm>>) target(%arg6 : memref<8x128xi32, #tpu.memory_space<vmem>>) target_semaphore(%run_scoped3A : memref<!tpu.dma_semaphore, #tpu.memory_space<semaphore_mem>>)
      %dma_wait3A = arith.constant 0 : i32
      %dma_wait3A_52 = tpu.memref_slice %arg3[%mul3A_15, %dma_wait3A] : memref<2560x128xi32, #tpu.memory_space<hbm>> -> memref<8x128xi32, #tpu.memory_space<hbm>>
      %dma_wait3A_53 = arith.constant 0 : i32
      %dma_wait3A_54 = tpu.memref_slice %arg3[%mul3A_15, %dma_wait3A_53] : memref<2560x128xi32, #tpu.memory_space<hbm>> -> memref<8x128xi32, #tpu.memory_space<hbm>>
      tpu.wait_dma2 semaphore(%run_scoped3A : memref<!tpu.dma_semaphore, #tpu.memory_space<semaphore_mem>>) src(%dma_wait3A_54 : memref<8x128xi32, #tpu.memory_space<hbm>>) dst(%arg6 : memref<8x128xi32, #tpu.memory_space<vmem>>)
      tpu.yield
    }) : () -> ()
    %mul3A_16 = arith.constant 80 : i32
    %mul3A_17 = arith.muli %add3A, %mul3A_16 : i32
    "tpu.region"() ({
      %run_scoped3A = tpu.sem_alloc : memref<!tpu.dma_semaphore, #tpu.memory_space<semaphore_mem>>
      %dma_start3A_48 = arith.constant 0 : i32
      %dma_start3A_49 = tpu.memref_slice %arg4[%mul3A_17, %dma_start3A_48] : memref<2560x128xi32, #tpu.memory_space<hbm>> -> memref<8x128xi32, #tpu.memory_space<hbm>>
      %dma_start3A_50 = arith.constant 0 : i32
      %dma_start3A_51 = tpu.memref_slice %arg4[%mul3A_17, %dma_start3A_50] : memref<2560x128xi32, #tpu.memory_space<hbm>> -> memref<8x128xi32, #tpu.memory_space<hbm>>
      tpu.enqueue_dma source(%dma_start3A_51 : memref<8x128xi32, #tpu.memory_space<hbm>>) target(%arg8 : memref<8x128xi32, #tpu.memory_space<vmem>>) target_semaphore(%run_scoped3A : memref<!tpu.dma_semaphore, #tpu.memory_space<semaphore_mem>>)
      %dma_wait3A = arith.constant 0 : i32
      %dma_wait3A_52 = tpu.memref_slice %arg4[%mul3A_17, %dma_wait3A] : memref<2560x128xi32, #tpu.memory_space<hbm>> -> memref<8x128xi32, #tpu.memory_space<hbm>>
      %dma_wait3A_53 = arith.constant 0 : i32
      %dma_wait3A_54 = tpu.memref_slice %arg4[%mul3A_17, %dma_wait3A_53] : memref<2560x128xi32, #tpu.memory_space<hbm>> -> memref<8x128xi32, #tpu.memory_space<hbm>>
      tpu.wait_dma2 semaphore(%run_scoped3A : memref<!tpu.dma_semaphore, #tpu.memory_space<semaphore_mem>>) src(%dma_wait3A_54 : memref<8x128xi32, #tpu.memory_space<hbm>>) dst(%arg8 : memref<8x128xi32, #tpu.memory_space<vmem>>)
      tpu.yield
    }) : () -> ()
    %mul3A_18 = arith.constant 80 : i32
    %mul3A_19 = arith.muli %add3A, %mul3A_18 : i32
    %add3A_20 = arith.constant 8 : i32
    %add3A_21 = arith.addi %mul3A_19, %add3A_20 : i32
    %dma_start3A = arith.constant 0 : i32
    %dma_start3A_22 = tpu.memref_slice %arg3[%add3A_21, %dma_start3A] : memref<2560x128xi32, #tpu.memory_space<hbm>> -> memref<8x128xi32, #tpu.memory_space<hbm>>
    %dma_start3A_23 = arith.constant 0 : i32
    %dma_start3A_24 = tpu.memref_slice %arg3[%add3A_21, %dma_start3A_23] : memref<2560x128xi32, #tpu.memory_space<hbm>> -> memref<8x128xi32, #tpu.memory_space<hbm>>
    tpu.enqueue_dma source(%dma_start3A_24 : memref<8x128xi32, #tpu.memory_space<hbm>>) target(%arg7 : memref<8x128xi32, #tpu.memory_space<vmem>>) target_semaphore(%arg16 : memref<!tpu.dma_semaphore, #tpu.memory_space<semaphore_mem>>)
    %dma_start3A_25 = arith.constant 0 : i32
    %dma_start3A_26 = tpu.memref_slice %arg4[%add3A_21, %dma_start3A_25] : memref<2560x128xi32, #tpu.memory_space<hbm>> -> memref<8x128xi32, #tpu.memory_space<hbm>>
    %dma_start3A_27 = arith.constant 0 : i32
    %dma_start3A_28 = tpu.memref_slice %arg4[%add3A_21, %dma_start3A_27] : memref<2560x128xi32, #tpu.memory_space<hbm>> -> memref<8x128xi32, #tpu.memory_space<hbm>>
    tpu.enqueue_dma source(%dma_start3A_28 : memref<8x128xi32, #tpu.memory_space<hbm>>) target(%arg9 : memref<8x128xi32, #tpu.memory_space<vmem>>) target_semaphore(%arg16 : memref<!tpu.dma_semaphore, #tpu.memory_space<semaphore_mem>>)
    %dma_start3A_29 = arith.constant 0 : i32
    %dma_start3A_30 = arith.constant 0 : i32
    %dma_start3A_31 = tpu.memref_slice %arg6[%dma_start3A_29, %dma_start3A_30] : memref<8x128xi32, #tpu.memory_space<vmem>> -> memref<1x128xi32, #tpu.memory_space<vmem>>
    %dma_start3A_32 = tpu.memref_squeeze %dma_start3A_31 : memref<1x128xi32, #tpu.memory_space<vmem>> -> memref<128xi32, #tpu.memory_space<vmem>>
    %dma_start3A_33 = arith.constant 0 : i32
    %dma_start3A_34 = arith.constant 0 : i32
    %dma_start3A_35 = tpu.memref_slice %arg2[%dma_start3A_33, %dma_start3A_34] : memref<10000x128xf32, #tpu.memory_space<hbm>> -> memref<10000x128xf32, #tpu.memory_space<hbm>>
    tpu.enqueue_indirect_dma source(%dma_start3A_35 : memref<10000x128xf32, #tpu.memory_space<hbm>>) target(%arg10 : memref<128x128xf32, #tpu.memory_space<vmem>>) offsets(%dma_start3A_32 : memref<128xi32, #tpu.memory_space<vmem>>) semaphore(%arg13 : memref<!tpu.dma_semaphore, #tpu.memory_space<semaphore_mem>>)
    %scan3A_36 = arith.constant 0 : i32
    %scan3A_37 = arith.constant 0 : i32
    %scan3A_38 = arith.constant 5 : i32
    %scan3A_39 = arith.addi %scan3A_37, %scan3A_38 : i32
    %scan3A_40 = arith.constant 1 : i32
    %scan3A_41 = scf.for %scan3A_48 = %scan3A_37 to %scan3A_39 step %scan3A_40 iter_args(%scan3A_49 = %scan3A_36) -> (i32)  : i32 {
      %mul3A_50 = arith.constant 2 : i32
      %mul3A_51 = arith.muli %mul3A_50, %scan3A_48 : i32
      %gt3A = arith.constant 0 : i32
      %gt3A_52 = arith.cmpi sgt, %scan3A_48, %gt3A : i32
      %convert_element_type3A = arith.extui %gt3A_52 : i1 to i32
      %cond3A = arith.constant 0 : i32
      %cond3A_53 = arith.cmpi ne, %convert_element_type3A, %cond3A : i32
      scf.if %cond3A_53 {
        %dma_wait3A_307 = arith.constant 0 : i32
        %dma_wait3A_308 = arith.constant 0 : i32
        %dma_wait3A_309 = tpu.memref_slice %arg3[%dma_wait3A_307, %dma_wait3A_308] : memref<2560x128xi32, #tpu.memory_space<hbm>> -> memref<8x128xi32, #tpu.memory_space<hbm>>
        %dma_wait3A_310 = arith.constant 0 : i32
        %dma_wait3A_311 = arith.constant 0 : i32
        %dma_wait3A_312 = tpu.memref_slice %arg3[%dma_wait3A_310, %dma_wait3A_311] : memref<2560x128xi32, #tpu.memory_space<hbm>> -> memref<8x128xi32, #tpu.memory_space<hbm>>
        tpu.wait_dma2 semaphore(%arg15 : memref<!tpu.dma_semaphore, #tpu.memory_space<semaphore_mem>>) src(%dma_wait3A_312 : memref<8x128xi32, #tpu.memory_space<hbm>>) dst(%arg6 : memref<8x128xi32, #tpu.memory_space<vmem>>)
        %dma_wait3A_313 = arith.constant 0 : i32
        %dma_wait3A_314 = arith.constant 0 : i32
        %dma_wait3A_315 = tpu.memref_slice %arg4[%dma_wait3A_313, %dma_wait3A_314] : memref<2560x128xi32, #tpu.memory_space<hbm>> -> memref<8x128xi32, #tpu.memory_space<hbm>>
        %dma_wait3A_316 = arith.constant 0 : i32
        %dma_wait3A_317 = arith.constant 0 : i32
        %dma_wait3A_318 = tpu.memref_slice %arg4[%dma_wait3A_316, %dma_wait3A_317] : memref<2560x128xi32, #tpu.memory_space<hbm>> -> memref<8x128xi32, #tpu.memory_space<hbm>>
        tpu.wait_dma2 semaphore(%arg15 : memref<!tpu.dma_semaphore, #tpu.memory_space<semaphore_mem>>) src(%dma_wait3A_318 : memref<8x128xi32, #tpu.memory_space<hbm>>) dst(%arg8 : memref<8x128xi32, #tpu.memory_space<vmem>>)
        %dma_start3A_319 = arith.constant 0 : i32
        %dma_start3A_320 = arith.constant 0 : i32
        %dma_start3A_321 = tpu.memref_slice %arg6[%dma_start3A_319, %dma_start3A_320] : memref<8x128xi32, #tpu.memory_space<vmem>> -> memref<1x128xi32, #tpu.memory_space<vmem>>
        %dma_start3A_322 = tpu.memref_squeeze %dma_start3A_321 : memref<1x128xi32, #tpu.memory_space<vmem>> -> memref<128xi32, #tpu.memory_space<vmem>>
        %dma_start3A_323 = arith.constant 0 : i32
        %dma_start3A_324 = arith.constant 0 : i32
        %dma_start3A_325 = tpu.memref_slice %arg2[%dma_start3A_323, %dma_start3A_324] : memref<10000x128xf32, #tpu.memory_space<hbm>> -> memref<10000x128xf32, #tpu.memory_space<hbm>>
        tpu.enqueue_indirect_dma source(%dma_start3A_325 : memref<10000x128xf32, #tpu.memory_space<hbm>>) target(%arg10 : memref<128x128xf32, #tpu.memory_space<vmem>>) offsets(%dma_start3A_322 : memref<128xi32, #tpu.memory_space<vmem>>) semaphore(%arg13 : memref<!tpu.dma_semaphore, #tpu.memory_space<semaphore_mem>>)
      } else {
      }
      %dma_wait3A = arith.constant 0 : i32
      %dma_wait3A_54 = arith.constant 0 : i32
      %dma_wait3A_55 = tpu.memref_slice %arg3[%dma_wait3A, %dma_wait3A_54] : memref<2560x128xi32, #tpu.memory_space<hbm>> -> memref<8x128xi32, #tpu.memory_space<hbm>>
      %dma_wait3A_56 = arith.constant 0 : i32
      %dma_wait3A_57 = arith.constant 0 : i32
      %dma_wait3A_58 = tpu.memref_slice %arg3[%dma_wait3A_56, %dma_wait3A_57] : memref<2560x128xi32, #tpu.memory_space<hbm>> -> memref<8x128xi32, #tpu.memory_space<hbm>>
      tpu.wait_dma2 semaphore(%arg16 : memref<!tpu.dma_semaphore, #tpu.memory_space<semaphore_mem>>) src(%dma_wait3A_58 : memref<8x128xi32, #tpu.memory_space<hbm>>) dst(%arg7 : memref<8x128xi32, #tpu.memory_space<vmem>>)
      %dma_wait3A_59 = arith.constant 0 : i32
      %dma_wait3A_60 = arith.constant 0 : i32
      %dma_wait3A_61 = tpu.memref_slice %arg4[%dma_wait3A_59, %dma_wait3A_60] : memref<2560x128xi32, #tpu.memory_space<hbm>> -> memref<8x128xi32, #tpu.memory_space<hbm>>
      %dma_wait3A_62 = arith.constant 0 : i32
      %dma_wait3A_63 = arith.constant 0 : i32
      %dma_wait3A_64 = tpu.memref_slice %arg4[%dma_wait3A_62, %dma_wait3A_63] : memref<2560x128xi32, #tpu.memory_space<hbm>> -> memref<8x128xi32, #tpu.memory_space<hbm>>
      tpu.wait_dma2 semaphore(%arg16 : memref<!tpu.dma_semaphore, #tpu.memory_space<semaphore_mem>>) src(%dma_wait3A_64 : memref<8x128xi32, #tpu.memory_space<hbm>>) dst(%arg9 : memref<8x128xi32, #tpu.memory_space<vmem>>)
      %dma_start3A_65 = arith.constant 1 : i32
      %dma_start3A_66 = arith.constant 0 : i32
      %dma_start3A_67 = tpu.memref_slice %arg6[%dma_start3A_65, %dma_start3A_66] : memref<8x128xi32, #tpu.memory_space<vmem>> -> memref<1x128xi32, #tpu.memory_space<vmem>>
      %dma_start3A_68 = tpu.memref_squeeze %dma_start3A_67 : memref<1x128xi32, #tpu.memory_space<vmem>> -> memref<128xi32, #tpu.memory_space<vmem>>
      %dma_start3A_69 = arith.constant 0 : i32
      %dma_start3A_70 = arith.constant 0 : i32
      %dma_start3A_71 = tpu.memref_slice %arg2[%dma_start3A_69, %dma_start3A_70] : memref<10000x128xf32, #tpu.memory_space<hbm>> -> memref<10000x128xf32, #tpu.memory_space<hbm>>
      tpu.enqueue_indirect_dma source(%dma_start3A_71 : memref<10000x128xf32, #tpu.memory_space<hbm>>) target(%arg11 : memref<128x128xf32, #tpu.memory_space<vmem>>) offsets(%dma_start3A_68 : memref<128xi32, #tpu.memory_space<vmem>>) semaphore(%arg14 : memref<!tpu.dma_semaphore, #tpu.memory_space<semaphore_mem>>)
      %dma_wait3A_72 = arith.constant 0 : i32
      %dma_wait3A_73 = arith.constant 0 : i32
      %dma_wait3A_74 = tpu.memref_slice %arg6[%dma_wait3A_72, %dma_wait3A_73] : memref<8x128xi32, #tpu.memory_space<vmem>> -> memref<1x128xi32, #tpu.memory_space<vmem>>
      %dma_wait3A_75 = tpu.memref_squeeze %dma_wait3A_74 : memref<1x128xi32, #tpu.memory_space<vmem>> -> memref<128xi32, #tpu.memory_space<vmem>>
      %dma_wait3A_76 = arith.constant 0 : i32
      %dma_wait3A_77 = arith.constant 0 : i32
      %dma_wait3A_78 = tpu.memref_slice %arg2[%dma_wait3A_76, %dma_wait3A_77] : memref<10000x128xf32, #tpu.memory_space<hbm>> -> memref<10000x128xf32, #tpu.memory_space<hbm>>
      tpu.wait_indirect_dma semaphore(%arg13 : memref<!tpu.dma_semaphore, #tpu.memory_space<semaphore_mem>>) src(%dma_wait3A_78 : memref<10000x128xf32, #tpu.memory_space<hbm>>) dst(%arg10 : memref<128x128xf32, #tpu.memory_space<vmem>>)
      %run_scoped3A = arith.constant 0 : i32
      "tpu.region"() ({
        %run_scoped3A_307 = tpu.sem_alloc : memref<!tpu.dma_semaphore, #tpu.memory_space<semaphore_mem>>
        %dma_start3A_308 = arith.constant 0 : i32
        %dma_start3A_309 = tpu.memref_slice %arg8[%run_scoped3A, %dma_start3A_308] : memref<8x128xi32, #tpu.memory_space<vmem>> -> memref<1x128xi32, #tpu.memory_space<vmem>>
        %dma_start3A_310 = tpu.memref_squeeze %dma_start3A_309 : memref<1x128xi32, #tpu.memory_space<vmem>> -> memref<128xi32, #tpu.memory_space<vmem>>
        %dma_start3A_311 = arith.constant 0 : i32
        %dma_start3A_312 = arith.constant 0 : i32
        %dma_start3A_313 = tpu.memref_slice %arg12[%dma_start3A_311, %dma_start3A_312] : memref<10240x128xf32, #tpu.memory_space<vmem_shared>> -> memref<10240x128xf32, #tpu.memory_space<vmem_shared>>
        tpu.enqueue_indirect_dma source(%arg10 : memref<128x128xf32, #tpu.memory_space<vmem>>) target(%dma_start3A_313 : memref<10240x128xf32, #tpu.memory_space<vmem_shared>>) offsets(%dma_start3A_310 : memref<128xi32, #tpu.memory_space<vmem>>) semaphore(%run_scoped3A_307 : memref<!tpu.dma_semaphore, #tpu.memory_space<semaphore_mem>>) {add = true}
        %dma_wait3A_314 = arith.constant 0 : i32
        %dma_wait3A_315 = tpu.memref_slice %arg8[%run_scoped3A, %dma_wait3A_314] : memref<8x128xi32, #tpu.memory_space<vmem>> -> memref<1x128xi32, #tpu.memory_space<vmem>>
        %dma_wait3A_316 = tpu.memref_squeeze %dma_wait3A_315 : memref<1x128xi32, #tpu.memory_space<vmem>> -> memref<128xi32, #tpu.memory_space<vmem>>
        %dma_wait3A_317 = arith.constant 0 : i32
        %dma_wait3A_318 = arith.constant 0 : i32
        %dma_wait3A_319 = tpu.memref_slice %arg12[%dma_wait3A_317, %dma_wait3A_318] : memref<10240x128xf32, #tpu.memory_space<vmem_shared>> -> memref<10240x128xf32, #tpu.memory_space<vmem_shared>>
        tpu.wait_indirect_dma semaphore(%run_scoped3A_307 : memref<!tpu.dma_semaphore, #tpu.memory_space<semaphore_mem>>) src(%arg10 : memref<128x128xf32, #tpu.memory_space<vmem>>) dst(%dma_wait3A_319 : memref<10240x128xf32, #tpu.memory_space<vmem_shared>>)
        tpu.yield
      }) : () -> ()
      %dma_start3A_79 = arith.constant 2 : i32
      %dma_start3A_80 = arith.constant 0 : i32
      %dma_start3A_81 = tpu.memref_slice %arg6[%dma_start3A_79, %dma_start3A_80] : memref<8x128xi32, #tpu.memory_space<vmem>> -> memref<1x128xi32, #tpu.memory_space<vmem>>
      %dma_start3A_82 = tpu.memref_squeeze %dma_start3A_81 : memref<1x128xi32, #tpu.memory_space<vmem>> -> memref<128xi32, #tpu.memory_space<vmem>>
      %dma_start3A_83 = arith.constant 0 : i32
      %dma_start3A_84 = arith.constant 0 : i32
      %dma_start3A_85 = tpu.memref_slice %arg2[%dma_start3A_83, %dma_start3A_84] : memref<10000x128xf32, #tpu.memory_space<hbm>> -> memref<10000x128xf32, #tpu.memory_space<hbm>>
      tpu.enqueue_indirect_dma source(%dma_start3A_85 : memref<10000x128xf32, #tpu.memory_space<hbm>>) target(%arg10 : memref<128x128xf32, #tpu.memory_space<vmem>>) offsets(%dma_start3A_82 : memref<128xi32, #tpu.memory_space<vmem>>) semaphore(%arg13 : memref<!tpu.dma_semaphore, #tpu.memory_space<semaphore_mem>>)
      %dma_wait3A_86 = arith.constant 1 : i32
      %dma_wait3A_87 = arith.constant 0 : i32
      %dma_wait3A_88 = tpu.memref_slice %arg6[%dma_wait3A_86, %dma_wait3A_87] : memref<8x128xi32, #tpu.memory_space<vmem>> -> memref<1x128xi32, #tpu.memory_space<vmem>>
      %dma_wait3A_89 = tpu.memref_squeeze %dma_wait3A_88 : memref<1x128xi32, #tpu.memory_space<vmem>> -> memref<128xi32, #tpu.memory_space<vmem>>
      %dma_wait3A_90 = arith.constant 0 : i32
      %dma_wait3A_91 = arith.constant 0 : i32
      %dma_wait3A_92 = tpu.memref_slice %arg2[%dma_wait3A_90, %dma_wait3A_91] : memref<10000x128xf32, #tpu.memory_space<hbm>> -> memref<10000x128xf32, #tpu.memory_space<hbm>>
      tpu.wait_indirect_dma semaphore(%arg14 : memref<!tpu.dma_semaphore, #tpu.memory_space<semaphore_mem>>) src(%dma_wait3A_92 : memref<10000x128xf32, #tpu.memory_space<hbm>>) dst(%arg11 : memref<128x128xf32, #tpu.memory_space<vmem>>)
      %run_scoped3A_93 = arith.constant 1 : i32
      "tpu.region"() ({
        %run_scoped3A_307 = tpu.sem_alloc : memref<!tpu.dma_semaphore, #tpu.memory_space<semaphore_mem>>
        %dma_start3A_308 = arith.constant 0 : i32
        %dma_start3A_309 = tpu.memref_slice %arg8[%run_scoped3A_93, %dma_start3A_308] : memref<8x128xi32, #tpu.memory_space<vmem>> -> memref<1x128xi32, #tpu.memory_space<vmem>>
        %dma_start3A_310 = tpu.memref_squeeze %dma_start3A_309 : memref<1x128xi32, #tpu.memory_space<vmem>> -> memref<128xi32, #tpu.memory_space<vmem>>
        %dma_start3A_311 = arith.constant 0 : i32
        %dma_start3A_312 = arith.constant 0 : i32
        %dma_start3A_313 = tpu.memref_slice %arg12[%dma_start3A_311, %dma_start3A_312] : memref<10240x128xf32, #tpu.memory_space<vmem_shared>> -> memref<10240x128xf32, #tpu.memory_space<vmem_shared>>
        tpu.enqueue_indirect_dma source(%arg11 : memref<128x128xf32, #tpu.memory_space<vmem>>) target(%dma_start3A_313 : memref<10240x128xf32, #tpu.memory_space<vmem_shared>>) offsets(%dma_start3A_310 : memref<128xi32, #tpu.memory_space<vmem>>) semaphore(%run_scoped3A_307 : memref<!tpu.dma_semaphore, #tpu.memory_space<semaphore_mem>>) {add = true}
        %dma_wait3A_314 = arith.constant 0 : i32
        %dma_wait3A_315 = tpu.memref_slice %arg8[%run_scoped3A_93, %dma_wait3A_314] : memref<8x128xi32, #tpu.memory_space<vmem>> -> memref<1x128xi32, #tpu.memory_space<vmem>>
        %dma_wait3A_316 = tpu.memref_squeeze %dma_wait3A_315 : memref<1x128xi32, #tpu.memory_space<vmem>> -> memref<128xi32, #tpu.memory_space<vmem>>
        %dma_wait3A_317 = arith.constant 0 : i32
        %dma_wait3A_318 = arith.constant 0 : i32
        %dma_wait3A_319 = tpu.memref_slice %arg12[%dma_wait3A_317, %dma_wait3A_318] : memref<10240x128xf32, #tpu.memory_space<vmem_shared>> -> memref<10240x128xf32, #tpu.memory_space<vmem_shared>>
        tpu.wait_indirect_dma semaphore(%run_scoped3A_307 : memref<!tpu.dma_semaphore, #tpu.memory_space<semaphore_mem>>) src(%arg11 : memref<128x128xf32, #tpu.memory_space<vmem>>) dst(%dma_wait3A_319 : memref<10240x128xf32, #tpu.memory_space<vmem_shared>>)
        tpu.yield
      }) : () -> ()
      %dma_start3A_94 = arith.constant 3 : i32
      %dma_start3A_95 = arith.constant 0 : i32
      %dma_start3A_96 = tpu.memref_slice %arg6[%dma_start3A_94, %dma_start3A_95] : memref<8x128xi32, #tpu.memory_space<vmem>> -> memref<1x128xi32, #tpu.memory_space<vmem>>
      %dma_start3A_97 = tpu.memref_squeeze %dma_start3A_96 : memref<1x128xi32, #tpu.memory_space<vmem>> -> memref<128xi32, #tpu.memory_space<vmem>>
      %dma_start3A_98 = arith.constant 0 : i32
      %dma_start3A_99 = arith.constant 0 : i32
      %dma_start3A_100 = tpu.memref_slice %arg2[%dma_start3A_98, %dma_start3A_99] : memref<10000x128xf32, #tpu.memory_space<hbm>> -> memref<10000x128xf32, #tpu.memory_space<hbm>>
      tpu.enqueue_indirect_dma source(%dma_start3A_100 : memref<10000x128xf32, #tpu.memory_space<hbm>>) target(%arg11 : memref<128x128xf32, #tpu.memory_space<vmem>>) offsets(%dma_start3A_97 : memref<128xi32, #tpu.memory_space<vmem>>) semaphore(%arg14 : memref<!tpu.dma_semaphore, #tpu.memory_space<semaphore_mem>>)
      %dma_wait3A_101 = arith.constant 2 : i32
      %dma_wait3A_102 = arith.constant 0 : i32
      %dma_wait3A_103 = tpu.memref_slice %arg6[%dma_wait3A_101, %dma_wait3A_102] : memref<8x128xi32, #tpu.memory_space<vmem>> -> memref<1x128xi32, #tpu.memory_space<vmem>>
      %dma_wait3A_104 = tpu.memref_squeeze %dma_wait3A_103 : memref<1x128xi32, #tpu.memory_space<vmem>> -> memref<128xi32, #tpu.memory_space<vmem>>
      %dma_wait3A_105 = arith.constant 0 : i32
      %dma_wait3A_106 = arith.constant 0 : i32
      %dma_wait3A_107 = tpu.memref_slice %arg2[%dma_wait3A_105, %dma_wait3A_106] : memref<10000x128xf32, #tpu.memory_space<hbm>> -> memref<10000x128xf32, #tpu.memory_space<hbm>>
      tpu.wait_indirect_dma semaphore(%arg13 : memref<!tpu.dma_semaphore, #tpu.memory_space<semaphore_mem>>) src(%dma_wait3A_107 : memref<10000x128xf32, #tpu.memory_space<hbm>>) dst(%arg10 : memref<128x128xf32, #tpu.memory_space<vmem>>)
      %run_scoped3A_108 = arith.constant 2 : i32
      "tpu.region"() ({
        %run_scoped3A_307 = tpu.sem_alloc : memref<!tpu.dma_semaphore, #tpu.memory_space<semaphore_mem>>
        %dma_start3A_308 = arith.constant 0 : i32
        %dma_start3A_309 = tpu.memref_slice %arg8[%run_scoped3A_108, %dma_start3A_308] : memref<8x128xi32, #tpu.memory_space<vmem>> -> memref<1x128xi32, #tpu.memory_space<vmem>>
        %dma_start3A_310 = tpu.memref_squeeze %dma_start3A_309 : memref<1x128xi32, #tpu.memory_space<vmem>> -> memref<128xi32, #tpu.memory_space<vmem>>
        %dma_start3A_311 = arith.constant 0 : i32
        %dma_start3A_312 = arith.constant 0 : i32
        %dma_start3A_313 = tpu.memref_slice %arg12[%dma_start3A_311, %dma_start3A_312] : memref<10240x128xf32, #tpu.memory_space<vmem_shared>> -> memref<10240x128xf32, #tpu.memory_space<vmem_shared>>
        tpu.enqueue_indirect_dma source(%arg10 : memref<128x128xf32, #tpu.memory_space<vmem>>) target(%dma_start3A_313 : memref<10240x128xf32, #tpu.memory_space<vmem_shared>>) offsets(%dma_start3A_310 : memref<128xi32, #tpu.memory_space<vmem>>) semaphore(%run_scoped3A_307 : memref<!tpu.dma_semaphore, #tpu.memory_space<semaphore_mem>>) {add = true}
        %dma_wait3A_314 = arith.constant 0 : i32
        %dma_wait3A_315 = tpu.memref_slice %arg8[%run_scoped3A_108, %dma_wait3A_314] : memref<8x128xi32, #tpu.memory_space<vmem>> -> memref<1x128xi32, #tpu.memory_space<vmem>>
        %dma_wait3A_316 = tpu.memref_squeeze %dma_wait3A_315 : memref<1x128xi32, #tpu.memory_space<vmem>> -> memref<128xi32, #tpu.memory_space<vmem>>
        %dma_wait3A_317 = arith.constant 0 : i32
        %dma_wait3A_318 = arith.constant 0 : i32
        %dma_wait3A_319 = tpu.memref_slice %arg12[%dma_wait3A_317, %dma_wait3A_318] : memref<10240x128xf32, #tpu.memory_space<vmem_shared>> -> memref<10240x128xf32, #tpu.memory_space<vmem_shared>>
        tpu.wait_indirect_dma semaphore(%run_scoped3A_307 : memref<!tpu.dma_semaphore, #tpu.memory_space<semaphore_mem>>) src(%arg10 : memref<128x128xf32, #tpu.memory_space<vmem>>) dst(%dma_wait3A_319 : memref<10240x128xf32, #tpu.memory_space<vmem_shared>>)
        tpu.yield
      }) : () -> ()
      %dma_start3A_109 = arith.constant 4 : i32
      %dma_start3A_110 = arith.constant 0 : i32
      %dma_start3A_111 = tpu.memref_slice %arg6[%dma_start3A_109, %dma_start3A_110] : memref<8x128xi32, #tpu.memory_space<vmem>> -> memref<1x128xi32, #tpu.memory_space<vmem>>
      %dma_start3A_112 = tpu.memref_squeeze %dma_start3A_111 : memref<1x128xi32, #tpu.memory_space<vmem>> -> memref<128xi32, #tpu.memory_space<vmem>>
      %dma_start3A_113 = arith.constant 0 : i32
      %dma_start3A_114 = arith.constant 0 : i32
      %dma_start3A_115 = tpu.memref_slice %arg2[%dma_start3A_113, %dma_start3A_114] : memref<10000x128xf32, #tpu.memory_space<hbm>> -> memref<10000x128xf32, #tpu.memory_space<hbm>>
      tpu.enqueue_indirect_dma source(%dma_start3A_115 : memref<10000x128xf32, #tpu.memory_space<hbm>>) target(%arg10 : memref<128x128xf32, #tpu.memory_space<vmem>>) offsets(%dma_start3A_112 : memref<128xi32, #tpu.memory_space<vmem>>) semaphore(%arg13 : memref<!tpu.dma_semaphore, #tpu.memory_space<semaphore_mem>>)
      %dma_wait3A_116 = arith.constant 3 : i32
      %dma_wait3A_117 = arith.constant 0 : i32
      %dma_wait3A_118 = tpu.memref_slice %arg6[%dma_wait3A_116, %dma_wait3A_117] : memref<8x128xi32, #tpu.memory_space<vmem>> -> memref<1x128xi32, #tpu.memory_space<vmem>>
      %dma_wait3A_119 = tpu.memref_squeeze %dma_wait3A_118 : memref<1x128xi32, #tpu.memory_space<vmem>> -> memref<128xi32, #tpu.memory_space<vmem>>
      %dma_wait3A_120 = arith.constant 0 : i32
      %dma_wait3A_121 = arith.constant 0 : i32
      %dma_wait3A_122 = tpu.memref_slice %arg2[%dma_wait3A_120, %dma_wait3A_121] : memref<10000x128xf32, #tpu.memory_space<hbm>> -> memref<10000x128xf32, #tpu.memory_space<hbm>>
      tpu.wait_indirect_dma semaphore(%arg14 : memref<!tpu.dma_semaphore, #tpu.memory_space<semaphore_mem>>) src(%dma_wait3A_122 : memref<10000x128xf32, #tpu.memory_space<hbm>>) dst(%arg11 : memref<128x128xf32, #tpu.memory_space<vmem>>)
      %run_scoped3A_123 = arith.constant 3 : i32
      "tpu.region"() ({
        %run_scoped3A_307 = tpu.sem_alloc : memref<!tpu.dma_semaphore, #tpu.memory_space<semaphore_mem>>
        %dma_start3A_308 = arith.constant 0 : i32
        %dma_start3A_309 = tpu.memref_slice %arg8[%run_scoped3A_123, %dma_start3A_308] : memref<8x128xi32, #tpu.memory_space<vmem>> -> memref<1x128xi32, #tpu.memory_space<vmem>>
        %dma_start3A_310 = tpu.memref_squeeze %dma_start3A_309 : memref<1x128xi32, #tpu.memory_space<vmem>> -> memref<128xi32, #tpu.memory_space<vmem>>
        %dma_start3A_311 = arith.constant 0 : i32
        %dma_start3A_312 = arith.constant 0 : i32
        %dma_start3A_313 = tpu.memref_slice %arg12[%dma_start3A_311, %dma_start3A_312] : memref<10240x128xf32, #tpu.memory_space<vmem_shared>> -> memref<10240x128xf32, #tpu.memory_space<vmem_shared>>
        tpu.enqueue_indirect_dma source(%arg11 : memref<128x128xf32, #tpu.memory_space<vmem>>) target(%dma_start3A_313 : memref<10240x128xf32, #tpu.memory_space<vmem_shared>>) offsets(%dma_start3A_310 : memref<128xi32, #tpu.memory_space<vmem>>) semaphore(%run_scoped3A_307 : memref<!tpu.dma_semaphore, #tpu.memory_space<semaphore_mem>>) {add = true}
        %dma_wait3A_314 = arith.constant 0 : i32
        %dma_wait3A_315 = tpu.memref_slice %arg8[%run_scoped3A_123, %dma_wait3A_314] : memref<8x128xi32, #tpu.memory_space<vmem>> -> memref<1x128xi32, #tpu.memory_space<vmem>>
        %dma_wait3A_316 = tpu.memref_squeeze %dma_wait3A_315 : memref<1x128xi32, #tpu.memory_space<vmem>> -> memref<128xi32, #tpu.memory_space<vmem>>
        %dma_wait3A_317 = arith.constant 0 : i32
        %dma_wait3A_318 = arith.constant 0 : i32
        %dma_wait3A_319 = tpu.memref_slice %arg12[%dma_wait3A_317, %dma_wait3A_318] : memref<10240x128xf32, #tpu.memory_space<vmem_shared>> -> memref<10240x128xf32, #tpu.memory_space<vmem_shared>>
        tpu.wait_indirect_dma semaphore(%run_scoped3A_307 : memref<!tpu.dma_semaphore, #tpu.memory_space<semaphore_mem>>) src(%arg11 : memref<128x128xf32, #tpu.memory_space<vmem>>) dst(%dma_wait3A_319 : memref<10240x128xf32, #tpu.memory_space<vmem_shared>>)
        tpu.yield
      }) : () -> ()
      %dma_start3A_124 = arith.constant 5 : i32
      %dma_start3A_125 = arith.constant 0 : i32
      %dma_start3A_126 = tpu.memref_slice %arg6[%dma_start3A_124, %dma_start3A_125] : memref<8x128xi32, #tpu.memory_space<vmem>> -> memref<1x128xi32, #tpu.memory_space<vmem>>
      %dma_start3A_127 = tpu.memref_squeeze %dma_start3A_126 : memref<1x128xi32, #tpu.memory_space<vmem>> -> memref<128xi32, #tpu.memory_space<vmem>>
      %dma_start3A_128 = arith.constant 0 : i32
      %dma_start3A_129 = arith.constant 0 : i32
      %dma_start3A_130 = tpu.memref_slice %arg2[%dma_start3A_128, %dma_start3A_129] : memref<10000x128xf32, #tpu.memory_space<hbm>> -> memref<10000x128xf32, #tpu.memory_space<hbm>>
      tpu.enqueue_indirect_dma source(%dma_start3A_130 : memref<10000x128xf32, #tpu.memory_space<hbm>>) target(%arg11 : memref<128x128xf32, #tpu.memory_space<vmem>>) offsets(%dma_start3A_127 : memref<128xi32, #tpu.memory_space<vmem>>) semaphore(%arg14 : memref<!tpu.dma_semaphore, #tpu.memory_space<semaphore_mem>>)
      %dma_wait3A_131 = arith.constant 4 : i32
      %dma_wait3A_132 = arith.constant 0 : i32
      %dma_wait3A_133 = tpu.memref_slice %arg6[%dma_wait3A_131, %dma_wait3A_132] : memref<8x128xi32, #tpu.memory_space<vmem>> -> memref<1x128xi32, #tpu.memory_space<vmem>>
      %dma_wait3A_134 = tpu.memref_squeeze %dma_wait3A_133 : memref<1x128xi32, #tpu.memory_space<vmem>> -> memref<128xi32, #tpu.memory_space<vmem>>
      %dma_wait3A_135 = arith.constant 0 : i32
      %dma_wait3A_136 = arith.constant 0 : i32
      %dma_wait3A_137 = tpu.memref_slice %arg2[%dma_wait3A_135, %dma_wait3A_136] : memref<10000x128xf32, #tpu.memory_space<hbm>> -> memref<10000x128xf32, #tpu.memory_space<hbm>>
      tpu.wait_indirect_dma semaphore(%arg13 : memref<!tpu.dma_semaphore, #tpu.memory_space<semaphore_mem>>) src(%dma_wait3A_137 : memref<10000x128xf32, #tpu.memory_space<hbm>>) dst(%arg10 : memref<128x128xf32, #tpu.memory_space<vmem>>)
      %run_scoped3A_138 = arith.constant 4 : i32
      "tpu.region"() ({
        %run_scoped3A_307 = tpu.sem_alloc : memref<!tpu.dma_semaphore, #tpu.memory_space<semaphore_mem>>
        %dma_start3A_308 = arith.constant 0 : i32
        %dma_start3A_309 = tpu.memref_slice %arg8[%run_scoped3A_138, %dma_start3A_308] : memref<8x128xi32, #tpu.memory_space<vmem>> -> memref<1x128xi32, #tpu.memory_space<vmem>>
        %dma_start3A_310 = tpu.memref_squeeze %dma_start3A_309 : memref<1x128xi32, #tpu.memory_space<vmem>> -> memref<128xi32, #tpu.memory_space<vmem>>
        %dma_start3A_311 = arith.constant 0 : i32
        %dma_start3A_312 = arith.constant 0 : i32
        %dma_start3A_313 = tpu.memref_slice %arg12[%dma_start3A_311, %dma_start3A_312] : memref<10240x128xf32, #tpu.memory_space<vmem_shared>> -> memref<10240x128xf32, #tpu.memory_space<vmem_shared>>
        tpu.enqueue_indirect_dma source(%arg10 : memref<128x128xf32, #tpu.memory_space<vmem>>) target(%dma_start3A_313 : memref<10240x128xf32, #tpu.memory_space<vmem_shared>>) offsets(%dma_start3A_310 : memref<128xi32, #tpu.memory_space<vmem>>) semaphore(%run_scoped3A_307 : memref<!tpu.dma_semaphore, #tpu.memory_space<semaphore_mem>>) {add = true}
        %dma_wait3A_314 = arith.constant 0 : i32
        %dma_wait3A_315 = tpu.memref_slice %arg8[%run_scoped3A_138, %dma_wait3A_314] : memref<8x128xi32, #tpu.memory_space<vmem>> -> memref<1x128xi32, #tpu.memory_space<vmem>>
        %dma_wait3A_316 = tpu.memref_squeeze %dma_wait3A_315 : memref<1x128xi32, #tpu.memory_space<vmem>> -> memref<128xi32, #tpu.memory_space<vmem>>
        %dma_wait3A_317 = arith.constant 0 : i32
        %dma_wait3A_318 = arith.constant 0 : i32
        %dma_wait3A_319 = tpu.memref_slice %arg12[%dma_wait3A_317, %dma_wait3A_318] : memref<10240x128xf32, #tpu.memory_space<vmem_shared>> -> memref<10240x128xf32, #tpu.memory_space<vmem_shared>>
        tpu.wait_indirect_dma semaphore(%run_scoped3A_307 : memref<!tpu.dma_semaphore, #tpu.memory_space<semaphore_mem>>) src(%arg10 : memref<128x128xf32, #tpu.memory_space<vmem>>) dst(%dma_wait3A_319 : memref<10240x128xf32, #tpu.memory_space<vmem_shared>>)
        tpu.yield
      }) : () -> ()
      %dma_start3A_139 = arith.constant 6 : i32
      %dma_start3A_140 = arith.constant 0 : i32
      %dma_start3A_141 = tpu.memref_slice %arg6[%dma_start3A_139, %dma_start3A_140] : memref<8x128xi32, #tpu.memory_space<vmem>> -> memref<1x128xi32, #tpu.memory_space<vmem>>
      %dma_start3A_142 = tpu.memref_squeeze %dma_start3A_141 : memref<1x128xi32, #tpu.memory_space<vmem>> -> memref<128xi32, #tpu.memory_space<vmem>>
      %dma_start3A_143 = arith.constant 0 : i32
      %dma_start3A_144 = arith.constant 0 : i32
      %dma_start3A_145 = tpu.memref_slice %arg2[%dma_start3A_143, %dma_start3A_144] : memref<10000x128xf32, #tpu.memory_space<hbm>> -> memref<10000x128xf32, #tpu.memory_space<hbm>>
      tpu.enqueue_indirect_dma source(%dma_start3A_145 : memref<10000x128xf32, #tpu.memory_space<hbm>>) target(%arg10 : memref<128x128xf32, #tpu.memory_space<vmem>>) offsets(%dma_start3A_142 : memref<128xi32, #tpu.memory_space<vmem>>) semaphore(%arg13 : memref<!tpu.dma_semaphore, #tpu.memory_space<semaphore_mem>>)
      %dma_wait3A_146 = arith.constant 5 : i32
      %dma_wait3A_147 = arith.constant 0 : i32
      %dma_wait3A_148 = tpu.memref_slice %arg6[%dma_wait3A_146, %dma_wait3A_147] : memref<8x128xi32, #tpu.memory_space<vmem>> -> memref<1x128xi32, #tpu.memory_space<vmem>>
      %dma_wait3A_149 = tpu.memref_squeeze %dma_wait3A_148 : memref<1x128xi32, #tpu.memory_space<vmem>> -> memref<128xi32, #tpu.memory_space<vmem>>
      %dma_wait3A_150 = arith.constant 0 : i32
      %dma_wait3A_151 = arith.constant 0 : i32
      %dma_wait3A_152 = tpu.memref_slice %arg2[%dma_wait3A_150, %dma_wait3A_151] : memref<10000x128xf32, #tpu.memory_space<hbm>> -> memref<10000x128xf32, #tpu.memory_space<hbm>>
      tpu.wait_indirect_dma semaphore(%arg14 : memref<!tpu.dma_semaphore, #tpu.memory_space<semaphore_mem>>) src(%dma_wait3A_152 : memref<10000x128xf32, #tpu.memory_space<hbm>>) dst(%arg11 : memref<128x128xf32, #tpu.memory_space<vmem>>)
      %run_scoped3A_153 = arith.constant 5 : i32
      "tpu.region"() ({
        %run_scoped3A_307 = tpu.sem_alloc : memref<!tpu.dma_semaphore, #tpu.memory_space<semaphore_mem>>
        %dma_start3A_308 = arith.constant 0 : i32
        %dma_start3A_309 = tpu.memref_slice %arg8[%run_scoped3A_153, %dma_start3A_308] : memref<8x128xi32, #tpu.memory_space<vmem>> -> memref<1x128xi32, #tpu.memory_space<vmem>>
        %dma_start3A_310 = tpu.memref_squeeze %dma_start3A_309 : memref<1x128xi32, #tpu.memory_space<vmem>> -> memref<128xi32, #tpu.memory_space<vmem>>
        %dma_start3A_311 = arith.constant 0 : i32
        %dma_start3A_312 = arith.constant 0 : i32
        %dma_start3A_313 = tpu.memref_slice %arg12[%dma_start3A_311, %dma_start3A_312] : memref<10240x128xf32, #tpu.memory_space<vmem_shared>> -> memref<10240x128xf32, #tpu.memory_space<vmem_shared>>
        tpu.enqueue_indirect_dma source(%arg11 : memref<128x128xf32, #tpu.memory_space<vmem>>) target(%dma_start3A_313 : memref<10240x128xf32, #tpu.memory_space<vmem_shared>>) offsets(%dma_start3A_310 : memref<128xi32, #tpu.memory_space<vmem>>) semaphore(%run_scoped3A_307 : memref<!tpu.dma_semaphore, #tpu.memory_space<semaphore_mem>>) {add = true}
        %dma_wait3A_314 = arith.constant 0 : i32
        %dma_wait3A_315 = tpu.memref_slice %arg8[%run_scoped3A_153, %dma_wait3A_314] : memref<8x128xi32, #tpu.memory_space<vmem>> -> memref<1x128xi32, #tpu.memory_space<vmem>>
        %dma_wait3A_316 = tpu.memref_squeeze %dma_wait3A_315 : memref<1x128xi32, #tpu.memory_space<vmem>> -> memref<128xi32, #tpu.memory_space<vmem>>
        %dma_wait3A_317 = arith.constant 0 : i32
        %dma_wait3A_318 = arith.constant 0 : i32
        %dma_wait3A_319 = tpu.memref_slice %arg12[%dma_wait3A_317, %dma_wait3A_318] : memref<10240x128xf32, #tpu.memory_space<vmem_shared>> -> memref<10240x128xf32, #tpu.memory_space<vmem_shared>>
        tpu.wait_indirect_dma semaphore(%run_scoped3A_307 : memref<!tpu.dma_semaphore, #tpu.memory_space<semaphore_mem>>) src(%arg11 : memref<128x128xf32, #tpu.memory_space<vmem>>) dst(%dma_wait3A_319 : memref<10240x128xf32, #tpu.memory_space<vmem_shared>>)
        tpu.yield
      }) : () -> ()
      %dma_start3A_154 = arith.constant 7 : i32
      %dma_start3A_155 = arith.constant 0 : i32
      %dma_start3A_156 = tpu.memref_slice %arg6[%dma_start3A_154, %dma_start3A_155] : memref<8x128xi32, #tpu.memory_space<vmem>> -> memref<1x128xi32, #tpu.memory_space<vmem>>
      %dma_start3A_157 = tpu.memref_squeeze %dma_start3A_156 : memref<1x128xi32, #tpu.memory_space<vmem>> -> memref<128xi32, #tpu.memory_space<vmem>>
      %dma_start3A_158 = arith.constant 0 : i32
      %dma_start3A_159 = arith.constant 0 : i32
      %dma_start3A_160 = tpu.memref_slice %arg2[%dma_start3A_158, %dma_start3A_159] : memref<10000x128xf32, #tpu.memory_space<hbm>> -> memref<10000x128xf32, #tpu.memory_space<hbm>>
      tpu.enqueue_indirect_dma source(%dma_start3A_160 : memref<10000x128xf32, #tpu.memory_space<hbm>>) target(%arg11 : memref<128x128xf32, #tpu.memory_space<vmem>>) offsets(%dma_start3A_157 : memref<128xi32, #tpu.memory_space<vmem>>) semaphore(%arg14 : memref<!tpu.dma_semaphore, #tpu.memory_space<semaphore_mem>>)
      %dma_wait3A_161 = arith.constant 6 : i32
      %dma_wait3A_162 = arith.constant 0 : i32
      %dma_wait3A_163 = tpu.memref_slice %arg6[%dma_wait3A_161, %dma_wait3A_162] : memref<8x128xi32, #tpu.memory_space<vmem>> -> memref<1x128xi32, #tpu.memory_space<vmem>>
      %dma_wait3A_164 = tpu.memref_squeeze %dma_wait3A_163 : memref<1x128xi32, #tpu.memory_space<vmem>> -> memref<128xi32, #tpu.memory_space<vmem>>
      %dma_wait3A_165 = arith.constant 0 : i32
      %dma_wait3A_166 = arith.constant 0 : i32
      %dma_wait3A_167 = tpu.memref_slice %arg2[%dma_wait3A_165, %dma_wait3A_166] : memref<10000x128xf32, #tpu.memory_space<hbm>> -> memref<10000x128xf32, #tpu.memory_space<hbm>>
      tpu.wait_indirect_dma semaphore(%arg13 : memref<!tpu.dma_semaphore, #tpu.memory_space<semaphore_mem>>) src(%dma_wait3A_167 : memref<10000x128xf32, #tpu.memory_space<hbm>>) dst(%arg10 : memref<128x128xf32, #tpu.memory_space<vmem>>)
      %run_scoped3A_168 = arith.constant 6 : i32
      "tpu.region"() ({
        %run_scoped3A_307 = tpu.sem_alloc : memref<!tpu.dma_semaphore, #tpu.memory_space<semaphore_mem>>
        %dma_start3A_308 = arith.constant 0 : i32
        %dma_start3A_309 = tpu.memref_slice %arg8[%run_scoped3A_168, %dma_start3A_308] : memref<8x128xi32, #tpu.memory_space<vmem>> -> memref<1x128xi32, #tpu.memory_space<vmem>>
        %dma_start3A_310 = tpu.memref_squeeze %dma_start3A_309 : memref<1x128xi32, #tpu.memory_space<vmem>> -> memref<128xi32, #tpu.memory_space<vmem>>
        %dma_start3A_311 = arith.constant 0 : i32
        %dma_start3A_312 = arith.constant 0 : i32
        %dma_start3A_313 = tpu.memref_slice %arg12[%dma_start3A_311, %dma_start3A_312] : memref<10240x128xf32, #tpu.memory_space<vmem_shared>> -> memref<10240x128xf32, #tpu.memory_space<vmem_shared>>
        tpu.enqueue_indirect_dma source(%arg10 : memref<128x128xf32, #tpu.memory_space<vmem>>) target(%dma_start3A_313 : memref<10240x128xf32, #tpu.memory_space<vmem_shared>>) offsets(%dma_start3A_310 : memref<128xi32, #tpu.memory_space<vmem>>) semaphore(%run_scoped3A_307 : memref<!tpu.dma_semaphore, #tpu.memory_space<semaphore_mem>>) {add = true}
        %dma_wait3A_314 = arith.constant 0 : i32
        %dma_wait3A_315 = tpu.memref_slice %arg8[%run_scoped3A_168, %dma_wait3A_314] : memref<8x128xi32, #tpu.memory_space<vmem>> -> memref<1x128xi32, #tpu.memory_space<vmem>>
        %dma_wait3A_316 = tpu.memref_squeeze %dma_wait3A_315 : memref<1x128xi32, #tpu.memory_space<vmem>> -> memref<128xi32, #tpu.memory_space<vmem>>
        %dma_wait3A_317 = arith.constant 0 : i32
        %dma_wait3A_318 = arith.constant 0 : i32
        %dma_wait3A_319 = tpu.memref_slice %arg12[%dma_wait3A_317, %dma_wait3A_318] : memref<10240x128xf32, #tpu.memory_space<vmem_shared>> -> memref<10240x128xf32, #tpu.memory_space<vmem_shared>>
        tpu.wait_indirect_dma semaphore(%run_scoped3A_307 : memref<!tpu.dma_semaphore, #tpu.memory_space<semaphore_mem>>) src(%arg10 : memref<128x128xf32, #tpu.memory_space<vmem>>) dst(%dma_wait3A_319 : memref<10240x128xf32, #tpu.memory_space<vmem_shared>>)
        tpu.yield
      }) : () -> ()
      %dma_start3A_169 = arith.constant 0 : i32
      %dma_start3A_170 = arith.constant 0 : i32
      %dma_start3A_171 = tpu.memref_slice %arg7[%dma_start3A_169, %dma_start3A_170] : memref<8x128xi32, #tpu.memory_space<vmem>> -> memref<1x128xi32, #tpu.memory_space<vmem>>
      %dma_start3A_172 = tpu.memref_squeeze %dma_start3A_171 : memref<1x128xi32, #tpu.memory_space<vmem>> -> memref<128xi32, #tpu.memory_space<vmem>>
      %dma_start3A_173 = arith.constant 0 : i32
      %dma_start3A_174 = arith.constant 0 : i32
      %dma_start3A_175 = tpu.memref_slice %arg2[%dma_start3A_173, %dma_start3A_174] : memref<10000x128xf32, #tpu.memory_space<hbm>> -> memref<10000x128xf32, #tpu.memory_space<hbm>>
      tpu.enqueue_indirect_dma source(%dma_start3A_175 : memref<10000x128xf32, #tpu.memory_space<hbm>>) target(%arg10 : memref<128x128xf32, #tpu.memory_space<vmem>>) offsets(%dma_start3A_172 : memref<128xi32, #tpu.memory_space<vmem>>) semaphore(%arg13 : memref<!tpu.dma_semaphore, #tpu.memory_space<semaphore_mem>>)
      %dma_wait3A_176 = arith.constant 7 : i32
      %dma_wait3A_177 = arith.constant 0 : i32
      %dma_wait3A_178 = tpu.memref_slice %arg6[%dma_wait3A_176, %dma_wait3A_177] : memref<8x128xi32, #tpu.memory_space<vmem>> -> memref<1x128xi32, #tpu.memory_space<vmem>>
      %dma_wait3A_179 = tpu.memref_squeeze %dma_wait3A_178 : memref<1x128xi32, #tpu.memory_space<vmem>> -> memref<128xi32, #tpu.memory_space<vmem>>
      %dma_wait3A_180 = arith.constant 0 : i32
      %dma_wait3A_181 = arith.constant 0 : i32
      %dma_wait3A_182 = tpu.memref_slice %arg2[%dma_wait3A_180, %dma_wait3A_181] : memref<10000x128xf32, #tpu.memory_space<hbm>> -> memref<10000x128xf32, #tpu.memory_space<hbm>>
      tpu.wait_indirect_dma semaphore(%arg14 : memref<!tpu.dma_semaphore, #tpu.memory_space<semaphore_mem>>) src(%dma_wait3A_182 : memref<10000x128xf32, #tpu.memory_space<hbm>>) dst(%arg11 : memref<128x128xf32, #tpu.memory_space<vmem>>)
      %run_scoped3A_183 = arith.constant 7 : i32
      "tpu.region"() ({
        %run_scoped3A_307 = tpu.sem_alloc : memref<!tpu.dma_semaphore, #tpu.memory_space<semaphore_mem>>
        %dma_start3A_308 = arith.constant 0 : i32
        %dma_start3A_309 = tpu.memref_slice %arg8[%run_scoped3A_183, %dma_start3A_308] : memref<8x128xi32, #tpu.memory_space<vmem>> -> memref<1x128xi32, #tpu.memory_space<vmem>>
        %dma_start3A_310 = tpu.memref_squeeze %dma_start3A_309 : memref<1x128xi32, #tpu.memory_space<vmem>> -> memref<128xi32, #tpu.memory_space<vmem>>
        %dma_start3A_311 = arith.constant 0 : i32
        %dma_start3A_312 = arith.constant 0 : i32
        %dma_start3A_313 = tpu.memref_slice %arg12[%dma_start3A_311, %dma_start3A_312] : memref<10240x128xf32, #tpu.memory_space<vmem_shared>> -> memref<10240x128xf32, #tpu.memory_space<vmem_shared>>
        tpu.enqueue_indirect_dma source(%arg11 : memref<128x128xf32, #tpu.memory_space<vmem>>) target(%dma_start3A_313 : memref<10240x128xf32, #tpu.memory_space<vmem_shared>>) offsets(%dma_start3A_310 : memref<128xi32, #tpu.memory_space<vmem>>) semaphore(%run_scoped3A_307 : memref<!tpu.dma_semaphore, #tpu.memory_space<semaphore_mem>>) {add = true}
        %dma_wait3A_314 = arith.constant 0 : i32
        %dma_wait3A_315 = tpu.memref_slice %arg8[%run_scoped3A_183, %dma_wait3A_314] : memref<8x128xi32, #tpu.memory_space<vmem>> -> memref<1x128xi32, #tpu.memory_space<vmem>>
        %dma_wait3A_316 = tpu.memref_squeeze %dma_wait3A_315 : memref<1x128xi32, #tpu.memory_space<vmem>> -> memref<128xi32, #tpu.memory_space<vmem>>
        %dma_wait3A_317 = arith.constant 0 : i32
        %dma_wait3A_318 = arith.constant 0 : i32
        %dma_wait3A_319 = tpu.memref_slice %arg12[%dma_wait3A_317, %dma_wait3A_318] : memref<10240x128xf32, #tpu.memory_space<vmem_shared>> -> memref<10240x128xf32, #tpu.memory_space<vmem_shared>>
        tpu.wait_indirect_dma semaphore(%run_scoped3A_307 : memref<!tpu.dma_semaphore, #tpu.memory_space<semaphore_mem>>) src(%arg11 : memref<128x128xf32, #tpu.memory_space<vmem>>) dst(%dma_wait3A_319 : memref<10240x128xf32, #tpu.memory_space<vmem_shared>>)
        tpu.yield
      }) : () -> ()
      %lt3A = arith.constant 4 : i32
      %lt3A_184 = arith.cmpi slt, %scan3A_48, %lt3A : i32
      %convert_element_type3A_185 = arith.extui %lt3A_184 : i1 to i32
      %cond3A_186 = arith.constant 0 : i32
      %cond3A_187 = arith.cmpi ne, %convert_element_type3A_185, %cond3A_186 : i32
      scf.if %cond3A_187 {
        %add3A_307 = arith.constant 2 : i32
        %add3A_308 = arith.addi %mul3A_51, %add3A_307 : i32
        %mul3A_309 = arith.constant 80 : i32
        %mul3A_310 = arith.muli %add3A, %mul3A_309 : i32
        %mul3A_311 = arith.constant 8 : i32
        %mul3A_312 = arith.muli %add3A_308, %mul3A_311 : i32
        %add3A_313 = arith.addi %mul3A_310, %mul3A_312 : i32
        %dma_start3A_314 = arith.constant 0 : i32
        %dma_start3A_315 = tpu.memref_slice %arg3[%add3A_313, %dma_start3A_314] : memref<2560x128xi32, #tpu.memory_space<hbm>> -> memref<8x128xi32, #tpu.memory_space<hbm>>
        %dma_start3A_316 = arith.constant 0 : i32
        %dma_start3A_317 = tpu.memref_slice %arg3[%add3A_313, %dma_start3A_316] : memref<2560x128xi32, #tpu.memory_space<hbm>> -> memref<8x128xi32, #tpu.memory_space<hbm>>
        tpu.enqueue_dma source(%dma_start3A_317 : memref<8x128xi32, #tpu.memory_space<hbm>>) target(%arg6 : memref<8x128xi32, #tpu.memory_space<vmem>>) target_semaphore(%arg15 : memref<!tpu.dma_semaphore, #tpu.memory_space<semaphore_mem>>)
        %dma_start3A_318 = arith.constant 0 : i32
        %dma_start3A_319 = tpu.memref_slice %arg4[%add3A_313, %dma_start3A_318] : memref<2560x128xi32, #tpu.memory_space<hbm>> -> memref<8x128xi32, #tpu.memory_space<hbm>>
        %dma_start3A_320 = arith.constant 0 : i32
        %dma_start3A_321 = tpu.memref_slice %arg4[%add3A_313, %dma_start3A_320] : memref<2560x128xi32, #tpu.memory_space<hbm>> -> memref<8x128xi32, #tpu.memory_space<hbm>>
        tpu.enqueue_dma source(%dma_start3A_321 : memref<8x128xi32, #tpu.memory_space<hbm>>) target(%arg8 : memref<8x128xi32, #tpu.memory_space<vmem>>) target_semaphore(%arg15 : memref<!tpu.dma_semaphore, #tpu.memory_space<semaphore_mem>>)
      } else {
      }
      %dma_start3A_188 = arith.constant 1 : i32
      %dma_start3A_189 = arith.constant 0 : i32
      %dma_start3A_190 = tpu.memref_slice %arg7[%dma_start3A_188, %dma_start3A_189] : memref<8x128xi32, #tpu.memory_space<vmem>> -> memref<1x128xi32, #tpu.memory_space<vmem>>
      %dma_start3A_191 = tpu.memref_squeeze %dma_start3A_190 : memref<1x128xi32, #tpu.memory_space<vmem>> -> memref<128xi32, #tpu.memory_space<vmem>>
      %dma_start3A_192 = arith.constant 0 : i32
      %dma_start3A_193 = arith.constant 0 : i32
      %dma_start3A_194 = tpu.memref_slice %arg2[%dma_start3A_192, %dma_start3A_193] : memref<10000x128xf32, #tpu.memory_space<hbm>> -> memref<10000x128xf32, #tpu.memory_space<hbm>>
      tpu.enqueue_indirect_dma source(%dma_start3A_194 : memref<10000x128xf32, #tpu.memory_space<hbm>>) target(%arg11 : memref<128x128xf32, #tpu.memory_space<vmem>>) offsets(%dma_start3A_191 : memref<128xi32, #tpu.memory_space<vmem>>) semaphore(%arg14 : memref<!tpu.dma_semaphore, #tpu.memory_space<semaphore_mem>>)
      %dma_wait3A_195 = arith.constant 0 : i32
      %dma_wait3A_196 = arith.constant 0 : i32
      %dma_wait3A_197 = tpu.memref_slice %arg7[%dma_wait3A_195, %dma_wait3A_196] : memref<8x128xi32, #tpu.memory_space<vmem>> -> memref<1x128xi32, #tpu.memory_space<vmem>>
      %dma_wait3A_198 = tpu.memref_squeeze %dma_wait3A_197 : memref<1x128xi32, #tpu.memory_space<vmem>> -> memref<128xi32, #tpu.memory_space<vmem>>
      %dma_wait3A_199 = arith.constant 0 : i32
      %dma_wait3A_200 = arith.constant 0 : i32
      %dma_wait3A_201 = tpu.memref_slice %arg2[%dma_wait3A_199, %dma_wait3A_200] : memref<10000x128xf32, #tpu.memory_space<hbm>> -> memref<10000x128xf32, #tpu.memory_space<hbm>>
      tpu.wait_indirect_dma semaphore(%arg13 : memref<!tpu.dma_semaphore, #tpu.memory_space<semaphore_mem>>) src(%dma_wait3A_201 : memref<10000x128xf32, #tpu.memory_space<hbm>>) dst(%arg10 : memref<128x128xf32, #tpu.memory_space<vmem>>)
      %run_scoped3A_202 = arith.constant 0 : i32
      "tpu.region"() ({
        %run_scoped3A_307 = tpu.sem_alloc : memref<!tpu.dma_semaphore, #tpu.memory_space<semaphore_mem>>
        %dma_start3A_308 = arith.constant 0 : i32
        %dma_start3A_309 = tpu.memref_slice %arg9[%run_scoped3A_202, %dma_start3A_308] : memref<8x128xi32, #tpu.memory_space<vmem>> -> memref<1x128xi32, #tpu.memory_space<vmem>>
        %dma_start3A_310 = tpu.memref_squeeze %dma_start3A_309 : memref<1x128xi32, #tpu.memory_space<vmem>> -> memref<128xi32, #tpu.memory_space<vmem>>
        %dma_start3A_311 = arith.constant 0 : i32
        %dma_start3A_312 = arith.constant 0 : i32
        %dma_start3A_313 = tpu.memref_slice %arg12[%dma_start3A_311, %dma_start3A_312] : memref<10240x128xf32, #tpu.memory_space<vmem_shared>> -> memref<10240x128xf32, #tpu.memory_space<vmem_shared>>
        tpu.enqueue_indirect_dma source(%arg10 : memref<128x128xf32, #tpu.memory_space<vmem>>) target(%dma_start3A_313 : memref<10240x128xf32, #tpu.memory_space<vmem_shared>>) offsets(%dma_start3A_310 : memref<128xi32, #tpu.memory_space<vmem>>) semaphore(%run_scoped3A_307 : memref<!tpu.dma_semaphore, #tpu.memory_space<semaphore_mem>>) {add = true}
        %dma_wait3A_314 = arith.constant 0 : i32
        %dma_wait3A_315 = tpu.memref_slice %arg9[%run_scoped3A_202, %dma_wait3A_314] : memref<8x128xi32, #tpu.memory_space<vmem>> -> memref<1x128xi32, #tpu.memory_space<vmem>>
        %dma_wait3A_316 = tpu.memref_squeeze %dma_wait3A_315 : memref<1x128xi32, #tpu.memory_space<vmem>> -> memref<128xi32, #tpu.memory_space<vmem>>
        %dma_wait3A_317 = arith.constant 0 : i32
        %dma_wait3A_318 = arith.constant 0 : i32
        %dma_wait3A_319 = tpu.memref_slice %arg12[%dma_wait3A_317, %dma_wait3A_318] : memref<10240x128xf32, #tpu.memory_space<vmem_shared>> -> memref<10240x128xf32, #tpu.memory_space<vmem_shared>>
        tpu.wait_indirect_dma semaphore(%run_scoped3A_307 : memref<!tpu.dma_semaphore, #tpu.memory_space<semaphore_mem>>) src(%arg10 : memref<128x128xf32, #tpu.memory_space<vmem>>) dst(%dma_wait3A_319 : memref<10240x128xf32, #tpu.memory_space<vmem_shared>>)
        tpu.yield
      }) : () -> ()
      %dma_start3A_203 = arith.constant 2 : i32
      %dma_start3A_204 = arith.constant 0 : i32
      %dma_start3A_205 = tpu.memref_slice %arg7[%dma_start3A_203, %dma_start3A_204] : memref<8x128xi32, #tpu.memory_space<vmem>> -> memref<1x128xi32, #tpu.memory_space<vmem>>
      %dma_start3A_206 = tpu.memref_squeeze %dma_start3A_205 : memref<1x128xi32, #tpu.memory_space<vmem>> -> memref<128xi32, #tpu.memory_space<vmem>>
      %dma_start3A_207 = arith.constant 0 : i32
      %dma_start3A_208 = arith.constant 0 : i32
      %dma_start3A_209 = tpu.memref_slice %arg2[%dma_start3A_207, %dma_start3A_208] : memref<10000x128xf32, #tpu.memory_space<hbm>> -> memref<10000x128xf32, #tpu.memory_space<hbm>>
      tpu.enqueue_indirect_dma source(%dma_start3A_209 : memref<10000x128xf32, #tpu.memory_space<hbm>>) target(%arg10 : memref<128x128xf32, #tpu.memory_space<vmem>>) offsets(%dma_start3A_206 : memref<128xi32, #tpu.memory_space<vmem>>) semaphore(%arg13 : memref<!tpu.dma_semaphore, #tpu.memory_space<semaphore_mem>>)
      %dma_wait3A_210 = arith.constant 1 : i32
      %dma_wait3A_211 = arith.constant 0 : i32
      %dma_wait3A_212 = tpu.memref_slice %arg7[%dma_wait3A_210, %dma_wait3A_211] : memref<8x128xi32, #tpu.memory_space<vmem>> -> memref<1x128xi32, #tpu.memory_space<vmem>>
      %dma_wait3A_213 = tpu.memref_squeeze %dma_wait3A_212 : memref<1x128xi32, #tpu.memory_space<vmem>> -> memref<128xi32, #tpu.memory_space<vmem>>
      %dma_wait3A_214 = arith.constant 0 : i32
      %dma_wait3A_215 = arith.constant 0 : i32
      %dma_wait3A_216 = tpu.memref_slice %arg2[%dma_wait3A_214, %dma_wait3A_215] : memref<10000x128xf32, #tpu.memory_space<hbm>> -> memref<10000x128xf32, #tpu.memory_space<hbm>>
      tpu.wait_indirect_dma semaphore(%arg14 : memref<!tpu.dma_semaphore, #tpu.memory_space<semaphore_mem>>) src(%dma_wait3A_216 : memref<10000x128xf32, #tpu.memory_space<hbm>>) dst(%arg11 : memref<128x128xf32, #tpu.memory_space<vmem>>)
      %run_scoped3A_217 = arith.constant 1 : i32
      "tpu.region"() ({
        %run_scoped3A_307 = tpu.sem_alloc : memref<!tpu.dma_semaphore, #tpu.memory_space<semaphore_mem>>
        %dma_start3A_308 = arith.constant 0 : i32
        %dma_start3A_309 = tpu.memref_slice %arg9[%run_scoped3A_217, %dma_start3A_308] : memref<8x128xi32, #tpu.memory_space<vmem>> -> memref<1x128xi32, #tpu.memory_space<vmem>>
        %dma_start3A_310 = tpu.memref_squeeze %dma_start3A_309 : memref<1x128xi32, #tpu.memory_space<vmem>> -> memref<128xi32, #tpu.memory_space<vmem>>
        %dma_start3A_311 = arith.constant 0 : i32
        %dma_start3A_312 = arith.constant 0 : i32
        %dma_start3A_313 = tpu.memref_slice %arg12[%dma_start3A_311, %dma_start3A_312] : memref<10240x128xf32, #tpu.memory_space<vmem_shared>> -> memref<10240x128xf32, #tpu.memory_space<vmem_shared>>
        tpu.enqueue_indirect_dma source(%arg11 : memref<128x128xf32, #tpu.memory_space<vmem>>) target(%dma_start3A_313 : memref<10240x128xf32, #tpu.memory_space<vmem_shared>>) offsets(%dma_start3A_310 : memref<128xi32, #tpu.memory_space<vmem>>) semaphore(%run_scoped3A_307 : memref<!tpu.dma_semaphore, #tpu.memory_space<semaphore_mem>>) {add = true}
        %dma_wait3A_314 = arith.constant 0 : i32
        %dma_wait3A_315 = tpu.memref_slice %arg9[%run_scoped3A_217, %dma_wait3A_314] : memref<8x128xi32, #tpu.memory_space<vmem>> -> memref<1x128xi32, #tpu.memory_space<vmem>>
        %dma_wait3A_316 = tpu.memref_squeeze %dma_wait3A_315 : memref<1x128xi32, #tpu.memory_space<vmem>> -> memref<128xi32, #tpu.memory_space<vmem>>
        %dma_wait3A_317 = arith.constant 0 : i32
        %dma_wait3A_318 = arith.constant 0 : i32
        %dma_wait3A_319 = tpu.memref_slice %arg12[%dma_wait3A_317, %dma_wait3A_318] : memref<10240x128xf32, #tpu.memory_space<vmem_shared>> -> memref<10240x128xf32, #tpu.memory_space<vmem_shared>>
        tpu.wait_indirect_dma semaphore(%run_scoped3A_307 : memref<!tpu.dma_semaphore, #tpu.memory_space<semaphore_mem>>) src(%arg11 : memref<128x128xf32, #tpu.memory_space<vmem>>) dst(%dma_wait3A_319 : memref<10240x128xf32, #tpu.memory_space<vmem_shared>>)
        tpu.yield
      }) : () -> ()
      %dma_start3A_218 = arith.constant 3 : i32
      %dma_start3A_219 = arith.constant 0 : i32
      %dma_start3A_220 = tpu.memref_slice %arg7[%dma_start3A_218, %dma_start3A_219] : memref<8x128xi32, #tpu.memory_space<vmem>> -> memref<1x128xi32, #tpu.memory_space<vmem>>
      %dma_start3A_221 = tpu.memref_squeeze %dma_start3A_220 : memref<1x128xi32, #tpu.memory_space<vmem>> -> memref<128xi32, #tpu.memory_space<vmem>>
      %dma_start3A_222 = arith.constant 0 : i32
      %dma_start3A_223 = arith.constant 0 : i32
      %dma_start3A_224 = tpu.memref_slice %arg2[%dma_start3A_222, %dma_start3A_223] : memref<10000x128xf32, #tpu.memory_space<hbm>> -> memref<10000x128xf32, #tpu.memory_space<hbm>>
      tpu.enqueue_indirect_dma source(%dma_start3A_224 : memref<10000x128xf32, #tpu.memory_space<hbm>>) target(%arg11 : memref<128x128xf32, #tpu.memory_space<vmem>>) offsets(%dma_start3A_221 : memref<128xi32, #tpu.memory_space<vmem>>) semaphore(%arg14 : memref<!tpu.dma_semaphore, #tpu.memory_space<semaphore_mem>>)
      %dma_wait3A_225 = arith.constant 2 : i32
      %dma_wait3A_226 = arith.constant 0 : i32
      %dma_wait3A_227 = tpu.memref_slice %arg7[%dma_wait3A_225, %dma_wait3A_226] : memref<8x128xi32, #tpu.memory_space<vmem>> -> memref<1x128xi32, #tpu.memory_space<vmem>>
      %dma_wait3A_228 = tpu.memref_squeeze %dma_wait3A_227 : memref<1x128xi32, #tpu.memory_space<vmem>> -> memref<128xi32, #tpu.memory_space<vmem>>
      %dma_wait3A_229 = arith.constant 0 : i32
      %dma_wait3A_230 = arith.constant 0 : i32
      %dma_wait3A_231 = tpu.memref_slice %arg2[%dma_wait3A_229, %dma_wait3A_230] : memref<10000x128xf32, #tpu.memory_space<hbm>> -> memref<10000x128xf32, #tpu.memory_space<hbm>>
      tpu.wait_indirect_dma semaphore(%arg13 : memref<!tpu.dma_semaphore, #tpu.memory_space<semaphore_mem>>) src(%dma_wait3A_231 : memref<10000x128xf32, #tpu.memory_space<hbm>>) dst(%arg10 : memref<128x128xf32, #tpu.memory_space<vmem>>)
      %run_scoped3A_232 = arith.constant 2 : i32
      "tpu.region"() ({
        %run_scoped3A_307 = tpu.sem_alloc : memref<!tpu.dma_semaphore, #tpu.memory_space<semaphore_mem>>
        %dma_start3A_308 = arith.constant 0 : i32
        %dma_start3A_309 = tpu.memref_slice %arg9[%run_scoped3A_232, %dma_start3A_308] : memref<8x128xi32, #tpu.memory_space<vmem>> -> memref<1x128xi32, #tpu.memory_space<vmem>>
        %dma_start3A_310 = tpu.memref_squeeze %dma_start3A_309 : memref<1x128xi32, #tpu.memory_space<vmem>> -> memref<128xi32, #tpu.memory_space<vmem>>
        %dma_start3A_311 = arith.constant 0 : i32
        %dma_start3A_312 = arith.constant 0 : i32
        %dma_start3A_313 = tpu.memref_slice %arg12[%dma_start3A_311, %dma_start3A_312] : memref<10240x128xf32, #tpu.memory_space<vmem_shared>> -> memref<10240x128xf32, #tpu.memory_space<vmem_shared>>
        tpu.enqueue_indirect_dma source(%arg10 : memref<128x128xf32, #tpu.memory_space<vmem>>) target(%dma_start3A_313 : memref<10240x128xf32, #tpu.memory_space<vmem_shared>>) offsets(%dma_start3A_310 : memref<128xi32, #tpu.memory_space<vmem>>) semaphore(%run_scoped3A_307 : memref<!tpu.dma_semaphore, #tpu.memory_space<semaphore_mem>>) {add = true}
        %dma_wait3A_314 = arith.constant 0 : i32
        %dma_wait3A_315 = tpu.memref_slice %arg9[%run_scoped3A_232, %dma_wait3A_314] : memref<8x128xi32, #tpu.memory_space<vmem>> -> memref<1x128xi32, #tpu.memory_space<vmem>>
        %dma_wait3A_316 = tpu.memref_squeeze %dma_wait3A_315 : memref<1x128xi32, #tpu.memory_space<vmem>> -> memref<128xi32, #tpu.memory_space<vmem>>
        %dma_wait3A_317 = arith.constant 0 : i32
        %dma_wait3A_318 = arith.constant 0 : i32
        %dma_wait3A_319 = tpu.memref_slice %arg12[%dma_wait3A_317, %dma_wait3A_318] : memref<10240x128xf32, #tpu.memory_space<vmem_shared>> -> memref<10240x128xf32, #tpu.memory_space<vmem_shared>>
        tpu.wait_indirect_dma semaphore(%run_scoped3A_307 : memref<!tpu.dma_semaphore, #tpu.memory_space<semaphore_mem>>) src(%arg10 : memref<128x128xf32, #tpu.memory_space<vmem>>) dst(%dma_wait3A_319 : memref<10240x128xf32, #tpu.memory_space<vmem_shared>>)
        tpu.yield
      }) : () -> ()
      %dma_start3A_233 = arith.constant 4 : i32
      %dma_start3A_234 = arith.constant 0 : i32
      %dma_start3A_235 = tpu.memref_slice %arg7[%dma_start3A_233, %dma_start3A_234] : memref<8x128xi32, #tpu.memory_space<vmem>> -> memref<1x128xi32, #tpu.memory_space<vmem>>
      %dma_start3A_236 = tpu.memref_squeeze %dma_start3A_235 : memref<1x128xi32, #tpu.memory_space<vmem>> -> memref<128xi32, #tpu.memory_space<vmem>>
      %dma_start3A_237 = arith.constant 0 : i32
      %dma_start3A_238 = arith.constant 0 : i32
      %dma_start3A_239 = tpu.memref_slice %arg2[%dma_start3A_237, %dma_start3A_238] : memref<10000x128xf32, #tpu.memory_space<hbm>> -> memref<10000x128xf32, #tpu.memory_space<hbm>>
      tpu.enqueue_indirect_dma source(%dma_start3A_239 : memref<10000x128xf32, #tpu.memory_space<hbm>>) target(%arg10 : memref<128x128xf32, #tpu.memory_space<vmem>>) offsets(%dma_start3A_236 : memref<128xi32, #tpu.memory_space<vmem>>) semaphore(%arg13 : memref<!tpu.dma_semaphore, #tpu.memory_space<semaphore_mem>>)
      %dma_wait3A_240 = arith.constant 3 : i32
      %dma_wait3A_241 = arith.constant 0 : i32
      %dma_wait3A_242 = tpu.memref_slice %arg7[%dma_wait3A_240, %dma_wait3A_241] : memref<8x128xi32, #tpu.memory_space<vmem>> -> memref<1x128xi32, #tpu.memory_space<vmem>>
      %dma_wait3A_243 = tpu.memref_squeeze %dma_wait3A_242 : memref<1x128xi32, #tpu.memory_space<vmem>> -> memref<128xi32, #tpu.memory_space<vmem>>
      %dma_wait3A_244 = arith.constant 0 : i32
      %dma_wait3A_245 = arith.constant 0 : i32
      %dma_wait3A_246 = tpu.memref_slice %arg2[%dma_wait3A_244, %dma_wait3A_245] : memref<10000x128xf32, #tpu.memory_space<hbm>> -> memref<10000x128xf32, #tpu.memory_space<hbm>>
      tpu.wait_indirect_dma semaphore(%arg14 : memref<!tpu.dma_semaphore, #tpu.memory_space<semaphore_mem>>) src(%dma_wait3A_246 : memref<10000x128xf32, #tpu.memory_space<hbm>>) dst(%arg11 : memref<128x128xf32, #tpu.memory_space<vmem>>)
      %run_scoped3A_247 = arith.constant 3 : i32
      "tpu.region"() ({
        %run_scoped3A_307 = tpu.sem_alloc : memref<!tpu.dma_semaphore, #tpu.memory_space<semaphore_mem>>
        %dma_start3A_308 = arith.constant 0 : i32
        %dma_start3A_309 = tpu.memref_slice %arg9[%run_scoped3A_247, %dma_start3A_308] : memref<8x128xi32, #tpu.memory_space<vmem>> -> memref<1x128xi32, #tpu.memory_space<vmem>>
        %dma_start3A_310 = tpu.memref_squeeze %dma_start3A_309 : memref<1x128xi32, #tpu.memory_space<vmem>> -> memref<128xi32, #tpu.memory_space<vmem>>
        %dma_start3A_311 = arith.constant 0 : i32
        %dma_start3A_312 = arith.constant 0 : i32
        %dma_start3A_313 = tpu.memref_slice %arg12[%dma_start3A_311, %dma_start3A_312] : memref<10240x128xf32, #tpu.memory_space<vmem_shared>> -> memref<10240x128xf32, #tpu.memory_space<vmem_shared>>
        tpu.enqueue_indirect_dma source(%arg11 : memref<128x128xf32, #tpu.memory_space<vmem>>) target(%dma_start3A_313 : memref<10240x128xf32, #tpu.memory_space<vmem_shared>>) offsets(%dma_start3A_310 : memref<128xi32, #tpu.memory_space<vmem>>) semaphore(%run_scoped3A_307 : memref<!tpu.dma_semaphore, #tpu.memory_space<semaphore_mem>>) {add = true}
        %dma_wait3A_314 = arith.constant 0 : i32
        %dma_wait3A_315 = tpu.memref_slice %arg9[%run_scoped3A_247, %dma_wait3A_314] : memref<8x128xi32, #tpu.memory_space<vmem>> -> memref<1x128xi32, #tpu.memory_space<vmem>>
        %dma_wait3A_316 = tpu.memref_squeeze %dma_wait3A_315 : memref<1x128xi32, #tpu.memory_space<vmem>> -> memref<128xi32, #tpu.memory_space<vmem>>
        %dma_wait3A_317 = arith.constant 0 : i32
        %dma_wait3A_318 = arith.constant 0 : i32
        %dma_wait3A_319 = tpu.memref_slice %arg12[%dma_wait3A_317, %dma_wait3A_318] : memref<10240x128xf32, #tpu.memory_space<vmem_shared>> -> memref<10240x128xf32, #tpu.memory_space<vmem_shared>>
        tpu.wait_indirect_dma semaphore(%run_scoped3A_307 : memref<!tpu.dma_semaphore, #tpu.memory_space<semaphore_mem>>) src(%arg11 : memref<128x128xf32, #tpu.memory_space<vmem>>) dst(%dma_wait3A_319 : memref<10240x128xf32, #tpu.memory_space<vmem_shared>>)
        tpu.yield
      }) : () -> ()
      %dma_start3A_248 = arith.constant 5 : i32
      %dma_start3A_249 = arith.constant 0 : i32
      %dma_start3A_250 = tpu.memref_slice %arg7[%dma_start3A_248, %dma_start3A_249] : memref<8x128xi32, #tpu.memory_space<vmem>> -> memref<1x128xi32, #tpu.memory_space<vmem>>
      %dma_start3A_251 = tpu.memref_squeeze %dma_start3A_250 : memref<1x128xi32, #tpu.memory_space<vmem>> -> memref<128xi32, #tpu.memory_space<vmem>>
      %dma_start3A_252 = arith.constant 0 : i32
      %dma_start3A_253 = arith.constant 0 : i32
      %dma_start3A_254 = tpu.memref_slice %arg2[%dma_start3A_252, %dma_start3A_253] : memref<10000x128xf32, #tpu.memory_space<hbm>> -> memref<10000x128xf32, #tpu.memory_space<hbm>>
      tpu.enqueue_indirect_dma source(%dma_start3A_254 : memref<10000x128xf32, #tpu.memory_space<hbm>>) target(%arg11 : memref<128x128xf32, #tpu.memory_space<vmem>>) offsets(%dma_start3A_251 : memref<128xi32, #tpu.memory_space<vmem>>) semaphore(%arg14 : memref<!tpu.dma_semaphore, #tpu.memory_space<semaphore_mem>>)
      %dma_wait3A_255 = arith.constant 4 : i32
      %dma_wait3A_256 = arith.constant 0 : i32
      %dma_wait3A_257 = tpu.memref_slice %arg7[%dma_wait3A_255, %dma_wait3A_256] : memref<8x128xi32, #tpu.memory_space<vmem>> -> memref<1x128xi32, #tpu.memory_space<vmem>>
      %dma_wait3A_258 = tpu.memref_squeeze %dma_wait3A_257 : memref<1x128xi32, #tpu.memory_space<vmem>> -> memref<128xi32, #tpu.memory_space<vmem>>
      %dma_wait3A_259 = arith.constant 0 : i32
      %dma_wait3A_260 = arith.constant 0 : i32
      %dma_wait3A_261 = tpu.memref_slice %arg2[%dma_wait3A_259, %dma_wait3A_260] : memref<10000x128xf32, #tpu.memory_space<hbm>> -> memref<10000x128xf32, #tpu.memory_space<hbm>>
      tpu.wait_indirect_dma semaphore(%arg13 : memref<!tpu.dma_semaphore, #tpu.memory_space<semaphore_mem>>) src(%dma_wait3A_261 : memref<10000x128xf32, #tpu.memory_space<hbm>>) dst(%arg10 : memref<128x128xf32, #tpu.memory_space<vmem>>)
      %run_scoped3A_262 = arith.constant 4 : i32
      "tpu.region"() ({
        %run_scoped3A_307 = tpu.sem_alloc : memref<!tpu.dma_semaphore, #tpu.memory_space<semaphore_mem>>
        %dma_start3A_308 = arith.constant 0 : i32
        %dma_start3A_309 = tpu.memref_slice %arg9[%run_scoped3A_262, %dma_start3A_308] : memref<8x128xi32, #tpu.memory_space<vmem>> -> memref<1x128xi32, #tpu.memory_space<vmem>>
        %dma_start3A_310 = tpu.memref_squeeze %dma_start3A_309 : memref<1x128xi32, #tpu.memory_space<vmem>> -> memref<128xi32, #tpu.memory_space<vmem>>
        %dma_start3A_311 = arith.constant 0 : i32
        %dma_start3A_312 = arith.constant 0 : i32
        %dma_start3A_313 = tpu.memref_slice %arg12[%dma_start3A_311, %dma_start3A_312] : memref<10240x128xf32, #tpu.memory_space<vmem_shared>> -> memref<10240x128xf32, #tpu.memory_space<vmem_shared>>
        tpu.enqueue_indirect_dma source(%arg10 : memref<128x128xf32, #tpu.memory_space<vmem>>) target(%dma_start3A_313 : memref<10240x128xf32, #tpu.memory_space<vmem_shared>>) offsets(%dma_start3A_310 : memref<128xi32, #tpu.memory_space<vmem>>) semaphore(%run_scoped3A_307 : memref<!tpu.dma_semaphore, #tpu.memory_space<semaphore_mem>>) {add = true}
        %dma_wait3A_314 = arith.constant 0 : i32
        %dma_wait3A_315 = tpu.memref_slice %arg9[%run_scoped3A_262, %dma_wait3A_314] : memref<8x128xi32, #tpu.memory_space<vmem>> -> memref<1x128xi32, #tpu.memory_space<vmem>>
        %dma_wait3A_316 = tpu.memref_squeeze %dma_wait3A_315 : memref<1x128xi32, #tpu.memory_space<vmem>> -> memref<128xi32, #tpu.memory_space<vmem>>
        %dma_wait3A_317 = arith.constant 0 : i32
        %dma_wait3A_318 = arith.constant 0 : i32
        %dma_wait3A_319 = tpu.memref_slice %arg12[%dma_wait3A_317, %dma_wait3A_318] : memref<10240x128xf32, #tpu.memory_space<vmem_shared>> -> memref<10240x128xf32, #tpu.memory_space<vmem_shared>>
        tpu.wait_indirect_dma semaphore(%run_scoped3A_307 : memref<!tpu.dma_semaphore, #tpu.memory_space<semaphore_mem>>) src(%arg10 : memref<128x128xf32, #tpu.memory_space<vmem>>) dst(%dma_wait3A_319 : memref<10240x128xf32, #tpu.memory_space<vmem_shared>>)
        tpu.yield
      }) : () -> ()
      %dma_start3A_263 = arith.constant 6 : i32
      %dma_start3A_264 = arith.constant 0 : i32
      %dma_start3A_265 = tpu.memref_slice %arg7[%dma_start3A_263, %dma_start3A_264] : memref<8x128xi32, #tpu.memory_space<vmem>> -> memref<1x128xi32, #tpu.memory_space<vmem>>
      %dma_start3A_266 = tpu.memref_squeeze %dma_start3A_265 : memref<1x128xi32, #tpu.memory_space<vmem>> -> memref<128xi32, #tpu.memory_space<vmem>>
      %dma_start3A_267 = arith.constant 0 : i32
      %dma_start3A_268 = arith.constant 0 : i32
      %dma_start3A_269 = tpu.memref_slice %arg2[%dma_start3A_267, %dma_start3A_268] : memref<10000x128xf32, #tpu.memory_space<hbm>> -> memref<10000x128xf32, #tpu.memory_space<hbm>>
      tpu.enqueue_indirect_dma source(%dma_start3A_269 : memref<10000x128xf32, #tpu.memory_space<hbm>>) target(%arg10 : memref<128x128xf32, #tpu.memory_space<vmem>>) offsets(%dma_start3A_266 : memref<128xi32, #tpu.memory_space<vmem>>) semaphore(%arg13 : memref<!tpu.dma_semaphore, #tpu.memory_space<semaphore_mem>>)
      %dma_wait3A_270 = arith.constant 5 : i32
      %dma_wait3A_271 = arith.constant 0 : i32
      %dma_wait3A_272 = tpu.memref_slice %arg7[%dma_wait3A_270, %dma_wait3A_271] : memref<8x128xi32, #tpu.memory_space<vmem>> -> memref<1x128xi32, #tpu.memory_space<vmem>>
      %dma_wait3A_273 = tpu.memref_squeeze %dma_wait3A_272 : memref<1x128xi32, #tpu.memory_space<vmem>> -> memref<128xi32, #tpu.memory_space<vmem>>
      %dma_wait3A_274 = arith.constant 0 : i32
      %dma_wait3A_275 = arith.constant 0 : i32
      %dma_wait3A_276 = tpu.memref_slice %arg2[%dma_wait3A_274, %dma_wait3A_275] : memref<10000x128xf32, #tpu.memory_space<hbm>> -> memref<10000x128xf32, #tpu.memory_space<hbm>>
      tpu.wait_indirect_dma semaphore(%arg14 : memref<!tpu.dma_semaphore, #tpu.memory_space<semaphore_mem>>) src(%dma_wait3A_276 : memref<10000x128xf32, #tpu.memory_space<hbm>>) dst(%arg11 : memref<128x128xf32, #tpu.memory_space<vmem>>)
      %run_scoped3A_277 = arith.constant 5 : i32
      "tpu.region"() ({
        %run_scoped3A_307 = tpu.sem_alloc : memref<!tpu.dma_semaphore, #tpu.memory_space<semaphore_mem>>
        %dma_start3A_308 = arith.constant 0 : i32
        %dma_start3A_309 = tpu.memref_slice %arg9[%run_scoped3A_277, %dma_start3A_308] : memref<8x128xi32, #tpu.memory_space<vmem>> -> memref<1x128xi32, #tpu.memory_space<vmem>>
        %dma_start3A_310 = tpu.memref_squeeze %dma_start3A_309 : memref<1x128xi32, #tpu.memory_space<vmem>> -> memref<128xi32, #tpu.memory_space<vmem>>
        %dma_start3A_311 = arith.constant 0 : i32
        %dma_start3A_312 = arith.constant 0 : i32
        %dma_start3A_313 = tpu.memref_slice %arg12[%dma_start3A_311, %dma_start3A_312] : memref<10240x128xf32, #tpu.memory_space<vmem_shared>> -> memref<10240x128xf32, #tpu.memory_space<vmem_shared>>
        tpu.enqueue_indirect_dma source(%arg11 : memref<128x128xf32, #tpu.memory_space<vmem>>) target(%dma_start3A_313 : memref<10240x128xf32, #tpu.memory_space<vmem_shared>>) offsets(%dma_start3A_310 : memref<128xi32, #tpu.memory_space<vmem>>) semaphore(%run_scoped3A_307 : memref<!tpu.dma_semaphore, #tpu.memory_space<semaphore_mem>>) {add = true}
        %dma_wait3A_314 = arith.constant 0 : i32
        %dma_wait3A_315 = tpu.memref_slice %arg9[%run_scoped3A_277, %dma_wait3A_314] : memref<8x128xi32, #tpu.memory_space<vmem>> -> memref<1x128xi32, #tpu.memory_space<vmem>>
        %dma_wait3A_316 = tpu.memref_squeeze %dma_wait3A_315 : memref<1x128xi32, #tpu.memory_space<vmem>> -> memref<128xi32, #tpu.memory_space<vmem>>
        %dma_wait3A_317 = arith.constant 0 : i32
        %dma_wait3A_318 = arith.constant 0 : i32
        %dma_wait3A_319 = tpu.memref_slice %arg12[%dma_wait3A_317, %dma_wait3A_318] : memref<10240x128xf32, #tpu.memory_space<vmem_shared>> -> memref<10240x128xf32, #tpu.memory_space<vmem_shared>>
        tpu.wait_indirect_dma semaphore(%run_scoped3A_307 : memref<!tpu.dma_semaphore, #tpu.memory_space<semaphore_mem>>) src(%arg11 : memref<128x128xf32, #tpu.memory_space<vmem>>) dst(%dma_wait3A_319 : memref<10240x128xf32, #tpu.memory_space<vmem_shared>>)
        tpu.yield
      }) : () -> ()
      %dma_start3A_278 = arith.constant 7 : i32
      %dma_start3A_279 = arith.constant 0 : i32
      %dma_start3A_280 = tpu.memref_slice %arg7[%dma_start3A_278, %dma_start3A_279] : memref<8x128xi32, #tpu.memory_space<vmem>> -> memref<1x128xi32, #tpu.memory_space<vmem>>
      %dma_start3A_281 = tpu.memref_squeeze %dma_start3A_280 : memref<1x128xi32, #tpu.memory_space<vmem>> -> memref<128xi32, #tpu.memory_space<vmem>>
      %dma_start3A_282 = arith.constant 0 : i32
      %dma_start3A_283 = arith.constant 0 : i32
      %dma_start3A_284 = tpu.memref_slice %arg2[%dma_start3A_282, %dma_start3A_283] : memref<10000x128xf32, #tpu.memory_space<hbm>> -> memref<10000x128xf32, #tpu.memory_space<hbm>>
      tpu.enqueue_indirect_dma source(%dma_start3A_284 : memref<10000x128xf32, #tpu.memory_space<hbm>>) target(%arg11 : memref<128x128xf32, #tpu.memory_space<vmem>>) offsets(%dma_start3A_281 : memref<128xi32, #tpu.memory_space<vmem>>) semaphore(%arg14 : memref<!tpu.dma_semaphore, #tpu.memory_space<semaphore_mem>>)
      %dma_wait3A_285 = arith.constant 6 : i32
      %dma_wait3A_286 = arith.constant 0 : i32
      %dma_wait3A_287 = tpu.memref_slice %arg7[%dma_wait3A_285, %dma_wait3A_286] : memref<8x128xi32, #tpu.memory_space<vmem>> -> memref<1x128xi32, #tpu.memory_space<vmem>>
      %dma_wait3A_288 = tpu.memref_squeeze %dma_wait3A_287 : memref<1x128xi32, #tpu.memory_space<vmem>> -> memref<128xi32, #tpu.memory_space<vmem>>
      %dma_wait3A_289 = arith.constant 0 : i32
      %dma_wait3A_290 = arith.constant 0 : i32
      %dma_wait3A_291 = tpu.memref_slice %arg2[%dma_wait3A_289, %dma_wait3A_290] : memref<10000x128xf32, #tpu.memory_space<hbm>> -> memref<10000x128xf32, #tpu.memory_space<hbm>>
      tpu.wait_indirect_dma semaphore(%arg13 : memref<!tpu.dma_semaphore, #tpu.memory_space<semaphore_mem>>) src(%dma_wait3A_291 : memref<10000x128xf32, #tpu.memory_space<hbm>>) dst(%arg10 : memref<128x128xf32, #tpu.memory_space<vmem>>)
      %run_scoped3A_292 = arith.constant 6 : i32
      "tpu.region"() ({
        %run_scoped3A_307 = tpu.sem_alloc : memref<!tpu.dma_semaphore, #tpu.memory_space<semaphore_mem>>
        %dma_start3A_308 = arith.constant 0 : i32
        %dma_start3A_309 = tpu.memref_slice %arg9[%run_scoped3A_292, %dma_start3A_308] : memref<8x128xi32, #tpu.memory_space<vmem>> -> memref<1x128xi32, #tpu.memory_space<vmem>>
        %dma_start3A_310 = tpu.memref_squeeze %dma_start3A_309 : memref<1x128xi32, #tpu.memory_space<vmem>> -> memref<128xi32, #tpu.memory_space<vmem>>
        %dma_start3A_311 = arith.constant 0 : i32
        %dma_start3A_312 = arith.constant 0 : i32
        %dma_start3A_313 = tpu.memref_slice %arg12[%dma_start3A_311, %dma_start3A_312] : memref<10240x128xf32, #tpu.memory_space<vmem_shared>> -> memref<10240x128xf32, #tpu.memory_space<vmem_shared>>
        tpu.enqueue_indirect_dma source(%arg10 : memref<128x128xf32, #tpu.memory_space<vmem>>) target(%dma_start3A_313 : memref<10240x128xf32, #tpu.memory_space<vmem_shared>>) offsets(%dma_start3A_310 : memref<128xi32, #tpu.memory_space<vmem>>) semaphore(%run_scoped3A_307 : memref<!tpu.dma_semaphore, #tpu.memory_space<semaphore_mem>>) {add = true}
        %dma_wait3A_314 = arith.constant 0 : i32
        %dma_wait3A_315 = tpu.memref_slice %arg9[%run_scoped3A_292, %dma_wait3A_314] : memref<8x128xi32, #tpu.memory_space<vmem>> -> memref<1x128xi32, #tpu.memory_space<vmem>>
        %dma_wait3A_316 = tpu.memref_squeeze %dma_wait3A_315 : memref<1x128xi32, #tpu.memory_space<vmem>> -> memref<128xi32, #tpu.memory_space<vmem>>
        %dma_wait3A_317 = arith.constant 0 : i32
        %dma_wait3A_318 = arith.constant 0 : i32
        %dma_wait3A_319 = tpu.memref_slice %arg12[%dma_wait3A_317, %dma_wait3A_318] : memref<10240x128xf32, #tpu.memory_space<vmem_shared>> -> memref<10240x128xf32, #tpu.memory_space<vmem_shared>>
        tpu.wait_indirect_dma semaphore(%run_scoped3A_307 : memref<!tpu.dma_semaphore, #tpu.memory_space<semaphore_mem>>) src(%arg10 : memref<128x128xf32, #tpu.memory_space<vmem>>) dst(%dma_wait3A_319 : memref<10240x128xf32, #tpu.memory_space<vmem_shared>>)
        tpu.yield
      }) : () -> ()
      %dma_wait3A_293 = arith.constant 7 : i32
      %dma_wait3A_294 = arith.constant 0 : i32
      %dma_wait3A_295 = tpu.memref_slice %arg7[%dma_wait3A_293, %dma_wait3A_294] : memref<8x128xi32, #tpu.memory_space<vmem>> -> memref<1x128xi32, #tpu.memory_space<vmem>>
      %dma_wait3A_296 = tpu.memref_squeeze %dma_wait3A_295 : memref<1x128xi32, #tpu.memory_space<vmem>> -> memref<128xi32, #tpu.memory_space<vmem>>
      %dma_wait3A_297 = arith.constant 0 : i32
      %dma_wait3A_298 = arith.constant 0 : i32
      %dma_wait3A_299 = tpu.memref_slice %arg2[%dma_wait3A_297, %dma_wait3A_298] : memref<10000x128xf32, #tpu.memory_space<hbm>> -> memref<10000x128xf32, #tpu.memory_space<hbm>>
      tpu.wait_indirect_dma semaphore(%arg14 : memref<!tpu.dma_semaphore, #tpu.memory_space<semaphore_mem>>) src(%dma_wait3A_299 : memref<10000x128xf32, #tpu.memory_space<hbm>>) dst(%arg11 : memref<128x128xf32, #tpu.memory_space<vmem>>)
      %run_scoped3A_300 = arith.constant 7 : i32
      "tpu.region"() ({
        %run_scoped3A_307 = tpu.sem_alloc : memref<!tpu.dma_semaphore, #tpu.memory_space<semaphore_mem>>
        %dma_start3A_308 = arith.constant 0 : i32
        %dma_start3A_309 = tpu.memref_slice %arg9[%run_scoped3A_300, %dma_start3A_308] : memref<8x128xi32, #tpu.memory_space<vmem>> -> memref<1x128xi32, #tpu.memory_space<vmem>>
        %dma_start3A_310 = tpu.memref_squeeze %dma_start3A_309 : memref<1x128xi32, #tpu.memory_space<vmem>> -> memref<128xi32, #tpu.memory_space<vmem>>
        %dma_start3A_311 = arith.constant 0 : i32
        %dma_start3A_312 = arith.constant 0 : i32
        %dma_start3A_313 = tpu.memref_slice %arg12[%dma_start3A_311, %dma_start3A_312] : memref<10240x128xf32, #tpu.memory_space<vmem_shared>> -> memref<10240x128xf32, #tpu.memory_space<vmem_shared>>
        tpu.enqueue_indirect_dma source(%arg11 : memref<128x128xf32, #tpu.memory_space<vmem>>) target(%dma_start3A_313 : memref<10240x128xf32, #tpu.memory_space<vmem_shared>>) offsets(%dma_start3A_310 : memref<128xi32, #tpu.memory_space<vmem>>) semaphore(%run_scoped3A_307 : memref<!tpu.dma_semaphore, #tpu.memory_space<semaphore_mem>>) {add = true}
        %dma_wait3A_314 = arith.constant 0 : i32
        %dma_wait3A_315 = tpu.memref_slice %arg9[%run_scoped3A_300, %dma_wait3A_314] : memref<8x128xi32, #tpu.memory_space<vmem>> -> memref<1x128xi32, #tpu.memory_space<vmem>>
        %dma_wait3A_316 = tpu.memref_squeeze %dma_wait3A_315 : memref<1x128xi32, #tpu.memory_space<vmem>> -> memref<128xi32, #tpu.memory_space<vmem>>
        %dma_wait3A_317 = arith.constant 0 : i32
        %dma_wait3A_318 = arith.constant 0 : i32
        %dma_wait3A_319 = tpu.memref_slice %arg12[%dma_wait3A_317, %dma_wait3A_318] : memref<10240x128xf32, #tpu.memory_space<vmem_shared>> -> memref<10240x128xf32, #tpu.memory_space<vmem_shared>>
        tpu.wait_indirect_dma semaphore(%run_scoped3A_307 : memref<!tpu.dma_semaphore, #tpu.memory_space<semaphore_mem>>) src(%arg11 : memref<128x128xf32, #tpu.memory_space<vmem>>) dst(%dma_wait3A_319 : memref<10240x128xf32, #tpu.memory_space<vmem_shared>>)
        tpu.yield
      }) : () -> ()
      %lt3A_301 = arith.constant 4 : i32
      %lt3A_302 = arith.cmpi slt, %scan3A_48, %lt3A_301 : i32
      %convert_element_type3A_303 = arith.extui %lt3A_302 : i1 to i32
      %cond3A_304 = arith.constant 0 : i32
      %cond3A_305 = arith.cmpi ne, %convert_element_type3A_303, %cond3A_304 : i32
      scf.if %cond3A_305 {
        %add3A_307 = arith.constant 3 : i32
        %add3A_308 = arith.addi %mul3A_51, %add3A_307 : i32
        %mul3A_309 = arith.constant 80 : i32
        %mul3A_310 = arith.muli %add3A, %mul3A_309 : i32
        %mul3A_311 = arith.constant 8 : i32
        %mul3A_312 = arith.muli %add3A_308, %mul3A_311 : i32
        %add3A_313 = arith.addi %mul3A_310, %mul3A_312 : i32
        %dma_start3A_314 = arith.constant 0 : i32
        %dma_start3A_315 = tpu.memref_slice %arg3[%add3A_313, %dma_start3A_314] : memref<2560x128xi32, #tpu.memory_space<hbm>> -> memref<8x128xi32, #tpu.memory_space<hbm>>
        %dma_start3A_316 = arith.constant 0 : i32
        %dma_start3A_317 = tpu.memref_slice %arg3[%add3A_313, %dma_start3A_316] : memref<2560x128xi32, #tpu.memory_space<hbm>> -> memref<8x128xi32, #tpu.memory_space<hbm>>
        tpu.enqueue_dma source(%dma_start3A_317 : memref<8x128xi32, #tpu.memory_space<hbm>>) target(%arg7 : memref<8x128xi32, #tpu.memory_space<vmem>>) target_semaphore(%arg16 : memref<!tpu.dma_semaphore, #tpu.memory_space<semaphore_mem>>)
        %dma_start3A_318 = arith.constant 0 : i32
        %dma_start3A_319 = tpu.memref_slice %arg4[%add3A_313, %dma_start3A_318] : memref<2560x128xi32, #tpu.memory_space<hbm>> -> memref<8x128xi32, #tpu.memory_space<hbm>>
        %dma_start3A_320 = arith.constant 0 : i32
        %dma_start3A_321 = tpu.memref_slice %arg4[%add3A_313, %dma_start3A_320] : memref<2560x128xi32, #tpu.memory_space<hbm>> -> memref<8x128xi32, #tpu.memory_space<hbm>>
        tpu.enqueue_dma source(%dma_start3A_321 : memref<8x128xi32, #tpu.memory_space<hbm>>) target(%arg9 : memref<8x128xi32, #tpu.memory_space<vmem>>) target_semaphore(%arg16 : memref<!tpu.dma_semaphore, #tpu.memory_space<semaphore_mem>>)
      } else {
      }
      %scan3A_306 = arith.constant 0 : i32
      scf.yield %scan3A_306 : i32
    }
    %scan3A_42 = arith.constant 5 : i32
    %barrier3A_43 = arith.constant 0 : index
    tpu.barrier barrier_id(%barrier3A_43)
    %mul3A_44 = arith.constant 640 : i32
    %mul3A_45 = arith.muli %arg1, %mul3A_44 : i32
    %mul3A_46 = arith.constant 640 : i32
    %mul3A_47 = arith.muli %arg1, %mul3A_46 : i32
    "tpu.region"() ({
      %run_scoped3A = tpu.sem_alloc : memref<!tpu.dma_semaphore, #tpu.memory_space<semaphore_mem>>
      %dma_start3A_48 = arith.constant 0 : i32
      %dma_start3A_49 = tpu.memref_slice %arg5[%arg0, %mul3A_47, %dma_start3A_48] : memref<2x10240x128xf32, #tpu.memory_space<hbm>> -> memref<1x640x128xf32, #tpu.memory_space<hbm>>
      %dma_start3A_50 = tpu.memref_squeeze %dma_start3A_49 : memref<1x640x128xf32, #tpu.memory_space<hbm>> -> memref<640x128xf32, #tpu.memory_space<hbm>>
      %dma_start3A_51 = arith.constant 0 : i32
      %dma_start3A_52 = tpu.memref_slice %arg12[%mul3A_45, %dma_start3A_51] : memref<10240x128xf32, #tpu.memory_space<vmem_shared>> -> memref<640x128xf32, #tpu.memory_space<vmem_shared>>
      tpu.enqueue_dma source(%dma_start3A_52 : memref<640x128xf32, #tpu.memory_space<vmem_shared>>) target(%dma_start3A_50 : memref<640x128xf32, #tpu.memory_space<hbm>>) target_semaphore(%run_scoped3A : memref<!tpu.dma_semaphore, #tpu.memory_space<semaphore_mem>>)
      %dma_wait3A = arith.constant 0 : i32
      %dma_wait3A_53 = tpu.memref_slice %arg5[%arg0, %mul3A_47, %dma_wait3A] : memref<2x10240x128xf32, #tpu.memory_space<hbm>> -> memref<1x640x128xf32, #tpu.memory_space<hbm>>
      %dma_wait3A_54 = tpu.memref_squeeze %dma_wait3A_53 : memref<1x640x128xf32, #tpu.memory_space<hbm>> -> memref<640x128xf32, #tpu.memory_space<hbm>>
      %dma_wait3A_55 = arith.constant 0 : i32
      %dma_wait3A_56 = tpu.memref_slice %arg12[%mul3A_45, %dma_wait3A_55] : memref<10240x128xf32, #tpu.memory_space<vmem_shared>> -> memref<640x128xf32, #tpu.memory_space<vmem_shared>>
      tpu.wait_dma2 semaphore(%run_scoped3A : memref<!tpu.dma_semaphore, #tpu.memory_space<semaphore_mem>>) src(%dma_wait3A_56 : memref<640x128xf32, #tpu.memory_space<vmem_shared>>) dst(%dma_wait3A_54 : memref<640x128xf32, #tpu.memory_space<hbm>>)
      tpu.yield
    }) : () -> ()
    return
  }
}

#map = affine_map<(d0, d1) -> (0, 0)>
#map1 = affine_map<(d0, d1) -> (0, 0, 0)>
module attributes {stable_mosaic.version = 14 : i64} {
  func.func @_sc_agg(%arg0: i32, %arg1: i32, %arg2: memref<10000x128xf32, #tpu.memory_space<hbm>>, %arg3: memref<2560x128xi32, #tpu.memory_space<hbm>>, %arg4: memref<2560x128xi32, #tpu.memory_space<hbm>>, %arg5: memref<2x10240x128xf32, #tpu.memory_space<hbm>>, %arg6: memref<8x128xi32, #tpu.memory_space<vmem>>, %arg7: memref<8x128xi32, #tpu.memory_space<vmem>>, %arg8: memref<8x128xi32, #tpu.memory_space<vmem>>, %arg9: memref<8x128xi32, #tpu.memory_space<vmem>>, %arg10: memref<128x128xf32, #tpu.memory_space<vmem>>, %arg11: memref<128x128xf32, #tpu.memory_space<vmem>>, %arg12: memref<10240x128xf32, #tpu.memory_space<vmem_shared>>, %arg13: memref<!tpu.dma_semaphore, #tpu.memory_space<semaphore_mem>>, %arg14: memref<!tpu.dma_semaphore, #tpu.memory_space<semaphore_mem>>, %arg15: memref<!tpu.dma_semaphore, #tpu.memory_space<semaphore_mem>>, %arg16: memref<!tpu.dma_semaphore, #tpu.memory_space<semaphore_mem>>) attributes {dimension_semantics = [#tpu.dimension_semantics<core_parallel>, #tpu.dimension_semantics<subcore_parallel>], iteration_bounds = array<i64: 2, 16>, scalar_prefetch = 0 : i64, scratch_operands = 11 : i64, tpu.core_type = #tpu.core_type<sc_vector_subcore>, window_params = [{transform_indices = #map}, {transform_indices = #map}, {transform_indices = #map}, {transform_indices = #map1}]} {
    %scan3A = arith.constant 0 : i32
    %scan3A_0 = arith.constant 0 : i32
    %scan3A_1 = arith.constant 1024 : i32
    %scan3A_2 = arith.addi %scan3A_0, %scan3A_1 : i32
    %scan3A_3 = arith.constant 1 : i32
    %scan3A_4 = scf.for %scan3A_48 = %scan3A_0 to %scan3A_2 step %scan3A_3 iter_args(%scan3A_49 = %scan3A) -> (i32)  : i32 {
      %broadcast_in_dim3A = arith.constant 0.000000e+00 : f32
      %broadcast_in_dim3A_50 = vector.broadcast %broadcast_in_dim3A : f32 to vector<16xf32>
      %jit3A = arith.constant 8 : i32
      %div3A = arith.divsi %scan3A_48, %jit3A : i32
      %sign3A = arith.constant 0 : i32
      %sign3A_51 = arith.cmpi sgt, %scan3A_48, %sign3A : i32
      %sign3A_52 = arith.extui %sign3A_51 : i1 to i32
      %sign3A_53 = arith.constant 0 : i32
      %sign3A_54 = arith.cmpi slt, %scan3A_48, %sign3A_53 : i32
      %sign3A_55 = arith.extui %sign3A_54 : i1 to i32
      %sign3A_56 = arith.subi %sign3A_52, %sign3A_55 : i32
      %sign3A_57 = arith.constant 0 : i32
      %sign3A_58 = arith.cmpi sgt, %jit3A, %sign3A_57 : i32
      %sign3A_59 = arith.extui %sign3A_58 : i1 to i32
      %sign3A_60 = arith.constant 0 : i32
      %sign3A_61 = arith.cmpi slt, %jit3A, %sign3A_60 : i32
      %sign3A_62 = arith.extui %sign3A_61 : i1 to i32
      %sign3A_63 = arith.subi %sign3A_59, %sign3A_62 : i32
      %ne3A = arith.cmpi ne, %sign3A_56, %sign3A_63 : i32
      %rem3A = arith.remsi %scan3A_48, %jit3A : i32
      %ne3A_64 = arith.constant 0 : i32
      %ne3A_65 = arith.cmpi ne, %rem3A, %ne3A_64 : i32
      %and3A = arith.andi %ne3A, %ne3A_65 : i1
      %sub3A = arith.constant 1 : i32
      %sub3A_66 = arith.subi %div3A, %sub3A : i32
      %select_n3A = arith.select %and3A, %sub3A_66, %div3A : i32
      %jit3A_67 = arith.constant 8 : i32
      %eq3A = arith.constant 0 : i32
      %eq3A_68 = arith.cmpi eq, %jit3A_67, %eq3A : i32
      %jit3A_69 = arith.constant 1 : i32
      %select_n3A_70 = arith.select %eq3A_68, %jit3A_69, %jit3A_67 : i32
      %rem3A_71 = arith.remsi %scan3A_48, %select_n3A_70 : i32
      %ne3A_72 = arith.constant 0 : i32
      %ne3A_73 = arith.cmpi ne, %rem3A_71, %ne3A_72 : i32
      %lt3A = arith.constant 0 : i32
      %lt3A_74 = arith.cmpi slt, %rem3A_71, %lt3A : i32
      %lt3A_75 = arith.constant 0 : i32
      %lt3A_76 = arith.cmpi slt, %select_n3A_70, %lt3A_75 : i32
      %ne3A_77 = arith.xori %lt3A_74, %lt3A_76 : i1
      %and3A_78 = arith.andi %ne3A_77, %ne3A_73 : i1
      %add3A_79 = arith.addi %rem3A_71, %select_n3A_70 : i32
      %select_n3A_80 = arith.select %and3A_78, %add3A_79, %rem3A_71 : i32
      %mul3A_81 = arith.constant 16 : i32
      %mul3A_82 = arith.muli %select_n3A_80, %mul3A_81 : i32
      %swap3A = arith.index_cast %select_n3A : i32 to index
      %swap3A_83 = arith.index_cast %mul3A_82 : i32 to index
      %swap3A_84 = tpu.vector_load %arg10[%swap3A, %swap3A_83] {strides = array<i32>} : memref<128x128xf32, #tpu.memory_space<vmem>>, vector<1x16xf32>,
      %swap3A_85 = vector.shape_cast %swap3A_84 : vector<1x16xf32> to vector<16xf32>
      %swap3A_86 = vector.shape_cast %broadcast_in_dim3A_50 : vector<16xf32> to vector<1x16xf32>
      tpu.vector_store %arg10[%swap3A, %swap3A_83], %swap3A_86 {strides = array<i32>} : memref<128x128xf32, #tpu.memory_space<vmem>>, vector<1x16xf32>,
      %scan3A_87 = arith.constant 0 : i32
      scf.yield %scan3A_87 : i32
    }
    %scan3A_5 = arith.constant 1024 : i32
    %scan3A_6 = arith.constant 0 : i32
    %scan3A_7 = arith.constant 0 : i32
    %scan3A_8 = arith.constant 5 : i32
    %scan3A_9 = arith.addi %scan3A_7, %scan3A_8 : i32
    %scan3A_10 = arith.constant 1 : i32
    %scan3A_11 = scf.for %scan3A_48 = %scan3A_7 to %scan3A_9 step %scan3A_10 iter_args(%scan3A_49 = %scan3A_6) -> (i32)  : i32 {
      %mul3A_50 = arith.constant 640 : i32
      %mul3A_51 = arith.muli %arg1, %mul3A_50 : i32
      %mul3A_52 = arith.constant 128 : i32
      %mul3A_53 = arith.muli %scan3A_48, %mul3A_52 : i32
      %add3A_54 = arith.addi %mul3A_51, %mul3A_53 : i32
      "tpu.region"() ({
        %run_scoped3A = tpu.sem_alloc : memref<!tpu.dma_semaphore, #tpu.memory_space<semaphore_mem>>
        %dma_start3A_56 = arith.constant 0 : i32
        %dma_start3A_57 = tpu.memref_slice %arg12[%add3A_54, %dma_start3A_56] : memref<10240x128xf32, #tpu.memory_space<vmem_shared>> -> memref<128x128xf32, #tpu.memory_space<vmem_shared>>
        %dma_start3A_58 = arith.constant 0 : i32
        %dma_start3A_59 = tpu.memref_slice %arg12[%add3A_54, %dma_start3A_58] : memref<10240x128xf32, #tpu.memory_space<vmem_shared>> -> memref<128x128xf32, #tpu.memory_space<vmem_shared>>
        tpu.enqueue_dma source(%arg10 : memref<128x128xf32, #tpu.memory_space<vmem>>) target(%dma_start3A_59 : memref<128x128xf32, #tpu.memory_space<vmem_shared>>) target_semaphore(%run_scoped3A : memref<!tpu.dma_semaphore, #tpu.memory_space<semaphore_mem>>)
        %dma_wait3A = arith.constant 0 : i32
        %dma_wait3A_60 = tpu.memref_slice %arg12[%add3A_54, %dma_wait3A] : memref<10240x128xf32, #tpu.memory_space<vmem_shared>> -> memref<128x128xf32, #tpu.memory_space<vmem_shared>>
        %dma_wait3A_61 = arith.constant 0 : i32
        %dma_wait3A_62 = tpu.memref_slice %arg12[%add3A_54, %dma_wait3A_61] : memref<10240x128xf32, #tpu.memory_space<vmem_shared>> -> memref<128x128xf32, #tpu.memory_space<vmem_shared>>
        tpu.wait_dma2 semaphore(%run_scoped3A : memref<!tpu.dma_semaphore, #tpu.memory_space<semaphore_mem>>) src(%arg10 : memref<128x128xf32, #tpu.memory_space<vmem>>) dst(%dma_wait3A_62 : memref<128x128xf32, #tpu.memory_space<vmem_shared>>)
        tpu.yield
      }) : () -> ()
      %scan3A_55 = arith.constant 0 : i32
      scf.yield %scan3A_55 : i32
    }
    %scan3A_12 = arith.constant 5 : i32
    %mul3A = arith.constant 16 : i32
    %mul3A_13 = arith.muli %arg0, %mul3A : i32
    %add3A = arith.addi %mul3A_13, %arg1 : i32
    %barrier3A = arith.constant 0 : index
    tpu.barrier barrier_id(%barrier3A)
    %mul3A_14 = arith.constant 80 : i32
    %mul3A_15 = arith.muli %add3A, %mul3A_14 : i32
    "tpu.region"() ({
      %run_scoped3A = tpu.sem_alloc : memref<!tpu.dma_semaphore, #tpu.memory_space<semaphore_mem>>
      %dma_start3A_48 = arith.constant 0 : i32
      %dma_start3A_49 = tpu.memref_slice %arg3[%mul3A_15, %dma_start3A_48] : memref<2560x128xi32, #tpu.memory_space<hbm>> -> memref<8x128xi32, #tpu.memory_space<hbm>>
      %dma_start3A_50 = arith.constant 0 : i32
      %dma_start3A_51 = tpu.memref_slice %arg3[%mul3A_15, %dma_start3A_50] : memref<2560x128xi32, #tpu.memory_space<hbm>> -> memref<8x128xi32, #tpu.memory_space<hbm>>
      tpu.enqueue_dma source(%dma_start3A_51 : memref<8x128xi32, #tpu.memory_space<hbm>>) target(%arg6 : memref<8x128xi32, #tpu.memory_space<vmem>>) target_semaphore(%run_scoped3A : memref<!tpu.dma_semaphore, #tpu.memory_space<semaphore_mem>>)
      %dma_wait3A = arith.constant 0 : i32
      %dma_wait3A_52 = tpu.memref_slice %arg3[%mul3A_15, %dma_wait3A] : memref<2560x128xi32, #tpu.memory_space<hbm>> -> memref<8x128xi32, #tpu.memory_space<hbm>>
      %dma_wait3A_53 = arith.constant 0 : i32
      %dma_wait3A_54 = tpu.memref_slice %arg3[%mul3A_15, %dma_wait3A_53] : memref<2560x128xi32, #tpu.memory_space<hbm>> -> memref<8x128xi32, #tpu.memory_space<hbm>>
      tpu.wait_dma2 semaphore(%run_scoped3A : memref<!tpu.dma_semaphore, #tpu.memory_space<semaphore_mem>>) src(%dma_wait3A_54 : memref<8x128xi32, #tpu.memory_space<hbm>>) dst(%arg6 : memref<8x128xi32, #tpu.memory_space<vmem>>)
      tpu.yield
    }) : () -> ()
    %mul3A_16 = arith.constant 80 : i32
    %mul3A_17 = arith.muli %add3A, %mul3A_16 : i32
    "tpu.region"() ({
      %run_scoped3A = tpu.sem_alloc : memref<!tpu.dma_semaphore, #tpu.memory_space<semaphore_mem>>
      %dma_start3A_48 = arith.constant 0 : i32
      %dma_start3A_49 = tpu.memref_slice %arg4[%mul3A_17, %dma_start3A_48] : memref<2560x128xi32, #tpu.memory_space<hbm>> -> memref<8x128xi32, #tpu.memory_space<hbm>>
      %dma_start3A_50 = arith.constant 0 : i32
      %dma_start3A_51 = tpu.memref_slice %arg4[%mul3A_17, %dma_start3A_50] : memref<2560x128xi32, #tpu.memory_space<hbm>> -> memref<8x128xi32, #tpu.memory_space<hbm>>
      tpu.enqueue_dma source(%dma_start3A_51 : memref<8x128xi32, #tpu.memory_space<hbm>>) target(%arg8 : memref<8x128xi32, #tpu.memory_space<vmem>>) target_semaphore(%run_scoped3A : memref<!tpu.dma_semaphore, #tpu.memory_space<semaphore_mem>>)
      %dma_wait3A = arith.constant 0 : i32
      %dma_wait3A_52 = tpu.memref_slice %arg4[%mul3A_17, %dma_wait3A] : memref<2560x128xi32, #tpu.memory_space<hbm>> -> memref<8x128xi32, #tpu.memory_space<hbm>>
      %dma_wait3A_53 = arith.constant 0 : i32
      %dma_wait3A_54 = tpu.memref_slice %arg4[%mul3A_17, %dma_wait3A_53] : memref<2560x128xi32, #tpu.memory_space<hbm>> -> memref<8x128xi32, #tpu.memory_space<hbm>>
      tpu.wait_dma2 semaphore(%run_scoped3A : memref<!tpu.dma_semaphore, #tpu.memory_space<semaphore_mem>>) src(%dma_wait3A_54 : memref<8x128xi32, #tpu.memory_space<hbm>>) dst(%arg8 : memref<8x128xi32, #tpu.memory_space<vmem>>)
      tpu.yield
    }) : () -> ()
    %mul3A_18 = arith.constant 80 : i32
    %mul3A_19 = arith.muli %add3A, %mul3A_18 : i32
    %add3A_20 = arith.constant 8 : i32
    %add3A_21 = arith.addi %mul3A_19, %add3A_20 : i32
    %dma_start3A = arith.constant 0 : i32
    %dma_start3A_22 = tpu.memref_slice %arg3[%add3A_21, %dma_start3A] : memref<2560x128xi32, #tpu.memory_space<hbm>> -> memref<8x128xi32, #tpu.memory_space<hbm>>
    %dma_start3A_23 = arith.constant 0 : i32
    %dma_start3A_24 = tpu.memref_slice %arg3[%add3A_21, %dma_start3A_23] : memref<2560x128xi32, #tpu.memory_space<hbm>> -> memref<8x128xi32, #tpu.memory_space<hbm>>
    tpu.enqueue_dma source(%dma_start3A_24 : memref<8x128xi32, #tpu.memory_space<hbm>>) target(%arg7 : memref<8x128xi32, #tpu.memory_space<vmem>>) target_semaphore(%arg16 : memref<!tpu.dma_semaphore, #tpu.memory_space<semaphore_mem>>)
    %dma_start3A_25 = arith.constant 0 : i32
    %dma_start3A_26 = tpu.memref_slice %arg4[%add3A_21, %dma_start3A_25] : memref<2560x128xi32, #tpu.memory_space<hbm>> -> memref<8x128xi32, #tpu.memory_space<hbm>>
    %dma_start3A_27 = arith.constant 0 : i32
    %dma_start3A_28 = tpu.memref_slice %arg4[%add3A_21, %dma_start3A_27] : memref<2560x128xi32, #tpu.memory_space<hbm>> -> memref<8x128xi32, #tpu.memory_space<hbm>>
    tpu.enqueue_dma source(%dma_start3A_28 : memref<8x128xi32, #tpu.memory_space<hbm>>) target(%arg9 : memref<8x128xi32, #tpu.memory_space<vmem>>) target_semaphore(%arg16 : memref<!tpu.dma_semaphore, #tpu.memory_space<semaphore_mem>>)
    %dma_start3A_29 = arith.constant 0 : i32
    %dma_start3A_30 = arith.constant 0 : i32
    %dma_start3A_31 = tpu.memref_slice %arg6[%dma_start3A_29, %dma_start3A_30] : memref<8x128xi32, #tpu.memory_space<vmem>> -> memref<1x128xi32, #tpu.memory_space<vmem>>
    %dma_start3A_32 = tpu.memref_squeeze %dma_start3A_31 : memref<1x128xi32, #tpu.memory_space<vmem>> -> memref<128xi32, #tpu.memory_space<vmem>>
    %dma_start3A_33 = arith.constant 0 : i32
    %dma_start3A_34 = arith.constant 0 : i32
    %dma_start3A_35 = tpu.memref_slice %arg2[%dma_start3A_33, %dma_start3A_34] : memref<10000x128xf32, #tpu.memory_space<hbm>> -> memref<10000x128xf32, #tpu.memory_space<hbm>>
    tpu.enqueue_indirect_dma source(%dma_start3A_35 : memref<10000x128xf32, #tpu.memory_space<hbm>>) target(%arg10 : memref<128x128xf32, #tpu.memory_space<vmem>>) offsets(%dma_start3A_32 : memref<128xi32, #tpu.memory_space<vmem>>) semaphore(%arg13 : memref<!tpu.dma_semaphore, #tpu.memory_space<semaphore_mem>>)
    %scan3A_36 = arith.constant 0 : i32
    %scan3A_37 = arith.constant 0 : i32
    %scan3A_38 = arith.constant 5 : i32
    %scan3A_39 = arith.addi %scan3A_37, %scan3A_38 : i32
    %scan3A_40 = arith.constant 1 : i32
    %scan3A_41 = scf.for %scan3A_48 = %scan3A_37 to %scan3A_39 step %scan3A_40 iter_args(%scan3A_49 = %scan3A_36) -> (i32)  : i32 {
      %mul3A_50 = arith.constant 2 : i32
      %mul3A_51 = arith.muli %mul3A_50, %scan3A_48 : i32
      %gt3A = arith.constant 0 : i32
      %gt3A_52 = arith.cmpi sgt, %scan3A_48, %gt3A : i32
      %convert_element_type3A = arith.extui %gt3A_52 : i1 to i32
      %cond3A = arith.constant 0 : i32
      %cond3A_53 = arith.cmpi ne, %convert_element_type3A, %cond3A : i32
      scf.if %cond3A_53 {
        %dma_wait3A_307 = arith.constant 0 : i32
        %dma_wait3A_308 = arith.constant 0 : i32
        %dma_wait3A_309 = tpu.memref_slice %arg3[%dma_wait3A_307, %dma_wait3A_308] : memref<2560x128xi32, #tpu.memory_space<hbm>> -> memref<8x128xi32, #tpu.memory_space<hbm>>
        %dma_wait3A_310 = arith.constant 0 : i32
        %dma_wait3A_311 = arith.constant 0 : i32
        %dma_wait3A_312 = tpu.memref_slice %arg3[%dma_wait3A_310, %dma_wait3A_311] : memref<2560x128xi32, #tpu.memory_space<hbm>> -> memref<8x128xi32, #tpu.memory_space<hbm>>
        tpu.wait_dma2 semaphore(%arg15 : memref<!tpu.dma_semaphore, #tpu.memory_space<semaphore_mem>>) src(%dma_wait3A_312 : memref<8x128xi32, #tpu.memory_space<hbm>>) dst(%arg6 : memref<8x128xi32, #tpu.memory_space<vmem>>)
        %dma_wait3A_313 = arith.constant 0 : i32
        %dma_wait3A_314 = arith.constant 0 : i32
        %dma_wait3A_315 = tpu.memref_slice %arg4[%dma_wait3A_313, %dma_wait3A_314] : memref<2560x128xi32, #tpu.memory_space<hbm>> -> memref<8x128xi32, #tpu.memory_space<hbm>>
        %dma_wait3A_316 = arith.constant 0 : i32
        %dma_wait3A_317 = arith.constant 0 : i32
        %dma_wait3A_318 = tpu.memref_slice %arg4[%dma_wait3A_316, %dma_wait3A_317] : memref<2560x128xi32, #tpu.memory_space<hbm>> -> memref<8x128xi32, #tpu.memory_space<hbm>>
        tpu.wait_dma2 semaphore(%arg15 : memref<!tpu.dma_semaphore, #tpu.memory_space<semaphore_mem>>) src(%dma_wait3A_318 : memref<8x128xi32, #tpu.memory_space<hbm>>) dst(%arg8 : memref<8x128xi32, #tpu.memory_space<vmem>>)
        %dma_start3A_319 = arith.constant 0 : i32
        %dma_start3A_320 = arith.constant 0 : i32
        %dma_start3A_321 = tpu.memref_slice %arg6[%dma_start3A_319, %dma_start3A_320] : memref<8x128xi32, #tpu.memory_space<vmem>> -> memref<1x128xi32, #tpu.memory_space<vmem>>
        %dma_start3A_322 = tpu.memref_squeeze %dma_start3A_321 : memref<1x128xi32, #tpu.memory_space<vmem>> -> memref<128xi32, #tpu.memory_space<vmem>>
        %dma_start3A_323 = arith.constant 0 : i32
        %dma_start3A_324 = arith.constant 0 : i32
        %dma_start3A_325 = tpu.memref_slice %arg2[%dma_start3A_323, %dma_start3A_324] : memref<10000x128xf32, #tpu.memory_space<hbm>> -> memref<10000x128xf32, #tpu.memory_space<hbm>>
        tpu.enqueue_indirect_dma source(%dma_start3A_325 : memref<10000x128xf32, #tpu.memory_space<hbm>>) target(%arg10 : memref<128x128xf32, #tpu.memory_space<vmem>>) offsets(%dma_start3A_322 : memref<128xi32, #tpu.memory_space<vmem>>) semaphore(%arg13 : memref<!tpu.dma_semaphore, #tpu.memory_space<semaphore_mem>>)
      } else {
      }
      %dma_wait3A = arith.constant 0 : i32
      %dma_wait3A_54 = arith.constant 0 : i32
      %dma_wait3A_55 = tpu.memref_slice %arg3[%dma_wait3A, %dma_wait3A_54] : memref<2560x128xi32, #tpu.memory_space<hbm>> -> memref<8x128xi32, #tpu.memory_space<hbm>>
      %dma_wait3A_56 = arith.constant 0 : i32
      %dma_wait3A_57 = arith.constant 0 : i32
      %dma_wait3A_58 = tpu.memref_slice %arg3[%dma_wait3A_56, %dma_wait3A_57] : memref<2560x128xi32, #tpu.memory_space<hbm>> -> memref<8x128xi32, #tpu.memory_space<hbm>>
      tpu.wait_dma2 semaphore(%arg16 : memref<!tpu.dma_semaphore, #tpu.memory_space<semaphore_mem>>) src(%dma_wait3A_58 : memref<8x128xi32, #tpu.memory_space<hbm>>) dst(%arg7 : memref<8x128xi32, #tpu.memory_space<vmem>>)
      %dma_wait3A_59 = arith.constant 0 : i32
      %dma_wait3A_60 = arith.constant 0 : i32
      %dma_wait3A_61 = tpu.memref_slice %arg4[%dma_wait3A_59, %dma_wait3A_60] : memref<2560x128xi32, #tpu.memory_space<hbm>> -> memref<8x128xi32, #tpu.memory_space<hbm>>
      %dma_wait3A_62 = arith.constant 0 : i32
      %dma_wait3A_63 = arith.constant 0 : i32
      %dma_wait3A_64 = tpu.memref_slice %arg4[%dma_wait3A_62, %dma_wait3A_63] : memref<2560x128xi32, #tpu.memory_space<hbm>> -> memref<8x128xi32, #tpu.memory_space<hbm>>
      tpu.wait_dma2 semaphore(%arg16 : memref<!tpu.dma_semaphore, #tpu.memory_space<semaphore_mem>>) src(%dma_wait3A_64 : memref<8x128xi32, #tpu.memory_space<hbm>>) dst(%arg9 : memref<8x128xi32, #tpu.memory_space<vmem>>)
      %dma_start3A_65 = arith.constant 1 : i32
      %dma_start3A_66 = arith.constant 0 : i32
      %dma_start3A_67 = tpu.memref_slice %arg6[%dma_start3A_65, %dma_start3A_66] : memref<8x128xi32, #tpu.memory_space<vmem>> -> memref<1x128xi32, #tpu.memory_space<vmem>>
      %dma_start3A_68 = tpu.memref_squeeze %dma_start3A_67 : memref<1x128xi32, #tpu.memory_space<vmem>> -> memref<128xi32, #tpu.memory_space<vmem>>
      %dma_start3A_69 = arith.constant 0 : i32
      %dma_start3A_70 = arith.constant 0 : i32
      %dma_start3A_71 = tpu.memref_slice %arg2[%dma_start3A_69, %dma_start3A_70] : memref<10000x128xf32, #tpu.memory_space<hbm>> -> memref<10000x128xf32, #tpu.memory_space<hbm>>
      tpu.enqueue_indirect_dma source(%dma_start3A_71 : memref<10000x128xf32, #tpu.memory_space<hbm>>) target(%arg11 : memref<128x128xf32, #tpu.memory_space<vmem>>) offsets(%dma_start3A_68 : memref<128xi32, #tpu.memory_space<vmem>>) semaphore(%arg14 : memref<!tpu.dma_semaphore, #tpu.memory_space<semaphore_mem>>)
      %dma_wait3A_72 = arith.constant 0 : i32
      %dma_wait3A_73 = arith.constant 0 : i32
      %dma_wait3A_74 = tpu.memref_slice %arg6[%dma_wait3A_72, %dma_wait3A_73] : memref<8x128xi32, #tpu.memory_space<vmem>> -> memref<1x128xi32, #tpu.memory_space<vmem>>
      %dma_wait3A_75 = tpu.memref_squeeze %dma_wait3A_74 : memref<1x128xi32, #tpu.memory_space<vmem>> -> memref<128xi32, #tpu.memory_space<vmem>>
      %dma_wait3A_76 = arith.constant 0 : i32
      %dma_wait3A_77 = arith.constant 0 : i32
      %dma_wait3A_78 = tpu.memref_slice %arg2[%dma_wait3A_76, %dma_wait3A_77] : memref<10000x128xf32, #tpu.memory_space<hbm>> -> memref<10000x128xf32, #tpu.memory_space<hbm>>
      tpu.wait_indirect_dma semaphore(%arg13 : memref<!tpu.dma_semaphore, #tpu.memory_space<semaphore_mem>>) src(%dma_wait3A_78 : memref<10000x128xf32, #tpu.memory_space<hbm>>) dst(%arg10 : memref<128x128xf32, #tpu.memory_space<vmem>>)
      %run_scoped3A = arith.constant 0 : i32
      "tpu.region"() ({
        %run_scoped3A_307 = tpu.sem_alloc : memref<!tpu.dma_semaphore, #tpu.memory_space<semaphore_mem>>
        %dma_start3A_308 = arith.constant 0 : i32
        %dma_start3A_309 = tpu.memref_slice %arg8[%run_scoped3A, %dma_start3A_308] : memref<8x128xi32, #tpu.memory_space<vmem>> -> memref<1x128xi32, #tpu.memory_space<vmem>>
        %dma_start3A_310 = tpu.memref_squeeze %dma_start3A_309 : memref<1x128xi32, #tpu.memory_space<vmem>> -> memref<128xi32, #tpu.memory_space<vmem>>
        %dma_start3A_311 = arith.constant 0 : i32
        %dma_start3A_312 = arith.constant 0 : i32
        %dma_start3A_313 = tpu.memref_slice %arg12[%dma_start3A_311, %dma_start3A_312] : memref<10240x128xf32, #tpu.memory_space<vmem_shared>> -> memref<10240x128xf32, #tpu.memory_space<vmem_shared>>
        tpu.enqueue_indirect_dma source(%arg10 : memref<128x128xf32, #tpu.memory_space<vmem>>) target(%dma_start3A_313 : memref<10240x128xf32, #tpu.memory_space<vmem_shared>>) offsets(%dma_start3A_310 : memref<128xi32, #tpu.memory_space<vmem>>) semaphore(%run_scoped3A_307 : memref<!tpu.dma_semaphore, #tpu.memory_space<semaphore_mem>>) {add = true}
        %dma_wait3A_314 = arith.constant 0 : i32
        %dma_wait3A_315 = tpu.memref_slice %arg8[%run_scoped3A, %dma_wait3A_314] : memref<8x128xi32, #tpu.memory_space<vmem>> -> memref<1x128xi32, #tpu.memory_space<vmem>>
        %dma_wait3A_316 = tpu.memref_squeeze %dma_wait3A_315 : memref<1x128xi32, #tpu.memory_space<vmem>> -> memref<128xi32, #tpu.memory_space<vmem>>
        %dma_wait3A_317 = arith.constant 0 : i32
        %dma_wait3A_318 = arith.constant 0 : i32
        %dma_wait3A_319 = tpu.memref_slice %arg12[%dma_wait3A_317, %dma_wait3A_318] : memref<10240x128xf32, #tpu.memory_space<vmem_shared>> -> memref<10240x128xf32, #tpu.memory_space<vmem_shared>>
        tpu.wait_indirect_dma semaphore(%run_scoped3A_307 : memref<!tpu.dma_semaphore, #tpu.memory_space<semaphore_mem>>) src(%arg10 : memref<128x128xf32, #tpu.memory_space<vmem>>) dst(%dma_wait3A_319 : memref<10240x128xf32, #tpu.memory_space<vmem_shared>>)
        tpu.yield
      }) : () -> ()
      %dma_start3A_79 = arith.constant 2 : i32
      %dma_start3A_80 = arith.constant 0 : i32
      %dma_start3A_81 = tpu.memref_slice %arg6[%dma_start3A_79, %dma_start3A_80] : memref<8x128xi32, #tpu.memory_space<vmem>> -> memref<1x128xi32, #tpu.memory_space<vmem>>
      %dma_start3A_82 = tpu.memref_squeeze %dma_start3A_81 : memref<1x128xi32, #tpu.memory_space<vmem>> -> memref<128xi32, #tpu.memory_space<vmem>>
      %dma_start3A_83 = arith.constant 0 : i32
      %dma_start3A_84 = arith.constant 0 : i32
      %dma_start3A_85 = tpu.memref_slice %arg2[%dma_start3A_83, %dma_start3A_84] : memref<10000x128xf32, #tpu.memory_space<hbm>> -> memref<10000x128xf32, #tpu.memory_space<hbm>>
      tpu.enqueue_indirect_dma source(%dma_start3A_85 : memref<10000x128xf32, #tpu.memory_space<hbm>>) target(%arg10 : memref<128x128xf32, #tpu.memory_space<vmem>>) offsets(%dma_start3A_82 : memref<128xi32, #tpu.memory_space<vmem>>) semaphore(%arg13 : memref<!tpu.dma_semaphore, #tpu.memory_space<semaphore_mem>>)
      %dma_wait3A_86 = arith.constant 1 : i32
      %dma_wait3A_87 = arith.constant 0 : i32
      %dma_wait3A_88 = tpu.memref_slice %arg6[%dma_wait3A_86, %dma_wait3A_87] : memref<8x128xi32, #tpu.memory_space<vmem>> -> memref<1x128xi32, #tpu.memory_space<vmem>>
      %dma_wait3A_89 = tpu.memref_squeeze %dma_wait3A_88 : memref<1x128xi32, #tpu.memory_space<vmem>> -> memref<128xi32, #tpu.memory_space<vmem>>
      %dma_wait3A_90 = arith.constant 0 : i32
      %dma_wait3A_91 = arith.constant 0 : i32
      %dma_wait3A_92 = tpu.memref_slice %arg2[%dma_wait3A_90, %dma_wait3A_91] : memref<10000x128xf32, #tpu.memory_space<hbm>> -> memref<10000x128xf32, #tpu.memory_space<hbm>>
      tpu.wait_indirect_dma semaphore(%arg14 : memref<!tpu.dma_semaphore, #tpu.memory_space<semaphore_mem>>) src(%dma_wait3A_92 : memref<10000x128xf32, #tpu.memory_space<hbm>>) dst(%arg11 : memref<128x128xf32, #tpu.memory_space<vmem>>)
      %run_scoped3A_93 = arith.constant 1 : i32
      "tpu.region"() ({
        %run_scoped3A_307 = tpu.sem_alloc : memref<!tpu.dma_semaphore, #tpu.memory_space<semaphore_mem>>
        %dma_start3A_308 = arith.constant 0 : i32
        %dma_start3A_309 = tpu.memref_slice %arg8[%run_scoped3A_93, %dma_start3A_308] : memref<8x128xi32, #tpu.memory_space<vmem>> -> memref<1x128xi32, #tpu.memory_space<vmem>>
        %dma_start3A_310 = tpu.memref_squeeze %dma_start3A_309 : memref<1x128xi32, #tpu.memory_space<vmem>> -> memref<128xi32, #tpu.memory_space<vmem>>
        %dma_start3A_311 = arith.constant 0 : i32
        %dma_start3A_312 = arith.constant 0 : i32
        %dma_start3A_313 = tpu.memref_slice %arg12[%dma_start3A_311, %dma_start3A_312] : memref<10240x128xf32, #tpu.memory_space<vmem_shared>> -> memref<10240x128xf32, #tpu.memory_space<vmem_shared>>
        tpu.enqueue_indirect_dma source(%arg11 : memref<128x128xf32, #tpu.memory_space<vmem>>) target(%dma_start3A_313 : memref<10240x128xf32, #tpu.memory_space<vmem_shared>>) offsets(%dma_start3A_310 : memref<128xi32, #tpu.memory_space<vmem>>) semaphore(%run_scoped3A_307 : memref<!tpu.dma_semaphore, #tpu.memory_space<semaphore_mem>>) {add = true}
        %dma_wait3A_314 = arith.constant 0 : i32
        %dma_wait3A_315 = tpu.memref_slice %arg8[%run_scoped3A_93, %dma_wait3A_314] : memref<8x128xi32, #tpu.memory_space<vmem>> -> memref<1x128xi32, #tpu.memory_space<vmem>>
        %dma_wait3A_316 = tpu.memref_squeeze %dma_wait3A_315 : memref<1x128xi32, #tpu.memory_space<vmem>> -> memref<128xi32, #tpu.memory_space<vmem>>
        %dma_wait3A_317 = arith.constant 0 : i32
        %dma_wait3A_318 = arith.constant 0 : i32
        %dma_wait3A_319 = tpu.memref_slice %arg12[%dma_wait3A_317, %dma_wait3A_318] : memref<10240x128xf32, #tpu.memory_space<vmem_shared>> -> memref<10240x128xf32, #tpu.memory_space<vmem_shared>>
        tpu.wait_indirect_dma semaphore(%run_scoped3A_307 : memref<!tpu.dma_semaphore, #tpu.memory_space<semaphore_mem>>) src(%arg11 : memref<128x128xf32, #tpu.memory_space<vmem>>) dst(%dma_wait3A_319 : memref<10240x128xf32, #tpu.memory_space<vmem_shared>>)
        tpu.yield
      }) : () -> ()
      %dma_start3A_94 = arith.constant 3 : i32
      %dma_start3A_95 = arith.constant 0 : i32
      %dma_start3A_96 = tpu.memref_slice %arg6[%dma_start3A_94, %dma_start3A_95] : memref<8x128xi32, #tpu.memory_space<vmem>> -> memref<1x128xi32, #tpu.memory_space<vmem>>
      %dma_start3A_97 = tpu.memref_squeeze %dma_start3A_96 : memref<1x128xi32, #tpu.memory_space<vmem>> -> memref<128xi32, #tpu.memory_space<vmem>>
      %dma_start3A_98 = arith.constant 0 : i32
      %dma_start3A_99 = arith.constant 0 : i32
      %dma_start3A_100 = tpu.memref_slice %arg2[%dma_start3A_98, %dma_start3A_99] : memref<10000x128xf32, #tpu.memory_space<hbm>> -> memref<10000x128xf32, #tpu.memory_space<hbm>>
      tpu.enqueue_indirect_dma source(%dma_start3A_100 : memref<10000x128xf32, #tpu.memory_space<hbm>>) target(%arg11 : memref<128x128xf32, #tpu.memory_space<vmem>>) offsets(%dma_start3A_97 : memref<128xi32, #tpu.memory_space<vmem>>) semaphore(%arg14 : memref<!tpu.dma_semaphore, #tpu.memory_space<semaphore_mem>>)
      %dma_wait3A_101 = arith.constant 2 : i32
      %dma_wait3A_102 = arith.constant 0 : i32
      %dma_wait3A_103 = tpu.memref_slice %arg6[%dma_wait3A_101, %dma_wait3A_102] : memref<8x128xi32, #tpu.memory_space<vmem>> -> memref<1x128xi32, #tpu.memory_space<vmem>>
      %dma_wait3A_104 = tpu.memref_squeeze %dma_wait3A_103 : memref<1x128xi32, #tpu.memory_space<vmem>> -> memref<128xi32, #tpu.memory_space<vmem>>
      %dma_wait3A_105 = arith.constant 0 : i32
      %dma_wait3A_106 = arith.constant 0 : i32
      %dma_wait3A_107 = tpu.memref_slice %arg2[%dma_wait3A_105, %dma_wait3A_106] : memref<10000x128xf32, #tpu.memory_space<hbm>> -> memref<10000x128xf32, #tpu.memory_space<hbm>>
      tpu.wait_indirect_dma semaphore(%arg13 : memref<!tpu.dma_semaphore, #tpu.memory_space<semaphore_mem>>) src(%dma_wait3A_107 : memref<10000x128xf32, #tpu.memory_space<hbm>>) dst(%arg10 : memref<128x128xf32, #tpu.memory_space<vmem>>)
      %run_scoped3A_108 = arith.constant 2 : i32
      "tpu.region"() ({
        %run_scoped3A_307 = tpu.sem_alloc : memref<!tpu.dma_semaphore, #tpu.memory_space<semaphore_mem>>
        %dma_start3A_308 = arith.constant 0 : i32
        %dma_start3A_309 = tpu.memref_slice %arg8[%run_scoped3A_108, %dma_start3A_308] : memref<8x128xi32, #tpu.memory_space<vmem>> -> memref<1x128xi32, #tpu.memory_space<vmem>>
        %dma_start3A_310 = tpu.memref_squeeze %dma_start3A_309 : memref<1x128xi32, #tpu.memory_space<vmem>> -> memref<128xi32, #tpu.memory_space<vmem>>
        %dma_start3A_311 = arith.constant 0 : i32
        %dma_start3A_312 = arith.constant 0 : i32
        %dma_start3A_313 = tpu.memref_slice %arg12[%dma_start3A_311, %dma_start3A_312] : memref<10240x128xf32, #tpu.memory_space<vmem_shared>> -> memref<10240x128xf32, #tpu.memory_space<vmem_shared>>
        tpu.enqueue_indirect_dma source(%arg10 : memref<128x128xf32, #tpu.memory_space<vmem>>) target(%dma_start3A_313 : memref<10240x128xf32, #tpu.memory_space<vmem_shared>>) offsets(%dma_start3A_310 : memref<128xi32, #tpu.memory_space<vmem>>) semaphore(%run_scoped3A_307 : memref<!tpu.dma_semaphore, #tpu.memory_space<semaphore_mem>>) {add = true}
        %dma_wait3A_314 = arith.constant 0 : i32
        %dma_wait3A_315 = tpu.memref_slice %arg8[%run_scoped3A_108, %dma_wait3A_314] : memref<8x128xi32, #tpu.memory_space<vmem>> -> memref<1x128xi32, #tpu.memory_space<vmem>>
        %dma_wait3A_316 = tpu.memref_squeeze %dma_wait3A_315 : memref<1x128xi32, #tpu.memory_space<vmem>> -> memref<128xi32, #tpu.memory_space<vmem>>
        %dma_wait3A_317 = arith.constant 0 : i32
        %dma_wait3A_318 = arith.constant 0 : i32
        %dma_wait3A_319 = tpu.memref_slice %arg12[%dma_wait3A_317, %dma_wait3A_318] : memref<10240x128xf32, #tpu.memory_space<vmem_shared>> -> memref<10240x128xf32, #tpu.memory_space<vmem_shared>>
        tpu.wait_indirect_dma semaphore(%run_scoped3A_307 : memref<!tpu.dma_semaphore, #tpu.memory_space<semaphore_mem>>) src(%arg10 : memref<128x128xf32, #tpu.memory_space<vmem>>) dst(%dma_wait3A_319 : memref<10240x128xf32, #tpu.memory_space<vmem_shared>>)
        tpu.yield
      }) : () -> ()
      %dma_start3A_109 = arith.constant 4 : i32
      %dma_start3A_110 = arith.constant 0 : i32
      %dma_start3A_111 = tpu.memref_slice %arg6[%dma_start3A_109, %dma_start3A_110] : memref<8x128xi32, #tpu.memory_space<vmem>> -> memref<1x128xi32, #tpu.memory_space<vmem>>
      %dma_start3A_112 = tpu.memref_squeeze %dma_start3A_111 : memref<1x128xi32, #tpu.memory_space<vmem>> -> memref<128xi32, #tpu.memory_space<vmem>>
      %dma_start3A_113 = arith.constant 0 : i32
      %dma_start3A_114 = arith.constant 0 : i32
      %dma_start3A_115 = tpu.memref_slice %arg2[%dma_start3A_113, %dma_start3A_114] : memref<10000x128xf32, #tpu.memory_space<hbm>> -> memref<10000x128xf32, #tpu.memory_space<hbm>>
      tpu.enqueue_indirect_dma source(%dma_start3A_115 : memref<10000x128xf32, #tpu.memory_space<hbm>>) target(%arg10 : memref<128x128xf32, #tpu.memory_space<vmem>>) offsets(%dma_start3A_112 : memref<128xi32, #tpu.memory_space<vmem>>) semaphore(%arg13 : memref<!tpu.dma_semaphore, #tpu.memory_space<semaphore_mem>>)
      %dma_wait3A_116 = arith.constant 3 : i32
      %dma_wait3A_117 = arith.constant 0 : i32
      %dma_wait3A_118 = tpu.memref_slice %arg6[%dma_wait3A_116, %dma_wait3A_117] : memref<8x128xi32, #tpu.memory_space<vmem>> -> memref<1x128xi32, #tpu.memory_space<vmem>>
      %dma_wait3A_119 = tpu.memref_squeeze %dma_wait3A_118 : memref<1x128xi32, #tpu.memory_space<vmem>> -> memref<128xi32, #tpu.memory_space<vmem>>
      %dma_wait3A_120 = arith.constant 0 : i32
      %dma_wait3A_121 = arith.constant 0 : i32
      %dma_wait3A_122 = tpu.memref_slice %arg2[%dma_wait3A_120, %dma_wait3A_121] : memref<10000x128xf32, #tpu.memory_space<hbm>> -> memref<10000x128xf32, #tpu.memory_space<hbm>>
      tpu.wait_indirect_dma semaphore(%arg14 : memref<!tpu.dma_semaphore, #tpu.memory_space<semaphore_mem>>) src(%dma_wait3A_122 : memref<10000x128xf32, #tpu.memory_space<hbm>>) dst(%arg11 : memref<128x128xf32, #tpu.memory_space<vmem>>)
      %run_scoped3A_123 = arith.constant 3 : i32
      "tpu.region"() ({
        %run_scoped3A_307 = tpu.sem_alloc : memref<!tpu.dma_semaphore, #tpu.memory_space<semaphore_mem>>
        %dma_start3A_308 = arith.constant 0 : i32
        %dma_start3A_309 = tpu.memref_slice %arg8[%run_scoped3A_123, %dma_start3A_308] : memref<8x128xi32, #tpu.memory_space<vmem>> -> memref<1x128xi32, #tpu.memory_space<vmem>>
        %dma_start3A_310 = tpu.memref_squeeze %dma_start3A_309 : memref<1x128xi32, #tpu.memory_space<vmem>> -> memref<128xi32, #tpu.memory_space<vmem>>
        %dma_start3A_311 = arith.constant 0 : i32
        %dma_start3A_312 = arith.constant 0 : i32
        %dma_start3A_313 = tpu.memref_slice %arg12[%dma_start3A_311, %dma_start3A_312] : memref<10240x128xf32, #tpu.memory_space<vmem_shared>> -> memref<10240x128xf32, #tpu.memory_space<vmem_shared>>
        tpu.enqueue_indirect_dma source(%arg11 : memref<128x128xf32, #tpu.memory_space<vmem>>) target(%dma_start3A_313 : memref<10240x128xf32, #tpu.memory_space<vmem_shared>>) offsets(%dma_start3A_310 : memref<128xi32, #tpu.memory_space<vmem>>) semaphore(%run_scoped3A_307 : memref<!tpu.dma_semaphore, #tpu.memory_space<semaphore_mem>>) {add = true}
        %dma_wait3A_314 = arith.constant 0 : i32
        %dma_wait3A_315 = tpu.memref_slice %arg8[%run_scoped3A_123, %dma_wait3A_314] : memref<8x128xi32, #tpu.memory_space<vmem>> -> memref<1x128xi32, #tpu.memory_space<vmem>>
        %dma_wait3A_316 = tpu.memref_squeeze %dma_wait3A_315 : memref<1x128xi32, #tpu.memory_space<vmem>> -> memref<128xi32, #tpu.memory_space<vmem>>
        %dma_wait3A_317 = arith.constant 0 : i32
        %dma_wait3A_318 = arith.constant 0 : i32
        %dma_wait3A_319 = tpu.memref_slice %arg12[%dma_wait3A_317, %dma_wait3A_318] : memref<10240x128xf32, #tpu.memory_space<vmem_shared>> -> memref<10240x128xf32, #tpu.memory_space<vmem_shared>>
        tpu.wait_indirect_dma semaphore(%run_scoped3A_307 : memref<!tpu.dma_semaphore, #tpu.memory_space<semaphore_mem>>) src(%arg11 : memref<128x128xf32, #tpu.memory_space<vmem>>) dst(%dma_wait3A_319 : memref<10240x128xf32, #tpu.memory_space<vmem_shared>>)
        tpu.yield
      }) : () -> ()
      %dma_start3A_124 = arith.constant 5 : i32
      %dma_start3A_125 = arith.constant 0 : i32
      %dma_start3A_126 = tpu.memref_slice %arg6[%dma_start3A_124, %dma_start3A_125] : memref<8x128xi32, #tpu.memory_space<vmem>> -> memref<1x128xi32, #tpu.memory_space<vmem>>
      %dma_start3A_127 = tpu.memref_squeeze %dma_start3A_126 : memref<1x128xi32, #tpu.memory_space<vmem>> -> memref<128xi32, #tpu.memory_space<vmem>>
      %dma_start3A_128 = arith.constant 0 : i32
      %dma_start3A_129 = arith.constant 0 : i32
      %dma_start3A_130 = tpu.memref_slice %arg2[%dma_start3A_128, %dma_start3A_129] : memref<10000x128xf32, #tpu.memory_space<hbm>> -> memref<10000x128xf32, #tpu.memory_space<hbm>>
      tpu.enqueue_indirect_dma source(%dma_start3A_130 : memref<10000x128xf32, #tpu.memory_space<hbm>>) target(%arg11 : memref<128x128xf32, #tpu.memory_space<vmem>>) offsets(%dma_start3A_127 : memref<128xi32, #tpu.memory_space<vmem>>) semaphore(%arg14 : memref<!tpu.dma_semaphore, #tpu.memory_space<semaphore_mem>>)
      %dma_wait3A_131 = arith.constant 4 : i32
      %dma_wait3A_132 = arith.constant 0 : i32
      %dma_wait3A_133 = tpu.memref_slice %arg6[%dma_wait3A_131, %dma_wait3A_132] : memref<8x128xi32, #tpu.memory_space<vmem>> -> memref<1x128xi32, #tpu.memory_space<vmem>>
      %dma_wait3A_134 = tpu.memref_squeeze %dma_wait3A_133 : memref<1x128xi32, #tpu.memory_space<vmem>> -> memref<128xi32, #tpu.memory_space<vmem>>
      %dma_wait3A_135 = arith.constant 0 : i32
      %dma_wait3A_136 = arith.constant 0 : i32
      %dma_wait3A_137 = tpu.memref_slice %arg2[%dma_wait3A_135, %dma_wait3A_136] : memref<10000x128xf32, #tpu.memory_space<hbm>> -> memref<10000x128xf32, #tpu.memory_space<hbm>>
      tpu.wait_indirect_dma semaphore(%arg13 : memref<!tpu.dma_semaphore, #tpu.memory_space<semaphore_mem>>) src(%dma_wait3A_137 : memref<10000x128xf32, #tpu.memory_space<hbm>>) dst(%arg10 : memref<128x128xf32, #tpu.memory_space<vmem>>)
      %run_scoped3A_138 = arith.constant 4 : i32
      "tpu.region"() ({
        %run_scoped3A_307 = tpu.sem_alloc : memref<!tpu.dma_semaphore, #tpu.memory_space<semaphore_mem>>
        %dma_start3A_308 = arith.constant 0 : i32
        %dma_start3A_309 = tpu.memref_slice %arg8[%run_scoped3A_138, %dma_start3A_308] : memref<8x128xi32, #tpu.memory_space<vmem>> -> memref<1x128xi32, #tpu.memory_space<vmem>>
        %dma_start3A_310 = tpu.memref_squeeze %dma_start3A_309 : memref<1x128xi32, #tpu.memory_space<vmem>> -> memref<128xi32, #tpu.memory_space<vmem>>
        %dma_start3A_311 = arith.constant 0 : i32
        %dma_start3A_312 = arith.constant 0 : i32
        %dma_start3A_313 = tpu.memref_slice %arg12[%dma_start3A_311, %dma_start3A_312] : memref<10240x128xf32, #tpu.memory_space<vmem_shared>> -> memref<10240x128xf32, #tpu.memory_space<vmem_shared>>
        tpu.enqueue_indirect_dma source(%arg10 : memref<128x128xf32, #tpu.memory_space<vmem>>) target(%dma_start3A_313 : memref<10240x128xf32, #tpu.memory_space<vmem_shared>>) offsets(%dma_start3A_310 : memref<128xi32, #tpu.memory_space<vmem>>) semaphore(%run_scoped3A_307 : memref<!tpu.dma_semaphore, #tpu.memory_space<semaphore_mem>>) {add = true}
        %dma_wait3A_314 = arith.constant 0 : i32
        %dma_wait3A_315 = tpu.memref_slice %arg8[%run_scoped3A_138, %dma_wait3A_314] : memref<8x128xi32, #tpu.memory_space<vmem>> -> memref<1x128xi32, #tpu.memory_space<vmem>>
        %dma_wait3A_316 = tpu.memref_squeeze %dma_wait3A_315 : memref<1x128xi32, #tpu.memory_space<vmem>> -> memref<128xi32, #tpu.memory_space<vmem>>
        %dma_wait3A_317 = arith.constant 0 : i32
        %dma_wait3A_318 = arith.constant 0 : i32
        %dma_wait3A_319 = tpu.memref_slice %arg12[%dma_wait3A_317, %dma_wait3A_318] : memref<10240x128xf32, #tpu.memory_space<vmem_shared>> -> memref<10240x128xf32, #tpu.memory_space<vmem_shared>>
        tpu.wait_indirect_dma semaphore(%run_scoped3A_307 : memref<!tpu.dma_semaphore, #tpu.memory_space<semaphore_mem>>) src(%arg10 : memref<128x128xf32, #tpu.memory_space<vmem>>) dst(%dma_wait3A_319 : memref<10240x128xf32, #tpu.memory_space<vmem_shared>>)
        tpu.yield
      }) : () -> ()
      %dma_start3A_139 = arith.constant 6 : i32
      %dma_start3A_140 = arith.constant 0 : i32
      %dma_start3A_141 = tpu.memref_slice %arg6[%dma_start3A_139, %dma_start3A_140] : memref<8x128xi32, #tpu.memory_space<vmem>> -> memref<1x128xi32, #tpu.memory_space<vmem>>
      %dma_start3A_142 = tpu.memref_squeeze %dma_start3A_141 : memref<1x128xi32, #tpu.memory_space<vmem>> -> memref<128xi32, #tpu.memory_space<vmem>>
      %dma_start3A_143 = arith.constant 0 : i32
      %dma_start3A_144 = arith.constant 0 : i32
      %dma_start3A_145 = tpu.memref_slice %arg2[%dma_start3A_143, %dma_start3A_144] : memref<10000x128xf32, #tpu.memory_space<hbm>> -> memref<10000x128xf32, #tpu.memory_space<hbm>>
      tpu.enqueue_indirect_dma source(%dma_start3A_145 : memref<10000x128xf32, #tpu.memory_space<hbm>>) target(%arg10 : memref<128x128xf32, #tpu.memory_space<vmem>>) offsets(%dma_start3A_142 : memref<128xi32, #tpu.memory_space<vmem>>) semaphore(%arg13 : memref<!tpu.dma_semaphore, #tpu.memory_space<semaphore_mem>>)
      %dma_wait3A_146 = arith.constant 5 : i32
      %dma_wait3A_147 = arith.constant 0 : i32
      %dma_wait3A_148 = tpu.memref_slice %arg6[%dma_wait3A_146, %dma_wait3A_147] : memref<8x128xi32, #tpu.memory_space<vmem>> -> memref<1x128xi32, #tpu.memory_space<vmem>>
      %dma_wait3A_149 = tpu.memref_squeeze %dma_wait3A_148 : memref<1x128xi32, #tpu.memory_space<vmem>> -> memref<128xi32, #tpu.memory_space<vmem>>
      %dma_wait3A_150 = arith.constant 0 : i32
      %dma_wait3A_151 = arith.constant 0 : i32
      %dma_wait3A_152 = tpu.memref_slice %arg2[%dma_wait3A_150, %dma_wait3A_151] : memref<10000x128xf32, #tpu.memory_space<hbm>> -> memref<10000x128xf32, #tpu.memory_space<hbm>>
      tpu.wait_indirect_dma semaphore(%arg14 : memref<!tpu.dma_semaphore, #tpu.memory_space<semaphore_mem>>) src(%dma_wait3A_152 : memref<10000x128xf32, #tpu.memory_space<hbm>>) dst(%arg11 : memref<128x128xf32, #tpu.memory_space<vmem>>)
      %run_scoped3A_153 = arith.constant 5 : i32
      "tpu.region"() ({
        %run_scoped3A_307 = tpu.sem_alloc : memref<!tpu.dma_semaphore, #tpu.memory_space<semaphore_mem>>
        %dma_start3A_308 = arith.constant 0 : i32
        %dma_start3A_309 = tpu.memref_slice %arg8[%run_scoped3A_153, %dma_start3A_308] : memref<8x128xi32, #tpu.memory_space<vmem>> -> memref<1x128xi32, #tpu.memory_space<vmem>>
        %dma_start3A_310 = tpu.memref_squeeze %dma_start3A_309 : memref<1x128xi32, #tpu.memory_space<vmem>> -> memref<128xi32, #tpu.memory_space<vmem>>
        %dma_start3A_311 = arith.constant 0 : i32
        %dma_start3A_312 = arith.constant 0 : i32
        %dma_start3A_313 = tpu.memref_slice %arg12[%dma_start3A_311, %dma_start3A_312] : memref<10240x128xf32, #tpu.memory_space<vmem_shared>> -> memref<10240x128xf32, #tpu.memory_space<vmem_shared>>
        tpu.enqueue_indirect_dma source(%arg11 : memref<128x128xf32, #tpu.memory_space<vmem>>) target(%dma_start3A_313 : memref<10240x128xf32, #tpu.memory_space<vmem_shared>>) offsets(%dma_start3A_310 : memref<128xi32, #tpu.memory_space<vmem>>) semaphore(%run_scoped3A_307 : memref<!tpu.dma_semaphore, #tpu.memory_space<semaphore_mem>>) {add = true}
        %dma_wait3A_314 = arith.constant 0 : i32
        %dma_wait3A_315 = tpu.memref_slice %arg8[%run_scoped3A_153, %dma_wait3A_314] : memref<8x128xi32, #tpu.memory_space<vmem>> -> memref<1x128xi32, #tpu.memory_space<vmem>>
        %dma_wait3A_316 = tpu.memref_squeeze %dma_wait3A_315 : memref<1x128xi32, #tpu.memory_space<vmem>> -> memref<128xi32, #tpu.memory_space<vmem>>
        %dma_wait3A_317 = arith.constant 0 : i32
        %dma_wait3A_318 = arith.constant 0 : i32
        %dma_wait3A_319 = tpu.memref_slice %arg12[%dma_wait3A_317, %dma_wait3A_318] : memref<10240x128xf32, #tpu.memory_space<vmem_shared>> -> memref<10240x128xf32, #tpu.memory_space<vmem_shared>>
        tpu.wait_indirect_dma semaphore(%run_scoped3A_307 : memref<!tpu.dma_semaphore, #tpu.memory_space<semaphore_mem>>) src(%arg11 : memref<128x128xf32, #tpu.memory_space<vmem>>) dst(%dma_wait3A_319 : memref<10240x128xf32, #tpu.memory_space<vmem_shared>>)
        tpu.yield
      }) : () -> ()
      %dma_start3A_154 = arith.constant 7 : i32
      %dma_start3A_155 = arith.constant 0 : i32
      %dma_start3A_156 = tpu.memref_slice %arg6[%dma_start3A_154, %dma_start3A_155] : memref<8x128xi32, #tpu.memory_space<vmem>> -> memref<1x128xi32, #tpu.memory_space<vmem>>
      %dma_start3A_157 = tpu.memref_squeeze %dma_start3A_156 : memref<1x128xi32, #tpu.memory_space<vmem>> -> memref<128xi32, #tpu.memory_space<vmem>>
      %dma_start3A_158 = arith.constant 0 : i32
      %dma_start3A_159 = arith.constant 0 : i32
      %dma_start3A_160 = tpu.memref_slice %arg2[%dma_start3A_158, %dma_start3A_159] : memref<10000x128xf32, #tpu.memory_space<hbm>> -> memref<10000x128xf32, #tpu.memory_space<hbm>>
      tpu.enqueue_indirect_dma source(%dma_start3A_160 : memref<10000x128xf32, #tpu.memory_space<hbm>>) target(%arg11 : memref<128x128xf32, #tpu.memory_space<vmem>>) offsets(%dma_start3A_157 : memref<128xi32, #tpu.memory_space<vmem>>) semaphore(%arg14 : memref<!tpu.dma_semaphore, #tpu.memory_space<semaphore_mem>>)
      %dma_wait3A_161 = arith.constant 6 : i32
      %dma_wait3A_162 = arith.constant 0 : i32
      %dma_wait3A_163 = tpu.memref_slice %arg6[%dma_wait3A_161, %dma_wait3A_162] : memref<8x128xi32, #tpu.memory_space<vmem>> -> memref<1x128xi32, #tpu.memory_space<vmem>>
      %dma_wait3A_164 = tpu.memref_squeeze %dma_wait3A_163 : memref<1x128xi32, #tpu.memory_space<vmem>> -> memref<128xi32, #tpu.memory_space<vmem>>
      %dma_wait3A_165 = arith.constant 0 : i32
      %dma_wait3A_166 = arith.constant 0 : i32
      %dma_wait3A_167 = tpu.memref_slice %arg2[%dma_wait3A_165, %dma_wait3A_166] : memref<10000x128xf32, #tpu.memory_space<hbm>> -> memref<10000x128xf32, #tpu.memory_space<hbm>>
      tpu.wait_indirect_dma semaphore(%arg13 : memref<!tpu.dma_semaphore, #tpu.memory_space<semaphore_mem>>) src(%dma_wait3A_167 : memref<10000x128xf32, #tpu.memory_space<hbm>>) dst(%arg10 : memref<128x128xf32, #tpu.memory_space<vmem>>)
      %run_scoped3A_168 = arith.constant 6 : i32
      "tpu.region"() ({
        %run_scoped3A_307 = tpu.sem_alloc : memref<!tpu.dma_semaphore, #tpu.memory_space<semaphore_mem>>
        %dma_start3A_308 = arith.constant 0 : i32
        %dma_start3A_309 = tpu.memref_slice %arg8[%run_scoped3A_168, %dma_start3A_308] : memref<8x128xi32, #tpu.memory_space<vmem>> -> memref<1x128xi32, #tpu.memory_space<vmem>>
        %dma_start3A_310 = tpu.memref_squeeze %dma_start3A_309 : memref<1x128xi32, #tpu.memory_space<vmem>> -> memref<128xi32, #tpu.memory_space<vmem>>
        %dma_start3A_311 = arith.constant 0 : i32
        %dma_start3A_312 = arith.constant 0 : i32
        %dma_start3A_313 = tpu.memref_slice %arg12[%dma_start3A_311, %dma_start3A_312] : memref<10240x128xf32, #tpu.memory_space<vmem_shared>> -> memref<10240x128xf32, #tpu.memory_space<vmem_shared>>
        tpu.enqueue_indirect_dma source(%arg10 : memref<128x128xf32, #tpu.memory_space<vmem>>) target(%dma_start3A_313 : memref<10240x128xf32, #tpu.memory_space<vmem_shared>>) offsets(%dma_start3A_310 : memref<128xi32, #tpu.memory_space<vmem>>) semaphore(%run_scoped3A_307 : memref<!tpu.dma_semaphore, #tpu.memory_space<semaphore_mem>>) {add = true}
        %dma_wait3A_314 = arith.constant 0 : i32
        %dma_wait3A_315 = tpu.memref_slice %arg8[%run_scoped3A_168, %dma_wait3A_314] : memref<8x128xi32, #tpu.memory_space<vmem>> -> memref<1x128xi32, #tpu.memory_space<vmem>>
        %dma_wait3A_316 = tpu.memref_squeeze %dma_wait3A_315 : memref<1x128xi32, #tpu.memory_space<vmem>> -> memref<128xi32, #tpu.memory_space<vmem>>
        %dma_wait3A_317 = arith.constant 0 : i32
        %dma_wait3A_318 = arith.constant 0 : i32
        %dma_wait3A_319 = tpu.memref_slice %arg12[%dma_wait3A_317, %dma_wait3A_318] : memref<10240x128xf32, #tpu.memory_space<vmem_shared>> -> memref<10240x128xf32, #tpu.memory_space<vmem_shared>>
        tpu.wait_indirect_dma semaphore(%run_scoped3A_307 : memref<!tpu.dma_semaphore, #tpu.memory_space<semaphore_mem>>) src(%arg10 : memref<128x128xf32, #tpu.memory_space<vmem>>) dst(%dma_wait3A_319 : memref<10240x128xf32, #tpu.memory_space<vmem_shared>>)
        tpu.yield
      }) : () -> ()
      %dma_start3A_169 = arith.constant 0 : i32
      %dma_start3A_170 = arith.constant 0 : i32
      %dma_start3A_171 = tpu.memref_slice %arg7[%dma_start3A_169, %dma_start3A_170] : memref<8x128xi32, #tpu.memory_space<vmem>> -> memref<1x128xi32, #tpu.memory_space<vmem>>
      %dma_start3A_172 = tpu.memref_squeeze %dma_start3A_171 : memref<1x128xi32, #tpu.memory_space<vmem>> -> memref<128xi32, #tpu.memory_space<vmem>>
      %dma_start3A_173 = arith.constant 0 : i32
      %dma_start3A_174 = arith.constant 0 : i32
      %dma_start3A_175 = tpu.memref_slice %arg2[%dma_start3A_173, %dma_start3A_174] : memref<10000x128xf32, #tpu.memory_space<hbm>> -> memref<10000x128xf32, #tpu.memory_space<hbm>>
      tpu.enqueue_indirect_dma source(%dma_start3A_175 : memref<10000x128xf32, #tpu.memory_space<hbm>>) target(%arg10 : memref<128x128xf32, #tpu.memory_space<vmem>>) offsets(%dma_start3A_172 : memref<128xi32, #tpu.memory_space<vmem>>) semaphore(%arg13 : memref<!tpu.dma_semaphore, #tpu.memory_space<semaphore_mem>>)
      %dma_wait3A_176 = arith.constant 7 : i32
      %dma_wait3A_177 = arith.constant 0 : i32
      %dma_wait3A_178 = tpu.memref_slice %arg6[%dma_wait3A_176, %dma_wait3A_177] : memref<8x128xi32, #tpu.memory_space<vmem>> -> memref<1x128xi32, #tpu.memory_space<vmem>>
      %dma_wait3A_179 = tpu.memref_squeeze %dma_wait3A_178 : memref<1x128xi32, #tpu.memory_space<vmem>> -> memref<128xi32, #tpu.memory_space<vmem>>
      %dma_wait3A_180 = arith.constant 0 : i32
      %dma_wait3A_181 = arith.constant 0 : i32
      %dma_wait3A_182 = tpu.memref_slice %arg2[%dma_wait3A_180, %dma_wait3A_181] : memref<10000x128xf32, #tpu.memory_space<hbm>> -> memref<10000x128xf32, #tpu.memory_space<hbm>>
      tpu.wait_indirect_dma semaphore(%arg14 : memref<!tpu.dma_semaphore, #tpu.memory_space<semaphore_mem>>) src(%dma_wait3A_182 : memref<10000x128xf32, #tpu.memory_space<hbm>>) dst(%arg11 : memref<128x128xf32, #tpu.memory_space<vmem>>)
      %run_scoped3A_183 = arith.constant 7 : i32
      "tpu.region"() ({
        %run_scoped3A_307 = tpu.sem_alloc : memref<!tpu.dma_semaphore, #tpu.memory_space<semaphore_mem>>
        %dma_start3A_308 = arith.constant 0 : i32
        %dma_start3A_309 = tpu.memref_slice %arg8[%run_scoped3A_183, %dma_start3A_308] : memref<8x128xi32, #tpu.memory_space<vmem>> -> memref<1x128xi32, #tpu.memory_space<vmem>>
        %dma_start3A_310 = tpu.memref_squeeze %dma_start3A_309 : memref<1x128xi32, #tpu.memory_space<vmem>> -> memref<128xi32, #tpu.memory_space<vmem>>
        %dma_start3A_311 = arith.constant 0 : i32
        %dma_start3A_312 = arith.constant 0 : i32
        %dma_start3A_313 = tpu.memref_slice %arg12[%dma_start3A_311, %dma_start3A_312] : memref<10240x128xf32, #tpu.memory_space<vmem_shared>> -> memref<10240x128xf32, #tpu.memory_space<vmem_shared>>
        tpu.enqueue_indirect_dma source(%arg11 : memref<128x128xf32, #tpu.memory_space<vmem>>) target(%dma_start3A_313 : memref<10240x128xf32, #tpu.memory_space<vmem_shared>>) offsets(%dma_start3A_310 : memref<128xi32, #tpu.memory_space<vmem>>) semaphore(%run_scoped3A_307 : memref<!tpu.dma_semaphore, #tpu.memory_space<semaphore_mem>>) {add = true}
        %dma_wait3A_314 = arith.constant 0 : i32
        %dma_wait3A_315 = tpu.memref_slice %arg8[%run_scoped3A_183, %dma_wait3A_314] : memref<8x128xi32, #tpu.memory_space<vmem>> -> memref<1x128xi32, #tpu.memory_space<vmem>>
        %dma_wait3A_316 = tpu.memref_squeeze %dma_wait3A_315 : memref<1x128xi32, #tpu.memory_space<vmem>> -> memref<128xi32, #tpu.memory_space<vmem>>
        %dma_wait3A_317 = arith.constant 0 : i32
        %dma_wait3A_318 = arith.constant 0 : i32
        %dma_wait3A_319 = tpu.memref_slice %arg12[%dma_wait3A_317, %dma_wait3A_318] : memref<10240x128xf32, #tpu.memory_space<vmem_shared>> -> memref<10240x128xf32, #tpu.memory_space<vmem_shared>>
        tpu.wait_indirect_dma semaphore(%run_scoped3A_307 : memref<!tpu.dma_semaphore, #tpu.memory_space<semaphore_mem>>) src(%arg11 : memref<128x128xf32, #tpu.memory_space<vmem>>) dst(%dma_wait3A_319 : memref<10240x128xf32, #tpu.memory_space<vmem_shared>>)
        tpu.yield
      }) : () -> ()
      %lt3A = arith.constant 4 : i32
      %lt3A_184 = arith.cmpi slt, %scan3A_48, %lt3A : i32
      %convert_element_type3A_185 = arith.extui %lt3A_184 : i1 to i32
      %cond3A_186 = arith.constant 0 : i32
      %cond3A_187 = arith.cmpi ne, %convert_element_type3A_185, %cond3A_186 : i32
      scf.if %cond3A_187 {
        %add3A_307 = arith.constant 2 : i32
        %add3A_308 = arith.addi %mul3A_51, %add3A_307 : i32
        %mul3A_309 = arith.constant 80 : i32
        %mul3A_310 = arith.muli %add3A, %mul3A_309 : i32
        %mul3A_311 = arith.constant 8 : i32
        %mul3A_312 = arith.muli %add3A_308, %mul3A_311 : i32
        %add3A_313 = arith.addi %mul3A_310, %mul3A_312 : i32
        %dma_start3A_314 = arith.constant 0 : i32
        %dma_start3A_315 = tpu.memref_slice %arg3[%add3A_313, %dma_start3A_314] : memref<2560x128xi32, #tpu.memory_space<hbm>> -> memref<8x128xi32, #tpu.memory_space<hbm>>
        %dma_start3A_316 = arith.constant 0 : i32
        %dma_start3A_317 = tpu.memref_slice %arg3[%add3A_313, %dma_start3A_316] : memref<2560x128xi32, #tpu.memory_space<hbm>> -> memref<8x128xi32, #tpu.memory_space<hbm>>
        tpu.enqueue_dma source(%dma_start3A_317 : memref<8x128xi32, #tpu.memory_space<hbm>>) target(%arg6 : memref<8x128xi32, #tpu.memory_space<vmem>>) target_semaphore(%arg15 : memref<!tpu.dma_semaphore, #tpu.memory_space<semaphore_mem>>)
        %dma_start3A_318 = arith.constant 0 : i32
        %dma_start3A_319 = tpu.memref_slice %arg4[%add3A_313, %dma_start3A_318] : memref<2560x128xi32, #tpu.memory_space<hbm>> -> memref<8x128xi32, #tpu.memory_space<hbm>>
        %dma_start3A_320 = arith.constant 0 : i32
        %dma_start3A_321 = tpu.memref_slice %arg4[%add3A_313, %dma_start3A_320] : memref<2560x128xi32, #tpu.memory_space<hbm>> -> memref<8x128xi32, #tpu.memory_space<hbm>>
        tpu.enqueue_dma source(%dma_start3A_321 : memref<8x128xi32, #tpu.memory_space<hbm>>) target(%arg8 : memref<8x128xi32, #tpu.memory_space<vmem>>) target_semaphore(%arg15 : memref<!tpu.dma_semaphore, #tpu.memory_space<semaphore_mem>>)
      } else {
      }
      %dma_start3A_188 = arith.constant 1 : i32
      %dma_start3A_189 = arith.constant 0 : i32
      %dma_start3A_190 = tpu.memref_slice %arg7[%dma_start3A_188, %dma_start3A_189] : memref<8x128xi32, #tpu.memory_space<vmem>> -> memref<1x128xi32, #tpu.memory_space<vmem>>
      %dma_start3A_191 = tpu.memref_squeeze %dma_start3A_190 : memref<1x128xi32, #tpu.memory_space<vmem>> -> memref<128xi32, #tpu.memory_space<vmem>>
      %dma_start3A_192 = arith.constant 0 : i32
      %dma_start3A_193 = arith.constant 0 : i32
      %dma_start3A_194 = tpu.memref_slice %arg2[%dma_start3A_192, %dma_start3A_193] : memref<10000x128xf32, #tpu.memory_space<hbm>> -> memref<10000x128xf32, #tpu.memory_space<hbm>>
      tpu.enqueue_indirect_dma source(%dma_start3A_194 : memref<10000x128xf32, #tpu.memory_space<hbm>>) target(%arg11 : memref<128x128xf32, #tpu.memory_space<vmem>>) offsets(%dma_start3A_191 : memref<128xi32, #tpu.memory_space<vmem>>) semaphore(%arg14 : memref<!tpu.dma_semaphore, #tpu.memory_space<semaphore_mem>>)
      %dma_wait3A_195 = arith.constant 0 : i32
      %dma_wait3A_196 = arith.constant 0 : i32
      %dma_wait3A_197 = tpu.memref_slice %arg7[%dma_wait3A_195, %dma_wait3A_196] : memref<8x128xi32, #tpu.memory_space<vmem>> -> memref<1x128xi32, #tpu.memory_space<vmem>>
      %dma_wait3A_198 = tpu.memref_squeeze %dma_wait3A_197 : memref<1x128xi32, #tpu.memory_space<vmem>> -> memref<128xi32, #tpu.memory_space<vmem>>
      %dma_wait3A_199 = arith.constant 0 : i32
      %dma_wait3A_200 = arith.constant 0 : i32
      %dma_wait3A_201 = tpu.memref_slice %arg2[%dma_wait3A_199, %dma_wait3A_200] : memref<10000x128xf32, #tpu.memory_space<hbm>> -> memref<10000x128xf32, #tpu.memory_space<hbm>>
      tpu.wait_indirect_dma semaphore(%arg13 : memref<!tpu.dma_semaphore, #tpu.memory_space<semaphore_mem>>) src(%dma_wait3A_201 : memref<10000x128xf32, #tpu.memory_space<hbm>>) dst(%arg10 : memref<128x128xf32, #tpu.memory_space<vmem>>)
      %run_scoped3A_202 = arith.constant 0 : i32
      "tpu.region"() ({
        %run_scoped3A_307 = tpu.sem_alloc : memref<!tpu.dma_semaphore, #tpu.memory_space<semaphore_mem>>
        %dma_start3A_308 = arith.constant 0 : i32
        %dma_start3A_309 = tpu.memref_slice %arg9[%run_scoped3A_202, %dma_start3A_308] : memref<8x128xi32, #tpu.memory_space<vmem>> -> memref<1x128xi32, #tpu.memory_space<vmem>>
        %dma_start3A_310 = tpu.memref_squeeze %dma_start3A_309 : memref<1x128xi32, #tpu.memory_space<vmem>> -> memref<128xi32, #tpu.memory_space<vmem>>
        %dma_start3A_311 = arith.constant 0 : i32
        %dma_start3A_312 = arith.constant 0 : i32
        %dma_start3A_313 = tpu.memref_slice %arg12[%dma_start3A_311, %dma_start3A_312] : memref<10240x128xf32, #tpu.memory_space<vmem_shared>> -> memref<10240x128xf32, #tpu.memory_space<vmem_shared>>
        tpu.enqueue_indirect_dma source(%arg10 : memref<128x128xf32, #tpu.memory_space<vmem>>) target(%dma_start3A_313 : memref<10240x128xf32, #tpu.memory_space<vmem_shared>>) offsets(%dma_start3A_310 : memref<128xi32, #tpu.memory_space<vmem>>) semaphore(%run_scoped3A_307 : memref<!tpu.dma_semaphore, #tpu.memory_space<semaphore_mem>>) {add = true}
        %dma_wait3A_314 = arith.constant 0 : i32
        %dma_wait3A_315 = tpu.memref_slice %arg9[%run_scoped3A_202, %dma_wait3A_314] : memref<8x128xi32, #tpu.memory_space<vmem>> -> memref<1x128xi32, #tpu.memory_space<vmem>>
        %dma_wait3A_316 = tpu.memref_squeeze %dma_wait3A_315 : memref<1x128xi32, #tpu.memory_space<vmem>> -> memref<128xi32, #tpu.memory_space<vmem>>
        %dma_wait3A_317 = arith.constant 0 : i32
        %dma_wait3A_318 = arith.constant 0 : i32
        %dma_wait3A_319 = tpu.memref_slice %arg12[%dma_wait3A_317, %dma_wait3A_318] : memref<10240x128xf32, #tpu.memory_space<vmem_shared>> -> memref<10240x128xf32, #tpu.memory_space<vmem_shared>>
        tpu.wait_indirect_dma semaphore(%run_scoped3A_307 : memref<!tpu.dma_semaphore, #tpu.memory_space<semaphore_mem>>) src(%arg10 : memref<128x128xf32, #tpu.memory_space<vmem>>) dst(%dma_wait3A_319 : memref<10240x128xf32, #tpu.memory_space<vmem_shared>>)
        tpu.yield
      }) : () -> ()
      %dma_start3A_203 = arith.constant 2 : i32
      %dma_start3A_204 = arith.constant 0 : i32
      %dma_start3A_205 = tpu.memref_slice %arg7[%dma_start3A_203, %dma_start3A_204] : memref<8x128xi32, #tpu.memory_space<vmem>> -> memref<1x128xi32, #tpu.memory_space<vmem>>
      %dma_start3A_206 = tpu.memref_squeeze %dma_start3A_205 : memref<1x128xi32, #tpu.memory_space<vmem>> -> memref<128xi32, #tpu.memory_space<vmem>>
      %dma_start3A_207 = arith.constant 0 : i32
      %dma_start3A_208 = arith.constant 0 : i32
      %dma_start3A_209 = tpu.memref_slice %arg2[%dma_start3A_207, %dma_start3A_208] : memref<10000x128xf32, #tpu.memory_space<hbm>> -> memref<10000x128xf32, #tpu.memory_space<hbm>>
      tpu.enqueue_indirect_dma source(%dma_start3A_209 : memref<10000x128xf32, #tpu.memory_space<hbm>>) target(%arg10 : memref<128x128xf32, #tpu.memory_space<vmem>>) offsets(%dma_start3A_206 : memref<128xi32, #tpu.memory_space<vmem>>) semaphore(%arg13 : memref<!tpu.dma_semaphore, #tpu.memory_space<semaphore_mem>>)
      %dma_wait3A_210 = arith.constant 1 : i32
      %dma_wait3A_211 = arith.constant 0 : i32
      %dma_wait3A_212 = tpu.memref_slice %arg7[%dma_wait3A_210, %dma_wait3A_211] : memref<8x128xi32, #tpu.memory_space<vmem>> -> memref<1x128xi32, #tpu.memory_space<vmem>>
      %dma_wait3A_213 = tpu.memref_squeeze %dma_wait3A_212 : memref<1x128xi32, #tpu.memory_space<vmem>> -> memref<128xi32, #tpu.memory_space<vmem>>
      %dma_wait3A_214 = arith.constant 0 : i32
      %dma_wait3A_215 = arith.constant 0 : i32
      %dma_wait3A_216 = tpu.memref_slice %arg2[%dma_wait3A_214, %dma_wait3A_215] : memref<10000x128xf32, #tpu.memory_space<hbm>> -> memref<10000x128xf32, #tpu.memory_space<hbm>>
      tpu.wait_indirect_dma semaphore(%arg14 : memref<!tpu.dma_semaphore, #tpu.memory_space<semaphore_mem>>) src(%dma_wait3A_216 : memref<10000x128xf32, #tpu.memory_space<hbm>>) dst(%arg11 : memref<128x128xf32, #tpu.memory_space<vmem>>)
      %run_scoped3A_217 = arith.constant 1 : i32
      "tpu.region"() ({
        %run_scoped3A_307 = tpu.sem_alloc : memref<!tpu.dma_semaphore, #tpu.memory_space<semaphore_mem>>
        %dma_start3A_308 = arith.constant 0 : i32
        %dma_start3A_309 = tpu.memref_slice %arg9[%run_scoped3A_217, %dma_start3A_308] : memref<8x128xi32, #tpu.memory_space<vmem>> -> memref<1x128xi32, #tpu.memory_space<vmem>>
        %dma_start3A_310 = tpu.memref_squeeze %dma_start3A_309 : memref<1x128xi32, #tpu.memory_space<vmem>> -> memref<128xi32, #tpu.memory_space<vmem>>
        %dma_start3A_311 = arith.constant 0 : i32
        %dma_start3A_312 = arith.constant 0 : i32
        %dma_start3A_313 = tpu.memref_slice %arg12[%dma_start3A_311, %dma_start3A_312] : memref<10240x128xf32, #tpu.memory_space<vmem_shared>> -> memref<10240x128xf32, #tpu.memory_space<vmem_shared>>
        tpu.enqueue_indirect_dma source(%arg11 : memref<128x128xf32, #tpu.memory_space<vmem>>) target(%dma_start3A_313 : memref<10240x128xf32, #tpu.memory_space<vmem_shared>>) offsets(%dma_start3A_310 : memref<128xi32, #tpu.memory_space<vmem>>) semaphore(%run_scoped3A_307 : memref<!tpu.dma_semaphore, #tpu.memory_space<semaphore_mem>>) {add = true}
        %dma_wait3A_314 = arith.constant 0 : i32
        %dma_wait3A_315 = tpu.memref_slice %arg9[%run_scoped3A_217, %dma_wait3A_314] : memref<8x128xi32, #tpu.memory_space<vmem>> -> memref<1x128xi32, #tpu.memory_space<vmem>>
        %dma_wait3A_316 = tpu.memref_squeeze %dma_wait3A_315 : memref<1x128xi32, #tpu.memory_space<vmem>> -> memref<128xi32, #tpu.memory_space<vmem>>
        %dma_wait3A_317 = arith.constant 0 : i32
        %dma_wait3A_318 = arith.constant 0 : i32
        %dma_wait3A_319 = tpu.memref_slice %arg12[%dma_wait3A_317, %dma_wait3A_318] : memref<10240x128xf32, #tpu.memory_space<vmem_shared>> -> memref<10240x128xf32, #tpu.memory_space<vmem_shared>>
        tpu.wait_indirect_dma semaphore(%run_scoped3A_307 : memref<!tpu.dma_semaphore, #tpu.memory_space<semaphore_mem>>) src(%arg11 : memref<128x128xf32, #tpu.memory_space<vmem>>) dst(%dma_wait3A_319 : memref<10240x128xf32, #tpu.memory_space<vmem_shared>>)
        tpu.yield
      }) : () -> ()
      %dma_start3A_218 = arith.constant 3 : i32
      %dma_start3A_219 = arith.constant 0 : i32
      %dma_start3A_220 = tpu.memref_slice %arg7[%dma_start3A_218, %dma_start3A_219] : memref<8x128xi32, #tpu.memory_space<vmem>> -> memref<1x128xi32, #tpu.memory_space<vmem>>
      %dma_start3A_221 = tpu.memref_squeeze %dma_start3A_220 : memref<1x128xi32, #tpu.memory_space<vmem>> -> memref<128xi32, #tpu.memory_space<vmem>>
      %dma_start3A_222 = arith.constant 0 : i32
      %dma_start3A_223 = arith.constant 0 : i32
      %dma_start3A_224 = tpu.memref_slice %arg2[%dma_start3A_222, %dma_start3A_223] : memref<10000x128xf32, #tpu.memory_space<hbm>> -> memref<10000x128xf32, #tpu.memory_space<hbm>>
      tpu.enqueue_indirect_dma source(%dma_start3A_224 : memref<10000x128xf32, #tpu.memory_space<hbm>>) target(%arg11 : memref<128x128xf32, #tpu.memory_space<vmem>>) offsets(%dma_start3A_221 : memref<128xi32, #tpu.memory_space<vmem>>) semaphore(%arg14 : memref<!tpu.dma_semaphore, #tpu.memory_space<semaphore_mem>>)
      %dma_wait3A_225 = arith.constant 2 : i32
      %dma_wait3A_226 = arith.constant 0 : i32
      %dma_wait3A_227 = tpu.memref_slice %arg7[%dma_wait3A_225, %dma_wait3A_226] : memref<8x128xi32, #tpu.memory_space<vmem>> -> memref<1x128xi32, #tpu.memory_space<vmem>>
      %dma_wait3A_228 = tpu.memref_squeeze %dma_wait3A_227 : memref<1x128xi32, #tpu.memory_space<vmem>> -> memref<128xi32, #tpu.memory_space<vmem>>
      %dma_wait3A_229 = arith.constant 0 : i32
      %dma_wait3A_230 = arith.constant 0 : i32
      %dma_wait3A_231 = tpu.memref_slice %arg2[%dma_wait3A_229, %dma_wait3A_230] : memref<10000x128xf32, #tpu.memory_space<hbm>> -> memref<10000x128xf32, #tpu.memory_space<hbm>>
      tpu.wait_indirect_dma semaphore(%arg13 : memref<!tpu.dma_semaphore, #tpu.memory_space<semaphore_mem>>) src(%dma_wait3A_231 : memref<10000x128xf32, #tpu.memory_space<hbm>>) dst(%arg10 : memref<128x128xf32, #tpu.memory_space<vmem>>)
      %run_scoped3A_232 = arith.constant 2 : i32
      "tpu.region"() ({
        %run_scoped3A_307 = tpu.sem_alloc : memref<!tpu.dma_semaphore, #tpu.memory_space<semaphore_mem>>
        %dma_start3A_308 = arith.constant 0 : i32
        %dma_start3A_309 = tpu.memref_slice %arg9[%run_scoped3A_232, %dma_start3A_308] : memref<8x128xi32, #tpu.memory_space<vmem>> -> memref<1x128xi32, #tpu.memory_space<vmem>>
        %dma_start3A_310 = tpu.memref_squeeze %dma_start3A_309 : memref<1x128xi32, #tpu.memory_space<vmem>> -> memref<128xi32, #tpu.memory_space<vmem>>
        %dma_start3A_311 = arith.constant 0 : i32
        %dma_start3A_312 = arith.constant 0 : i32
        %dma_start3A_313 = tpu.memref_slice %arg12[%dma_start3A_311, %dma_start3A_312] : memref<10240x128xf32, #tpu.memory_space<vmem_shared>> -> memref<10240x128xf32, #tpu.memory_space<vmem_shared>>
        tpu.enqueue_indirect_dma source(%arg10 : memref<128x128xf32, #tpu.memory_space<vmem>>) target(%dma_start3A_313 : memref<10240x128xf32, #tpu.memory_space<vmem_shared>>) offsets(%dma_start3A_310 : memref<128xi32, #tpu.memory_space<vmem>>) semaphore(%run_scoped3A_307 : memref<!tpu.dma_semaphore, #tpu.memory_space<semaphore_mem>>) {add = true}
        %dma_wait3A_314 = arith.constant 0 : i32
        %dma_wait3A_315 = tpu.memref_slice %arg9[%run_scoped3A_232, %dma_wait3A_314] : memref<8x128xi32, #tpu.memory_space<vmem>> -> memref<1x128xi32, #tpu.memory_space<vmem>>
        %dma_wait3A_316 = tpu.memref_squeeze %dma_wait3A_315 : memref<1x128xi32, #tpu.memory_space<vmem>> -> memref<128xi32, #tpu.memory_space<vmem>>
        %dma_wait3A_317 = arith.constant 0 : i32
        %dma_wait3A_318 = arith.constant 0 : i32
        %dma_wait3A_319 = tpu.memref_slice %arg12[%dma_wait3A_317, %dma_wait3A_318] : memref<10240x128xf32, #tpu.memory_space<vmem_shared>> -> memref<10240x128xf32, #tpu.memory_space<vmem_shared>>
        tpu.wait_indirect_dma semaphore(%run_scoped3A_307 : memref<!tpu.dma_semaphore, #tpu.memory_space<semaphore_mem>>) src(%arg10 : memref<128x128xf32, #tpu.memory_space<vmem>>) dst(%dma_wait3A_319 : memref<10240x128xf32, #tpu.memory_space<vmem_shared>>)
        tpu.yield
      }) : () -> ()
      %dma_start3A_233 = arith.constant 4 : i32
      %dma_start3A_234 = arith.constant 0 : i32
      %dma_start3A_235 = tpu.memref_slice %arg7[%dma_start3A_233, %dma_start3A_234] : memref<8x128xi32, #tpu.memory_space<vmem>> -> memref<1x128xi32, #tpu.memory_space<vmem>>
      %dma_start3A_236 = tpu.memref_squeeze %dma_start3A_235 : memref<1x128xi32, #tpu.memory_space<vmem>> -> memref<128xi32, #tpu.memory_space<vmem>>
      %dma_start3A_237 = arith.constant 0 : i32
      %dma_start3A_238 = arith.constant 0 : i32
      %dma_start3A_239 = tpu.memref_slice %arg2[%dma_start3A_237, %dma_start3A_238] : memref<10000x128xf32, #tpu.memory_space<hbm>> -> memref<10000x128xf32, #tpu.memory_space<hbm>>
      tpu.enqueue_indirect_dma source(%dma_start3A_239 : memref<10000x128xf32, #tpu.memory_space<hbm>>) target(%arg10 : memref<128x128xf32, #tpu.memory_space<vmem>>) offsets(%dma_start3A_236 : memref<128xi32, #tpu.memory_space<vmem>>) semaphore(%arg13 : memref<!tpu.dma_semaphore, #tpu.memory_space<semaphore_mem>>)
      %dma_wait3A_240 = arith.constant 3 : i32
      %dma_wait3A_241 = arith.constant 0 : i32
      %dma_wait3A_242 = tpu.memref_slice %arg7[%dma_wait3A_240, %dma_wait3A_241] : memref<8x128xi32, #tpu.memory_space<vmem>> -> memref<1x128xi32, #tpu.memory_space<vmem>>
      %dma_wait3A_243 = tpu.memref_squeeze %dma_wait3A_242 : memref<1x128xi32, #tpu.memory_space<vmem>> -> memref<128xi32, #tpu.memory_space<vmem>>
      %dma_wait3A_244 = arith.constant 0 : i32
      %dma_wait3A_245 = arith.constant 0 : i32
      %dma_wait3A_246 = tpu.memref_slice %arg2[%dma_wait3A_244, %dma_wait3A_245] : memref<10000x128xf32, #tpu.memory_space<hbm>> -> memref<10000x128xf32, #tpu.memory_space<hbm>>
      tpu.wait_indirect_dma semaphore(%arg14 : memref<!tpu.dma_semaphore, #tpu.memory_space<semaphore_mem>>) src(%dma_wait3A_246 : memref<10000x128xf32, #tpu.memory_space<hbm>>) dst(%arg11 : memref<128x128xf32, #tpu.memory_space<vmem>>)
      %run_scoped3A_247 = arith.constant 3 : i32
      "tpu.region"() ({
        %run_scoped3A_307 = tpu.sem_alloc : memref<!tpu.dma_semaphore, #tpu.memory_space<semaphore_mem>>
        %dma_start3A_308 = arith.constant 0 : i32
        %dma_start3A_309 = tpu.memref_slice %arg9[%run_scoped3A_247, %dma_start3A_308] : memref<8x128xi32, #tpu.memory_space<vmem>> -> memref<1x128xi32, #tpu.memory_space<vmem>>
        %dma_start3A_310 = tpu.memref_squeeze %dma_start3A_309 : memref<1x128xi32, #tpu.memory_space<vmem>> -> memref<128xi32, #tpu.memory_space<vmem>>
        %dma_start3A_311 = arith.constant 0 : i32
        %dma_start3A_312 = arith.constant 0 : i32
        %dma_start3A_313 = tpu.memref_slice %arg12[%dma_start3A_311, %dma_start3A_312] : memref<10240x128xf32, #tpu.memory_space<vmem_shared>> -> memref<10240x128xf32, #tpu.memory_space<vmem_shared>>
        tpu.enqueue_indirect_dma source(%arg11 : memref<128x128xf32, #tpu.memory_space<vmem>>) target(%dma_start3A_313 : memref<10240x128xf32, #tpu.memory_space<vmem_shared>>) offsets(%dma_start3A_310 : memref<128xi32, #tpu.memory_space<vmem>>) semaphore(%run_scoped3A_307 : memref<!tpu.dma_semaphore, #tpu.memory_space<semaphore_mem>>) {add = true}
        %dma_wait3A_314 = arith.constant 0 : i32
        %dma_wait3A_315 = tpu.memref_slice %arg9[%run_scoped3A_247, %dma_wait3A_314] : memref<8x128xi32, #tpu.memory_space<vmem>> -> memref<1x128xi32, #tpu.memory_space<vmem>>
        %dma_wait3A_316 = tpu.memref_squeeze %dma_wait3A_315 : memref<1x128xi32, #tpu.memory_space<vmem>> -> memref<128xi32, #tpu.memory_space<vmem>>
        %dma_wait3A_317 = arith.constant 0 : i32
        %dma_wait3A_318 = arith.constant 0 : i32
        %dma_wait3A_319 = tpu.memref_slice %arg12[%dma_wait3A_317, %dma_wait3A_318] : memref<10240x128xf32, #tpu.memory_space<vmem_shared>> -> memref<10240x128xf32, #tpu.memory_space<vmem_shared>>
        tpu.wait_indirect_dma semaphore(%run_scoped3A_307 : memref<!tpu.dma_semaphore, #tpu.memory_space<semaphore_mem>>) src(%arg11 : memref<128x128xf32, #tpu.memory_space<vmem>>) dst(%dma_wait3A_319 : memref<10240x128xf32, #tpu.memory_space<vmem_shared>>)
        tpu.yield
      }) : () -> ()
      %dma_start3A_248 = arith.constant 5 : i32
      %dma_start3A_249 = arith.constant 0 : i32
      %dma_start3A_250 = tpu.memref_slice %arg7[%dma_start3A_248, %dma_start3A_249] : memref<8x128xi32, #tpu.memory_space<vmem>> -> memref<1x128xi32, #tpu.memory_space<vmem>>
      %dma_start3A_251 = tpu.memref_squeeze %dma_start3A_250 : memref<1x128xi32, #tpu.memory_space<vmem>> -> memref<128xi32, #tpu.memory_space<vmem>>
      %dma_start3A_252 = arith.constant 0 : i32
      %dma_start3A_253 = arith.constant 0 : i32
      %dma_start3A_254 = tpu.memref_slice %arg2[%dma_start3A_252, %dma_start3A_253] : memref<10000x128xf32, #tpu.memory_space<hbm>> -> memref<10000x128xf32, #tpu.memory_space<hbm>>
      tpu.enqueue_indirect_dma source(%dma_start3A_254 : memref<10000x128xf32, #tpu.memory_space<hbm>>) target(%arg11 : memref<128x128xf32, #tpu.memory_space<vmem>>) offsets(%dma_start3A_251 : memref<128xi32, #tpu.memory_space<vmem>>) semaphore(%arg14 : memref<!tpu.dma_semaphore, #tpu.memory_space<semaphore_mem>>)
      %dma_wait3A_255 = arith.constant 4 : i32
      %dma_wait3A_256 = arith.constant 0 : i32
      %dma_wait3A_257 = tpu.memref_slice %arg7[%dma_wait3A_255, %dma_wait3A_256] : memref<8x128xi32, #tpu.memory_space<vmem>> -> memref<1x128xi32, #tpu.memory_space<vmem>>
      %dma_wait3A_258 = tpu.memref_squeeze %dma_wait3A_257 : memref<1x128xi32, #tpu.memory_space<vmem>> -> memref<128xi32, #tpu.memory_space<vmem>>
      %dma_wait3A_259 = arith.constant 0 : i32
      %dma_wait3A_260 = arith.constant 0 : i32
      %dma_wait3A_261 = tpu.memref_slice %arg2[%dma_wait3A_259, %dma_wait3A_260] : memref<10000x128xf32, #tpu.memory_space<hbm>> -> memref<10000x128xf32, #tpu.memory_space<hbm>>
      tpu.wait_indirect_dma semaphore(%arg13 : memref<!tpu.dma_semaphore, #tpu.memory_space<semaphore_mem>>) src(%dma_wait3A_261 : memref<10000x128xf32, #tpu.memory_space<hbm>>) dst(%arg10 : memref<128x128xf32, #tpu.memory_space<vmem>>)
      %run_scoped3A_262 = arith.constant 4 : i32
      "tpu.region"() ({
        %run_scoped3A_307 = tpu.sem_alloc : memref<!tpu.dma_semaphore, #tpu.memory_space<semaphore_mem>>
        %dma_start3A_308 = arith.constant 0 : i32
        %dma_start3A_309 = tpu.memref_slice %arg9[%run_scoped3A_262, %dma_start3A_308] : memref<8x128xi32, #tpu.memory_space<vmem>> -> memref<1x128xi32, #tpu.memory_space<vmem>>
        %dma_start3A_310 = tpu.memref_squeeze %dma_start3A_309 : memref<1x128xi32, #tpu.memory_space<vmem>> -> memref<128xi32, #tpu.memory_space<vmem>>
        %dma_start3A_311 = arith.constant 0 : i32
        %dma_start3A_312 = arith.constant 0 : i32
        %dma_start3A_313 = tpu.memref_slice %arg12[%dma_start3A_311, %dma_start3A_312] : memref<10240x128xf32, #tpu.memory_space<vmem_shared>> -> memref<10240x128xf32, #tpu.memory_space<vmem_shared>>
        tpu.enqueue_indirect_dma source(%arg10 : memref<128x128xf32, #tpu.memory_space<vmem>>) target(%dma_start3A_313 : memref<10240x128xf32, #tpu.memory_space<vmem_shared>>) offsets(%dma_start3A_310 : memref<128xi32, #tpu.memory_space<vmem>>) semaphore(%run_scoped3A_307 : memref<!tpu.dma_semaphore, #tpu.memory_space<semaphore_mem>>) {add = true}
        %dma_wait3A_314 = arith.constant 0 : i32
        %dma_wait3A_315 = tpu.memref_slice %arg9[%run_scoped3A_262, %dma_wait3A_314] : memref<8x128xi32, #tpu.memory_space<vmem>> -> memref<1x128xi32, #tpu.memory_space<vmem>>
        %dma_wait3A_316 = tpu.memref_squeeze %dma_wait3A_315 : memref<1x128xi32, #tpu.memory_space<vmem>> -> memref<128xi32, #tpu.memory_space<vmem>>
        %dma_wait3A_317 = arith.constant 0 : i32
        %dma_wait3A_318 = arith.constant 0 : i32
        %dma_wait3A_319 = tpu.memref_slice %arg12[%dma_wait3A_317, %dma_wait3A_318] : memref<10240x128xf32, #tpu.memory_space<vmem_shared>> -> memref<10240x128xf32, #tpu.memory_space<vmem_shared>>
        tpu.wait_indirect_dma semaphore(%run_scoped3A_307 : memref<!tpu.dma_semaphore, #tpu.memory_space<semaphore_mem>>) src(%arg10 : memref<128x128xf32, #tpu.memory_space<vmem>>) dst(%dma_wait3A_319 : memref<10240x128xf32, #tpu.memory_space<vmem_shared>>)
        tpu.yield
      }) : () -> ()
      %dma_start3A_263 = arith.constant 6 : i32
      %dma_start3A_264 = arith.constant 0 : i32
      %dma_start3A_265 = tpu.memref_slice %arg7[%dma_start3A_263, %dma_start3A_264] : memref<8x128xi32, #tpu.memory_space<vmem>> -> memref<1x128xi32, #tpu.memory_space<vmem>>
      %dma_start3A_266 = tpu.memref_squeeze %dma_start3A_265 : memref<1x128xi32, #tpu.memory_space<vmem>> -> memref<128xi32, #tpu.memory_space<vmem>>
      %dma_start3A_267 = arith.constant 0 : i32
      %dma_start3A_268 = arith.constant 0 : i32
      %dma_start3A_269 = tpu.memref_slice %arg2[%dma_start3A_267, %dma_start3A_268] : memref<10000x128xf32, #tpu.memory_space<hbm>> -> memref<10000x128xf32, #tpu.memory_space<hbm>>
      tpu.enqueue_indirect_dma source(%dma_start3A_269 : memref<10000x128xf32, #tpu.memory_space<hbm>>) target(%arg10 : memref<128x128xf32, #tpu.memory_space<vmem>>) offsets(%dma_start3A_266 : memref<128xi32, #tpu.memory_space<vmem>>) semaphore(%arg13 : memref<!tpu.dma_semaphore, #tpu.memory_space<semaphore_mem>>)
      %dma_wait3A_270 = arith.constant 5 : i32
      %dma_wait3A_271 = arith.constant 0 : i32
      %dma_wait3A_272 = tpu.memref_slice %arg7[%dma_wait3A_270, %dma_wait3A_271] : memref<8x128xi32, #tpu.memory_space<vmem>> -> memref<1x128xi32, #tpu.memory_space<vmem>>
      %dma_wait3A_273 = tpu.memref_squeeze %dma_wait3A_272 : memref<1x128xi32, #tpu.memory_space<vmem>> -> memref<128xi32, #tpu.memory_space<vmem>>
      %dma_wait3A_274 = arith.constant 0 : i32
      %dma_wait3A_275 = arith.constant 0 : i32
      %dma_wait3A_276 = tpu.memref_slice %arg2[%dma_wait3A_274, %dma_wait3A_275] : memref<10000x128xf32, #tpu.memory_space<hbm>> -> memref<10000x128xf32, #tpu.memory_space<hbm>>
      tpu.wait_indirect_dma semaphore(%arg14 : memref<!tpu.dma_semaphore, #tpu.memory_space<semaphore_mem>>) src(%dma_wait3A_276 : memref<10000x128xf32, #tpu.memory_space<hbm>>) dst(%arg11 : memref<128x128xf32, #tpu.memory_space<vmem>>)
      %run_scoped3A_277 = arith.constant 5 : i32
      "tpu.region"() ({
        %run_scoped3A_307 = tpu.sem_alloc : memref<!tpu.dma_semaphore, #tpu.memory_space<semaphore_mem>>
        %dma_start3A_308 = arith.constant 0 : i32
        %dma_start3A_309 = tpu.memref_slice %arg9[%run_scoped3A_277, %dma_start3A_308] : memref<8x128xi32, #tpu.memory_space<vmem>> -> memref<1x128xi32, #tpu.memory_space<vmem>>
        %dma_start3A_310 = tpu.memref_squeeze %dma_start3A_309 : memref<1x128xi32, #tpu.memory_space<vmem>> -> memref<128xi32, #tpu.memory_space<vmem>>
        %dma_start3A_311 = arith.constant 0 : i32
        %dma_start3A_312 = arith.constant 0 : i32
        %dma_start3A_313 = tpu.memref_slice %arg12[%dma_start3A_311, %dma_start3A_312] : memref<10240x128xf32, #tpu.memory_space<vmem_shared>> -> memref<10240x128xf32, #tpu.memory_space<vmem_shared>>
        tpu.enqueue_indirect_dma source(%arg11 : memref<128x128xf32, #tpu.memory_space<vmem>>) target(%dma_start3A_313 : memref<10240x128xf32, #tpu.memory_space<vmem_shared>>) offsets(%dma_start3A_310 : memref<128xi32, #tpu.memory_space<vmem>>) semaphore(%run_scoped3A_307 : memref<!tpu.dma_semaphore, #tpu.memory_space<semaphore_mem>>) {add = true}
        %dma_wait3A_314 = arith.constant 0 : i32
        %dma_wait3A_315 = tpu.memref_slice %arg9[%run_scoped3A_277, %dma_wait3A_314] : memref<8x128xi32, #tpu.memory_space<vmem>> -> memref<1x128xi32, #tpu.memory_space<vmem>>
        %dma_wait3A_316 = tpu.memref_squeeze %dma_wait3A_315 : memref<1x128xi32, #tpu.memory_space<vmem>> -> memref<128xi32, #tpu.memory_space<vmem>>
        %dma_wait3A_317 = arith.constant 0 : i32
        %dma_wait3A_318 = arith.constant 0 : i32
        %dma_wait3A_319 = tpu.memref_slice %arg12[%dma_wait3A_317, %dma_wait3A_318] : memref<10240x128xf32, #tpu.memory_space<vmem_shared>> -> memref<10240x128xf32, #tpu.memory_space<vmem_shared>>
        tpu.wait_indirect_dma semaphore(%run_scoped3A_307 : memref<!tpu.dma_semaphore, #tpu.memory_space<semaphore_mem>>) src(%arg11 : memref<128x128xf32, #tpu.memory_space<vmem>>) dst(%dma_wait3A_319 : memref<10240x128xf32, #tpu.memory_space<vmem_shared>>)
        tpu.yield
      }) : () -> ()
      %dma_start3A_278 = arith.constant 7 : i32
      %dma_start3A_279 = arith.constant 0 : i32
      %dma_start3A_280 = tpu.memref_slice %arg7[%dma_start3A_278, %dma_start3A_279] : memref<8x128xi32, #tpu.memory_space<vmem>> -> memref<1x128xi32, #tpu.memory_space<vmem>>
      %dma_start3A_281 = tpu.memref_squeeze %dma_start3A_280 : memref<1x128xi32, #tpu.memory_space<vmem>> -> memref<128xi32, #tpu.memory_space<vmem>>
      %dma_start3A_282 = arith.constant 0 : i32
      %dma_start3A_283 = arith.constant 0 : i32
      %dma_start3A_284 = tpu.memref_slice %arg2[%dma_start3A_282, %dma_start3A_283] : memref<10000x128xf32, #tpu.memory_space<hbm>> -> memref<10000x128xf32, #tpu.memory_space<hbm>>
      tpu.enqueue_indirect_dma source(%dma_start3A_284 : memref<10000x128xf32, #tpu.memory_space<hbm>>) target(%arg11 : memref<128x128xf32, #tpu.memory_space<vmem>>) offsets(%dma_start3A_281 : memref<128xi32, #tpu.memory_space<vmem>>) semaphore(%arg14 : memref<!tpu.dma_semaphore, #tpu.memory_space<semaphore_mem>>)
      %dma_wait3A_285 = arith.constant 6 : i32
      %dma_wait3A_286 = arith.constant 0 : i32
      %dma_wait3A_287 = tpu.memref_slice %arg7[%dma_wait3A_285, %dma_wait3A_286] : memref<8x128xi32, #tpu.memory_space<vmem>> -> memref<1x128xi32, #tpu.memory_space<vmem>>
      %dma_wait3A_288 = tpu.memref_squeeze %dma_wait3A_287 : memref<1x128xi32, #tpu.memory_space<vmem>> -> memref<128xi32, #tpu.memory_space<vmem>>
      %dma_wait3A_289 = arith.constant 0 : i32
      %dma_wait3A_290 = arith.constant 0 : i32
      %dma_wait3A_291 = tpu.memref_slice %arg2[%dma_wait3A_289, %dma_wait3A_290] : memref<10000x128xf32, #tpu.memory_space<hbm>> -> memref<10000x128xf32, #tpu.memory_space<hbm>>
      tpu.wait_indirect_dma semaphore(%arg13 : memref<!tpu.dma_semaphore, #tpu.memory_space<semaphore_mem>>) src(%dma_wait3A_291 : memref<10000x128xf32, #tpu.memory_space<hbm>>) dst(%arg10 : memref<128x128xf32, #tpu.memory_space<vmem>>)
      %run_scoped3A_292 = arith.constant 6 : i32
      "tpu.region"() ({
        %run_scoped3A_307 = tpu.sem_alloc : memref<!tpu.dma_semaphore, #tpu.memory_space<semaphore_mem>>
        %dma_start3A_308 = arith.constant 0 : i32
        %dma_start3A_309 = tpu.memref_slice %arg9[%run_scoped3A_292, %dma_start3A_308] : memref<8x128xi32, #tpu.memory_space<vmem>> -> memref<1x128xi32, #tpu.memory_space<vmem>>
        %dma_start3A_310 = tpu.memref_squeeze %dma_start3A_309 : memref<1x128xi32, #tpu.memory_space<vmem>> -> memref<128xi32, #tpu.memory_space<vmem>>
        %dma_start3A_311 = arith.constant 0 : i32
        %dma_start3A_312 = arith.constant 0 : i32
        %dma_start3A_313 = tpu.memref_slice %arg12[%dma_start3A_311, %dma_start3A_312] : memref<10240x128xf32, #tpu.memory_space<vmem_shared>> -> memref<10240x128xf32, #tpu.memory_space<vmem_shared>>
        tpu.enqueue_indirect_dma source(%arg10 : memref<128x128xf32, #tpu.memory_space<vmem>>) target(%dma_start3A_313 : memref<10240x128xf32, #tpu.memory_space<vmem_shared>>) offsets(%dma_start3A_310 : memref<128xi32, #tpu.memory_space<vmem>>) semaphore(%run_scoped3A_307 : memref<!tpu.dma_semaphore, #tpu.memory_space<semaphore_mem>>) {add = true}
        %dma_wait3A_314 = arith.constant 0 : i32
        %dma_wait3A_315 = tpu.memref_slice %arg9[%run_scoped3A_292, %dma_wait3A_314] : memref<8x128xi32, #tpu.memory_space<vmem>> -> memref<1x128xi32, #tpu.memory_space<vmem>>
        %dma_wait3A_316 = tpu.memref_squeeze %dma_wait3A_315 : memref<1x128xi32, #tpu.memory_space<vmem>> -> memref<128xi32, #tpu.memory_space<vmem>>
        %dma_wait3A_317 = arith.constant 0 : i32
        %dma_wait3A_318 = arith.constant 0 : i32
        %dma_wait3A_319 = tpu.memref_slice %arg12[%dma_wait3A_317, %dma_wait3A_318] : memref<10240x128xf32, #tpu.memory_space<vmem_shared>> -> memref<10240x128xf32, #tpu.memory_space<vmem_shared>>
        tpu.wait_indirect_dma semaphore(%run_scoped3A_307 : memref<!tpu.dma_semaphore, #tpu.memory_space<semaphore_mem>>) src(%arg10 : memref<128x128xf32, #tpu.memory_space<vmem>>) dst(%dma_wait3A_319 : memref<10240x128xf32, #tpu.memory_space<vmem_shared>>)
        tpu.yield
      }) : () -> ()
      %dma_wait3A_293 = arith.constant 7 : i32
      %dma_wait3A_294 = arith.constant 0 : i32
      %dma_wait3A_295 = tpu.memref_slice %arg7[%dma_wait3A_293, %dma_wait3A_294] : memref<8x128xi32, #tpu.memory_space<vmem>> -> memref<1x128xi32, #tpu.memory_space<vmem>>
      %dma_wait3A_296 = tpu.memref_squeeze %dma_wait3A_295 : memref<1x128xi32, #tpu.memory_space<vmem>> -> memref<128xi32, #tpu.memory_space<vmem>>
      %dma_wait3A_297 = arith.constant 0 : i32
      %dma_wait3A_298 = arith.constant 0 : i32
      %dma_wait3A_299 = tpu.memref_slice %arg2[%dma_wait3A_297, %dma_wait3A_298] : memref<10000x128xf32, #tpu.memory_space<hbm>> -> memref<10000x128xf32, #tpu.memory_space<hbm>>
      tpu.wait_indirect_dma semaphore(%arg14 : memref<!tpu.dma_semaphore, #tpu.memory_space<semaphore_mem>>) src(%dma_wait3A_299 : memref<10000x128xf32, #tpu.memory_space<hbm>>) dst(%arg11 : memref<128x128xf32, #tpu.memory_space<vmem>>)
      %run_scoped3A_300 = arith.constant 7 : i32
      "tpu.region"() ({
        %run_scoped3A_307 = tpu.sem_alloc : memref<!tpu.dma_semaphore, #tpu.memory_space<semaphore_mem>>
        %dma_start3A_308 = arith.constant 0 : i32
        %dma_start3A_309 = tpu.memref_slice %arg9[%run_scoped3A_300, %dma_start3A_308] : memref<8x128xi32, #tpu.memory_space<vmem>> -> memref<1x128xi32, #tpu.memory_space<vmem>>
        %dma_start3A_310 = tpu.memref_squeeze %dma_start3A_309 : memref<1x128xi32, #tpu.memory_space<vmem>> -> memref<128xi32, #tpu.memory_space<vmem>>
        %dma_start3A_311 = arith.constant 0 : i32
        %dma_start3A_312 = arith.constant 0 : i32
        %dma_start3A_313 = tpu.memref_slice %arg12[%dma_start3A_311, %dma_start3A_312] : memref<10240x128xf32, #tpu.memory_space<vmem_shared>> -> memref<10240x128xf32, #tpu.memory_space<vmem_shared>>
        tpu.enqueue_indirect_dma source(%arg11 : memref<128x128xf32, #tpu.memory_space<vmem>>) target(%dma_start3A_313 : memref<10240x128xf32, #tpu.memory_space<vmem_shared>>) offsets(%dma_start3A_310 : memref<128xi32, #tpu.memory_space<vmem>>) semaphore(%run_scoped3A_307 : memref<!tpu.dma_semaphore, #tpu.memory_space<semaphore_mem>>) {add = true}
        %dma_wait3A_314 = arith.constant 0 : i32
        %dma_wait3A_315 = tpu.memref_slice %arg9[%run_scoped3A_300, %dma_wait3A_314] : memref<8x128xi32, #tpu.memory_space<vmem>> -> memref<1x128xi32, #tpu.memory_space<vmem>>
        %dma_wait3A_316 = tpu.memref_squeeze %dma_wait3A_315 : memref<1x128xi32, #tpu.memory_space<vmem>> -> memref<128xi32, #tpu.memory_space<vmem>>
        %dma_wait3A_317 = arith.constant 0 : i32
        %dma_wait3A_318 = arith.constant 0 : i32
        %dma_wait3A_319 = tpu.memref_slice %arg12[%dma_wait3A_317, %dma_wait3A_318] : memref<10240x128xf32, #tpu.memory_space<vmem_shared>> -> memref<10240x128xf32, #tpu.memory_space<vmem_shared>>
        tpu.wait_indirect_dma semaphore(%run_scoped3A_307 : memref<!tpu.dma_semaphore, #tpu.memory_space<semaphore_mem>>) src(%arg11 : memref<128x128xf32, #tpu.memory_space<vmem>>) dst(%dma_wait3A_319 : memref<10240x128xf32, #tpu.memory_space<vmem_shared>>)
        tpu.yield
      }) : () -> ()
      %lt3A_301 = arith.constant 4 : i32
      %lt3A_302 = arith.cmpi slt, %scan3A_48, %lt3A_301 : i32
      %convert_element_type3A_303 = arith.extui %lt3A_302 : i1 to i32
      %cond3A_304 = arith.constant 0 : i32
      %cond3A_305 = arith.cmpi ne, %convert_element_type3A_303, %cond3A_304 : i32
      scf.if %cond3A_305 {
        %add3A_307 = arith.constant 3 : i32
        %add3A_308 = arith.addi %mul3A_51, %add3A_307 : i32
        %mul3A_309 = arith.constant 80 : i32
        %mul3A_310 = arith.muli %add3A, %mul3A_309 : i32
        %mul3A_311 = arith.constant 8 : i32
        %mul3A_312 = arith.muli %add3A_308, %mul3A_311 : i32
        %add3A_313 = arith.addi %mul3A_310, %mul3A_312 : i32
        %dma_start3A_314 = arith.constant 0 : i32
        %dma_start3A_315 = tpu.memref_slice %arg3[%add3A_313, %dma_start3A_314] : memref<2560x128xi32, #tpu.memory_space<hbm>> -> memref<8x128xi32, #tpu.memory_space<hbm>>
        %dma_start3A_316 = arith.constant 0 : i32
        %dma_start3A_317 = tpu.memref_slice %arg3[%add3A_313, %dma_start3A_316] : memref<2560x128xi32, #tpu.memory_space<hbm>> -> memref<8x128xi32, #tpu.memory_space<hbm>>
        tpu.enqueue_dma source(%dma_start3A_317 : memref<8x128xi32, #tpu.memory_space<hbm>>) target(%arg7 : memref<8x128xi32, #tpu.memory_space<vmem>>) target_semaphore(%arg16 : memref<!tpu.dma_semaphore, #tpu.memory_space<semaphore_mem>>)
        %dma_start3A_318 = arith.constant 0 : i32
        %dma_start3A_319 = tpu.memref_slice %arg4[%add3A_313, %dma_start3A_318] : memref<2560x128xi32, #tpu.memory_space<hbm>> -> memref<8x128xi32, #tpu.memory_space<hbm>>
        %dma_start3A_320 = arith.constant 0 : i32
        %dma_start3A_321 = tpu.memref_slice %arg4[%add3A_313, %dma_start3A_320] : memref<2560x128xi32, #tpu.memory_space<hbm>> -> memref<8x128xi32, #tpu.memory_space<hbm>>
        tpu.enqueue_dma source(%dma_start3A_321 : memref<8x128xi32, #tpu.memory_space<hbm>>) target(%arg9 : memref<8x128xi32, #tpu.memory_space<vmem>>) target_semaphore(%arg16 : memref<!tpu.dma_semaphore, #tpu.memory_space<semaphore_mem>>)
      } else {
      }
      %scan3A_306 = arith.constant 0 : i32
      scf.yield %scan3A_306 : i32
    }
    %scan3A_42 = arith.constant 5 : i32
    %barrier3A_43 = arith.constant 0 : index
    tpu.barrier barrier_id(%barrier3A_43)
    %mul3A_44 = arith.constant 640 : i32
    %mul3A_45 = arith.muli %arg1, %mul3A_44 : i32
    %mul3A_46 = arith.constant 640 : i32
    %mul3A_47 = arith.muli %arg1, %mul3A_46 : i32
    "tpu.region"() ({
      %run_scoped3A = tpu.sem_alloc : memref<!tpu.dma_semaphore, #tpu.memory_space<semaphore_mem>>
      %dma_start3A_48 = arith.constant 0 : i32
      %dma_start3A_49 = tpu.memref_slice %arg5[%arg0, %mul3A_47, %dma_start3A_48] : memref<2x10240x128xf32, #tpu.memory_space<hbm>> -> memref<1x640x128xf32, #tpu.memory_space<hbm>>
      %dma_start3A_50 = tpu.memref_squeeze %dma_start3A_49 : memref<1x640x128xf32, #tpu.memory_space<hbm>> -> memref<640x128xf32, #tpu.memory_space<hbm>>
      %dma_start3A_51 = arith.constant 0 : i32
      %dma_start3A_52 = tpu.memref_slice %arg12[%mul3A_45, %dma_start3A_51] : memref<10240x128xf32, #tpu.memory_space<vmem_shared>> -> memref<640x128xf32, #tpu.memory_space<vmem_shared>>
      tpu.enqueue_dma source(%dma_start3A_52 : memref<640x128xf32, #tpu.memory_space<vmem_shared>>) target(%dma_start3A_50 : memref<640x128xf32, #tpu.memory_space<hbm>>) target_semaphore(%run_scoped3A : memref<!tpu.dma_semaphore, #tpu.memory_space<semaphore_mem>>)
      %dma_wait3A = arith.constant 0 : i32
      %dma_wait3A_53 = tpu.memref_slice %arg5[%arg0, %mul3A_47, %dma_wait3A] : memref<2x10240x128xf32, #tpu.memory_space<hbm>> -> memref<1x640x128xf32, #tpu.memory_space<hbm>>
      %dma_wait3A_54 = tpu.memref_squeeze %dma_wait3A_53 : memref<1x640x128xf32, #tpu.memory_space<hbm>> -> memref<640x128xf32, #tpu.memory_space<hbm>>
      %dma_wait3A_55 = arith.constant 0 : i32
      %dma_wait3A_56 = tpu.memref_slice %arg12[%mul3A_45, %dma_wait3A_55] : memref<10240x128xf32, #tpu.memory_space<vmem_shared>> -> memref<640x128xf32, #tpu.memory_space<vmem_shared>>
      tpu.wait_dma2 semaphore(%run_scoped3A : memref<!tpu.dma_semaphore, #tpu.memory_space<semaphore_mem>>) src(%dma_wait3A_56 : memref<640x128xf32, #tpu.memory_space<vmem_shared>>) dst(%dma_wait3A_54 : memref<640x128xf32, #tpu.memory_space<hbm>>)
      tpu.yield
    }) : () -> ()
    return
  }
}

module attributes {stable_mosaic.version = 14 : i64} {
  func.func @_tc_bn_mm_body(%arg0: memref<2x10240x128xf32, #tpu.memory_space<vmem>>, %arg1: memref<10000x128xf32, #tpu.memory_space<vmem>>, %arg2: memref<10000x128xf32, #tpu.memory_space<vmem>>, %arg3: memref<1x128xf32, #tpu.memory_space<vmem>>, %arg4: memref<1x128xf32, #tpu.memory_space<vmem>>, %arg5: memref<1x128xf32, #tpu.memory_space<vmem>>, %arg6: memref<128x128xf32, #tpu.memory_space<vmem>>, %arg7: memref<10000x128xf32, #tpu.memory_space<vmem>>) attributes {dimension_semantics = [], scalar_prefetch = 0 : i64, scratch_operands = 0 : i64, tpu.core_type = #tpu.core_type<tc>} {
    %get3A = arith.constant 0 : index
    %get3A_0 = arith.constant 0 : index
    %get3A_1 = vector.load %arg2[%get3A, %get3A_0] : memref<10000x128xf32, #tpu.memory_space<vmem>>, vector<10000x128xf32>
    %get3A_2 = arith.constant 0 : index
    %get3A_3 = arith.constant 0 : index
    %get3A_4 = arith.constant 0 : index
    %get3A_5 = vector.load %arg0[%get3A_2, %get3A_3, %get3A_4] : memref<2x10240x128xf32, #tpu.memory_space<vmem>>, vector<2x10240x128xf32>
    %get3A_6 = arith.constant 0 : index
    %get3A_7 = arith.constant 0 : index
    %get3A_8 = vector.load %arg1[%get3A_6, %get3A_7] : memref<10000x128xf32, #tpu.memory_space<vmem>>, vector<10000x128xf32>
    %get3A_9 = arith.constant 0 : index
    %get3A_10 = arith.constant 0 : index
    %get3A_11 = vector.load %arg3[%get3A_9, %get3A_10] : memref<1x128xf32, #tpu.memory_space<vmem>>, vector<1x128xf32>
    %get3A_12 = arith.constant 0 : index
    %get3A_13 = arith.constant 0 : index
    %get3A_14 = vector.load %arg4[%get3A_12, %get3A_13] : memref<1x128xf32, #tpu.memory_space<vmem>>, vector<1x128xf32>
    %get3A_15 = arith.constant 0 : index
    %get3A_16 = arith.constant 0 : index
    %get3A_17 = vector.load %arg5[%get3A_15, %get3A_16] : memref<1x128xf32, #tpu.memory_space<vmem>>, vector<1x128xf32>
    %slice3A = vector.extract_strided_slice %get3A_5 {offsets = [0, 0, 0], sizes = [1, 10000, 128], strides = [1, 1, 1]} : vector<2x10240x128xf32> to vector<1x10000x128xf32>
    %squeeze3A = vector.shape_cast %slice3A : vector<1x10000x128xf32> to vector<10000x128xf32>
    %slice3A_18 = vector.extract_strided_slice %get3A_5 {offsets = [1, 0, 0], sizes = [1, 10000, 128], strides = [1, 1, 1]} : vector<2x10240x128xf32> to vector<1x10000x128xf32>
    %squeeze3A_19 = vector.shape_cast %slice3A_18 : vector<1x10000x128xf32> to vector<10000x128xf32>
    %add3A = arith.addf %squeeze3A, %squeeze3A_19 : vector<10000x128xf32>
    %add3A_20 = arith.addf %add3A, %get3A_8 : vector<10000x128xf32>
    %mul3A = arith.mulf %add3A_20, %get3A_1 : vector<10000x128xf32>
    %add3A_21 = vector.broadcast %get3A_11 : vector<1x128xf32> to vector<10000x128xf32>
    %add3A_22 = arith.addf %mul3A, %add3A_21 : vector<10000x128xf32>
    %reduce_sum3A = arith.constant dense<0.000000e+00> : vector<128xf32>
    %reduce_sum3A_23 = vector.multi_reduction <add>, %add3A_22, %reduce_sum3A [0] : vector<10000x128xf32> to vector<128xf32>
    %broadcast_in_dim3A = vector.shape_cast %reduce_sum3A_23 : vector<128xf32> to vector<1x128xf32>
    %div3A = arith.constant 1.000000e+04 : f32
    %div3A_24 = vector.broadcast %div3A : f32 to vector<1x128xf32>
    %div3A_25 = arith.divf %broadcast_in_dim3A, %div3A_24 : vector<1x128xf32>
    %sub3A = vector.broadcast %div3A_25 : vector<1x128xf32> to vector<10000x128xf32>
    %sub3A_26 = arith.subf %add3A_22, %sub3A : vector<10000x128xf32>
    %integer_pow3A = arith.mulf %sub3A_26, %sub3A_26 : vector<10000x128xf32>
    %reduce_sum3A_27 = arith.constant dense<0.000000e+00> : vector<128xf32>
    %reduce_sum3A_28 = vector.multi_reduction <add>, %integer_pow3A, %reduce_sum3A_27 [0] : vector<10000x128xf32> to vector<128xf32>
    %broadcast_in_dim3A_29 = vector.shape_cast %reduce_sum3A_28 : vector<128xf32> to vector<1x128xf32>
    %div3A_30 = arith.constant 1.000000e+04 : f32
    %div3A_31 = vector.broadcast %div3A_30 : f32 to vector<1x128xf32>
    %div3A_32 = arith.divf %broadcast_in_dim3A_29, %div3A_31 : vector<1x128xf32>
    %sub3A_33 = vector.broadcast %div3A_25 : vector<1x128xf32> to vector<10000x128xf32>
    %sub3A_34 = arith.subf %add3A_22, %sub3A_33 : vector<10000x128xf32>
    %add3A_35 = arith.constant 9.99999974E-6 : f32
    %add3A_36 = vector.broadcast %add3A_35 : f32 to vector<1x128xf32>
    %add3A_37 = arith.addf %div3A_32, %add3A_36 : vector<1x128xf32>
    %rsqrt3A = math.rsqrt %add3A_37 : vector<1x128xf32>
    %mul3A_38 = vector.broadcast %rsqrt3A : vector<1x128xf32> to vector<10000x128xf32>
    %mul3A_39 = arith.mulf %sub3A_34, %mul3A_38 : vector<10000x128xf32>
    %mul3A_40 = vector.broadcast %get3A_14 : vector<1x128xf32> to vector<10000x128xf32>
    %mul3A_41 = arith.mulf %mul3A_39, %mul3A_40 : vector<10000x128xf32>
    %add3A_42 = vector.broadcast %get3A_17 : vector<1x128xf32> to vector<10000x128xf32>
    %add3A_43 = arith.addf %mul3A_41, %add3A_42 : vector<10000x128xf32>
    %max3A = arith.constant 0.000000e+00 : f32
    %max3A_44 = vector.broadcast %max3A : f32 to vector<10000x128xf32>
    %max3A_45 = arith.maximumf %add3A_43, %max3A_44 : vector<10000x128xf32>
    %get3A_46 = arith.constant 0 : index
    %get3A_47 = arith.constant 0 : index
    %get3A_48 = vector.load %arg6[%get3A_46, %get3A_47] : memref<128x128xf32, #tpu.memory_space<vmem>>, vector<128x128xf32>
    %dot_general3A = arith.constant dense<0.000000e+00> : vector<10000x128xf32>
    %dot_general3A_49 = tpu.matmul %max3A_45, %get3A_48, %dot_general3A {dimension_numbers = #tpu.dot_dimension_numbers<[1], [0], [0], [1], [0, 0, 1, 1], [], []>, transpose_lhs_hint = false} : vector<10000x128xf32>, vector<128x128xf32>, vector<10000x128xf32> -> vector<10000x128xf32>
    %mul3A_50 = arith.mulf %dot_general3A_49, %get3A_1 : vector<10000x128xf32>
    %swap3A = arith.constant 0 : index
    %swap3A_51 = arith.constant 0 : index
    %swap3A_52 = vector.load %arg7[%swap3A, %swap3A_51] : memref<10000x128xf32, #tpu.memory_space<vmem>>, vector<10000x128xf32>
    tpu.vector_store %arg7[%swap3A, %swap3A_51], %mul3A_50 {strides = array<i32>} : memref<10000x128xf32, #tpu.memory_space<vmem>>, vector<10000x128xf32>,
    return
  }
}

module attributes {stable_mosaic.version = 14 : i64} {
  func.func @_tc_mm1_body(%arg0: memref<10000x128xf32, #tpu.memory_space<vmem>>, %arg1: memref<128x128xf32, #tpu.memory_space<vmem>>, %arg2: memref<2x10240x128xf32, #tpu.memory_space<vmem>>, %arg3: memref<10000x128xf32, #tpu.memory_space<vmem>>, %arg4: memref<10000x128xf32, #tpu.memory_space<vmem>>) attributes {dimension_semantics = [], scalar_prefetch = 0 : i64, scratch_operands = 0 : i64, tpu.core_type = #tpu.core_type<tc>} {
    %get3A = arith.constant 0 : index
    %get3A_0 = arith.constant 0 : index
    %get3A_1 = arith.constant 0 : index
    %get3A_2 = vector.load %arg2[%get3A, %get3A_0, %get3A_1] : memref<2x10240x128xf32, #tpu.memory_space<vmem>>, vector<1x10000x128xf32>
    %get3A_3 = vector.shape_cast %get3A_2 : vector<1x10000x128xf32> to vector<10000x128xf32>
    %get3A_4 = arith.constant 1 : index
    %get3A_5 = arith.constant 0 : index
    %get3A_6 = arith.constant 0 : index
    %get3A_7 = vector.load %arg2[%get3A_4, %get3A_5, %get3A_6] : memref<2x10240x128xf32, #tpu.memory_space<vmem>>, vector<1x10000x128xf32>
    %get3A_8 = vector.shape_cast %get3A_7 : vector<1x10000x128xf32> to vector<10000x128xf32>
    %add3A = arith.addf %get3A_3, %get3A_8 : vector<10000x128xf32>
    %add3A_9 = arith.constant 1.000000e+00 : f32
    %add3A_10 = vector.broadcast %add3A_9 : f32 to vector<10000x128xf32>
    %add3A_11 = arith.addf %add3A, %add3A_10 : vector<10000x128xf32>
    %rsqrt3A = math.rsqrt %add3A_11 : vector<10000x128xf32>
    %get3A_12 = arith.constant 0 : index
    %get3A_13 = arith.constant 0 : index
    %get3A_14 = vector.load %arg0[%get3A_12, %get3A_13] : memref<10000x128xf32, #tpu.memory_space<vmem>>, vector<10000x128xf32>
    %get3A_15 = arith.constant 0 : index
    %get3A_16 = arith.constant 0 : index
    %get3A_17 = vector.load %arg1[%get3A_15, %get3A_16] : memref<128x128xf32, #tpu.memory_space<vmem>>, vector<128x128xf32>
    %dot_general3A = arith.constant dense<0.000000e+00> : vector<10000x128xf32>
    %dot_general3A_18 = tpu.matmul %get3A_14, %get3A_17, %dot_general3A {dimension_numbers = #tpu.dot_dimension_numbers<[1], [0], [0], [1], [0, 0, 1, 1], [], []>, transpose_lhs_hint = false} : vector<10000x128xf32>, vector<128x128xf32>, vector<10000x128xf32> -> vector<10000x128xf32>
    %swap3A = arith.constant 0 : index
    %swap3A_19 = arith.constant 0 : index
    %swap3A_20 = vector.load %arg4[%swap3A, %swap3A_19] : memref<10000x128xf32, #tpu.memory_space<vmem>>, vector<10000x128xf32>
    tpu.vector_store %arg4[%swap3A, %swap3A_19], %rsqrt3A {strides = array<i32>} : memref<10000x128xf32, #tpu.memory_space<vmem>>, vector<10000x128xf32>,
    %mul3A = arith.mulf %dot_general3A_18, %rsqrt3A : vector<10000x128xf32>
    %swap3A_21 = arith.constant 0 : index
    %swap3A_22 = arith.constant 0 : index
    %swap3A_23 = vector.load %arg3[%swap3A_21, %swap3A_22] : memref<10000x128xf32, #tpu.memory_space<vmem>>, vector<10000x128xf32>
    tpu.vector_store %arg3[%swap3A_21, %swap3A_22], %mul3A {strides = array<i32>} : memref<10000x128xf32, #tpu.memory_space<vmem>>, vector<10000x128xf32>,
    return
  }
}

module attributes {stable_mosaic.version = 14 : i64} {
  func.func @_tc_bn_pool_body(%arg0: memref<2x10240x128xf32, #tpu.memory_space<vmem>>, %arg1: memref<10000x128xf32, #tpu.memory_space<vmem>>, %arg2: memref<10000x128xf32, #tpu.memory_space<vmem>>, %arg3: memref<1x128xf32, #tpu.memory_space<vmem>>, %arg4: memref<1x128xf32, #tpu.memory_space<vmem>>, %arg5: memref<1x128xf32, #tpu.memory_space<vmem>>, %arg6: memref<1x10000xi32, #tpu.memory_space<vmem>>, %arg7: memref<128x128xf32, #tpu.memory_space<vmem>>, %arg8: memref<1x128xf32, #tpu.memory_space<vmem>>, %arg9: memref<128x128xf32, #tpu.memory_space<vmem>>, %arg10: memref<1x128xf32, #tpu.memory_space<vmem>>, %arg11: memref<128x128xf32, #tpu.memory_space<vmem>>) attributes {dimension_semantics = [], scalar_prefetch = 0 : i64, scratch_operands = 0 : i64, tpu.core_type = #tpu.core_type<tc>} {
    %get3A = arith.constant 0 : index
    %get3A_0 = arith.constant 0 : index
    %get3A_1 = vector.load %arg2[%get3A, %get3A_0] : memref<10000x128xf32, #tpu.memory_space<vmem>>, vector<10000x128xf32>
    %get3A_2 = arith.constant 0 : index
    %get3A_3 = arith.constant 0 : index
    %get3A_4 = arith.constant 0 : index
    %get3A_5 = vector.load %arg0[%get3A_2, %get3A_3, %get3A_4] : memref<2x10240x128xf32, #tpu.memory_space<vmem>>, vector<2x10240x128xf32>
    %get3A_6 = arith.constant 0 : index
    %get3A_7 = arith.constant 0 : index
    %get3A_8 = vector.load %arg1[%get3A_6, %get3A_7] : memref<10000x128xf32, #tpu.memory_space<vmem>>, vector<10000x128xf32>
    %get3A_9 = arith.constant 0 : index
    %get3A_10 = arith.constant 0 : index
    %get3A_11 = vector.load %arg3[%get3A_9, %get3A_10] : memref<1x128xf32, #tpu.memory_space<vmem>>, vector<1x128xf32>
    %get3A_12 = arith.constant 0 : index
    %get3A_13 = arith.constant 0 : index
    %get3A_14 = vector.load %arg4[%get3A_12, %get3A_13] : memref<1x128xf32, #tpu.memory_space<vmem>>, vector<1x128xf32>
    %get3A_15 = arith.constant 0 : index
    %get3A_16 = arith.constant 0 : index
    %get3A_17 = vector.load %arg5[%get3A_15, %get3A_16] : memref<1x128xf32, #tpu.memory_space<vmem>>, vector<1x128xf32>
    %slice3A = vector.extract_strided_slice %get3A_5 {offsets = [0, 0, 0], sizes = [1, 10000, 128], strides = [1, 1, 1]} : vector<2x10240x128xf32> to vector<1x10000x128xf32>
    %squeeze3A = vector.shape_cast %slice3A : vector<1x10000x128xf32> to vector<10000x128xf32>
    %slice3A_18 = vector.extract_strided_slice %get3A_5 {offsets = [1, 0, 0], sizes = [1, 10000, 128], strides = [1, 1, 1]} : vector<2x10240x128xf32> to vector<1x10000x128xf32>
    %squeeze3A_19 = vector.shape_cast %slice3A_18 : vector<1x10000x128xf32> to vector<10000x128xf32>
    %add3A = arith.addf %squeeze3A, %squeeze3A_19 : vector<10000x128xf32>
    %add3A_20 = arith.addf %add3A, %get3A_8 : vector<10000x128xf32>
    %mul3A = arith.mulf %add3A_20, %get3A_1 : vector<10000x128xf32>
    %add3A_21 = vector.broadcast %get3A_11 : vector<1x128xf32> to vector<10000x128xf32>
    %add3A_22 = arith.addf %mul3A, %add3A_21 : vector<10000x128xf32>
    %reduce_sum3A = arith.constant dense<0.000000e+00> : vector<128xf32>
    %reduce_sum3A_23 = vector.multi_reduction <add>, %add3A_22, %reduce_sum3A [0] : vector<10000x128xf32> to vector<128xf32>
    %broadcast_in_dim3A = vector.shape_cast %reduce_sum3A_23 : vector<128xf32> to vector<1x128xf32>
    %div3A = arith.constant 1.000000e+04 : f32
    %div3A_24 = vector.broadcast %div3A : f32 to vector<1x128xf32>
    %div3A_25 = arith.divf %broadcast_in_dim3A, %div3A_24 : vector<1x128xf32>
    %sub3A = vector.broadcast %div3A_25 : vector<1x128xf32> to vector<10000x128xf32>
    %sub3A_26 = arith.subf %add3A_22, %sub3A : vector<10000x128xf32>
    %integer_pow3A = arith.mulf %sub3A_26, %sub3A_26 : vector<10000x128xf32>
    %reduce_sum3A_27 = arith.constant dense<0.000000e+00> : vector<128xf32>
    %reduce_sum3A_28 = vector.multi_reduction <add>, %integer_pow3A, %reduce_sum3A_27 [0] : vector<10000x128xf32> to vector<128xf32>
    %broadcast_in_dim3A_29 = vector.shape_cast %reduce_sum3A_28 : vector<128xf32> to vector<1x128xf32>
    %div3A_30 = arith.constant 1.000000e+04 : f32
    %div3A_31 = vector.broadcast %div3A_30 : f32 to vector<1x128xf32>
    %div3A_32 = arith.divf %broadcast_in_dim3A_29, %div3A_31 : vector<1x128xf32>
    %sub3A_33 = vector.broadcast %div3A_25 : vector<1x128xf32> to vector<10000x128xf32>
    %sub3A_34 = arith.subf %add3A_22, %sub3A_33 : vector<10000x128xf32>
    %add3A_35 = arith.constant 9.99999974E-6 : f32
    %add3A_36 = vector.broadcast %add3A_35 : f32 to vector<1x128xf32>
    %add3A_37 = arith.addf %div3A_32, %add3A_36 : vector<1x128xf32>
    %rsqrt3A = math.rsqrt %add3A_37 : vector<1x128xf32>
    %mul3A_38 = vector.broadcast %rsqrt3A : vector<1x128xf32> to vector<10000x128xf32>
    %mul3A_39 = arith.mulf %sub3A_34, %mul3A_38 : vector<10000x128xf32>
    %mul3A_40 = vector.broadcast %get3A_14 : vector<1x128xf32> to vector<10000x128xf32>
    %mul3A_41 = arith.mulf %mul3A_39, %mul3A_40 : vector<10000x128xf32>
    %add3A_42 = vector.broadcast %get3A_17 : vector<1x128xf32> to vector<10000x128xf32>
    %add3A_43 = arith.addf %mul3A_41, %add3A_42 : vector<10000x128xf32>
    %max3A = arith.constant 0.000000e+00 : f32
    %max3A_44 = vector.broadcast %max3A : f32 to vector<10000x128xf32>
    %max3A_45 = arith.maximumf %add3A_43, %max3A_44 : vector<10000x128xf32>
    %iota3A = tpu.iota {dimensions = array<i32: 0>} : vector<128x10000xi32>
    %get3A_46 = arith.constant 0 : index
    %get3A_47 = arith.constant 0 : index
    %get3A_48 = vector.load %arg6[%get3A_46, %get3A_47] : memref<1x10000xi32, #tpu.memory_space<vmem>>, vector<1x10000xi32>
    %eq3A = vector.broadcast %get3A_48 : vector<1x10000xi32> to vector<128x10000xi32>
    %eq3A_49 = arith.cmpi eq, %eq3A, %iota3A : vector<128x10000xi32>
    %convert_element_type3A = arith.extui %eq3A_49 : vector<128x10000xi1> to vector<128x10000xi32>
    %convert_element_type3A_50 = arith.sitofp %convert_element_type3A : vector<128x10000xi32> to vector<128x10000xf32>
    %dot_general3A = arith.constant dense<0.000000e+00> : vector<128x128xf32>
    %dot_general3A_51 = tpu.matmul %convert_element_type3A_50, %max3A_45, %dot_general3A {dimension_numbers = #tpu.dot_dimension_numbers<[1], [0], [0], [1], [0, 0, 1, 1], [], []>, transpose_lhs_hint = false} : vector<128x10000xf32>, vector<10000x128xf32>, vector<128x128xf32> -> vector<128x128xf32>
    %reduce_sum3A_52 = arith.constant dense<0.000000e+00> : vector<128xf32>
    %reduce_sum3A_53 = vector.multi_reduction <add>, %convert_element_type3A_50, %reduce_sum3A_52 [1] : vector<128x10000xf32> to vector<128xf32>
    %broadcast_in_dim3A_54 = vector.shape_cast %reduce_sum3A_53 : vector<128xf32> to vector<128x1xf32>
    %max3A_55 = arith.constant 1.000000e+00 : f32
    %max3A_56 = vector.broadcast %max3A_55 : f32 to vector<128x1xf32>
    %max3A_57 = arith.maximumf %broadcast_in_dim3A_54, %max3A_56 : vector<128x1xf32>
    %div3A_58 = vector.broadcast %max3A_57 : vector<128x1xf32> to vector<128x128xf32>
    %div3A_59 = arith.divf %dot_general3A_51, %div3A_58 : vector<128x128xf32>
    %get3A_60 = arith.constant 0 : index
    %get3A_61 = arith.constant 0 : index
    %get3A_62 = vector.load %arg7[%get3A_60, %get3A_61] : memref<128x128xf32, #tpu.memory_space<vmem>>, vector<128x128xf32>
    %dot_general3A_63 = arith.constant dense<0.000000e+00> : vector<128x128xf32>
    %dot_general3A_64 = tpu.matmul %div3A_59, %get3A_62, %dot_general3A_63 {dimension_numbers = #tpu.dot_dimension_numbers<[1], [0], [0], [1], [0, 0, 1, 1], [], []>, transpose_lhs_hint = false} : vector<128x128xf32>, vector<128x128xf32>, vector<128x128xf32> -> vector<128x128xf32>
    %get3A_65 = arith.constant 0 : index
    %get3A_66 = arith.constant 0 : index
    %get3A_67 = vector.load %arg8[%get3A_65, %get3A_66] : memref<1x128xf32, #tpu.memory_space<vmem>>, vector<1x128xf32>
    %add3A_68 = vector.broadcast %get3A_67 : vector<1x128xf32> to vector<128x128xf32>
    %add3A_69 = arith.addf %dot_general3A_64, %add3A_68 : vector<128x128xf32>
    %max3A_70 = arith.constant 0.000000e+00 : f32
    %max3A_71 = vector.broadcast %max3A_70 : f32 to vector<128x128xf32>
    %max3A_72 = arith.maximumf %add3A_69, %max3A_71 : vector<128x128xf32>
    %get3A_73 = arith.constant 0 : index
    %get3A_74 = arith.constant 0 : index
    %get3A_75 = vector.load %arg9[%get3A_73, %get3A_74] : memref<128x128xf32, #tpu.memory_space<vmem>>, vector<128x128xf32>
    %dot_general3A_76 = arith.constant dense<0.000000e+00> : vector<128x128xf32>
    %dot_general3A_77 = tpu.matmul %max3A_72, %get3A_75, %dot_general3A_76 {dimension_numbers = #tpu.dot_dimension_numbers<[1], [0], [0], [1], [0, 0, 1, 1], [], []>, transpose_lhs_hint = false} : vector<128x128xf32>, vector<128x128xf32>, vector<128x128xf32> -> vector<128x128xf32>
    %get3A_78 = arith.constant 0 : index
    %get3A_79 = arith.constant 0 : index
    %get3A_80 = vector.load %arg10[%get3A_78, %get3A_79] : memref<1x128xf32, #tpu.memory_space<vmem>>, vector<1x128xf32>
    %add3A_81 = vector.broadcast %get3A_80 : vector<1x128xf32> to vector<128x128xf32>
    %add3A_82 = arith.addf %dot_general3A_77, %add3A_81 : vector<128x128xf32>
    %swap3A = arith.constant 0 : index
    %swap3A_83 = arith.constant 0 : index
    %swap3A_84 = vector.load %arg11[%swap3A, %swap3A_83] : memref<128x128xf32, #tpu.memory_space<vmem>>, vector<128x128xf32>
    tpu.vector_store %arg11[%swap3A, %swap3A_83], %add3A_82 {strides = array<i32>} : memref<128x128xf32, #tpu.memory_space<vmem>>, vector<128x128xf32>,
    return
  }
}

</mosaic_0001>

<sc_bundles>
// kernel: kernel.11.cloned.1.call-start
scs
__scs_entry_jumppad:
0x0: {  	(pc) =	sbr.rel $0x88, $3  }
0x1: {  	(tag) =	ssettag $0x0;
	lr =	simm.s32 $0x1  }
0x2: {  	[smem:$0x3F92] =	sst lr;
	_ =	strace $0xD0000000  }
0x3: {  	_ = 	snop  }
0x4: {  	_ = 	snop  }
0x5: {  	_ = 	snop  }
0x6: {  	_ = 	snop  }
0x7: {  	_ = 	snop  }
__scs_overlays_trampoline_lowered:
0x8: {  	[smem:$0x3FA1] =	sst s0  }
0x9: {  	[smem:$0x3FA2] =	sst s1  }
0xa: {  	[smem:$0x3FA3] =	sst s2  }
0xb: {  	[smem:$0x3FA4] =	sst s3  }
0xc: {  	[smem:$0x3FA5] =	sst s4  }
0xd: {  	[smem:$0x3FA6] =	sst s5  }
0xe: {  	[smem:$0x3FA7] =	sst s6  }
0xf: {  	[smem:$0x3FA8] =	sst s7  }
0x10: {  	[smem:$0x3FA9] =	sst s8  }
0x11: {  	[smem:$0x3FAA] =	sst s9;
	s0 =	simm.s32 @!p0 $0x0  }
0x12: {  	s1 =	sld [smem:$0x3F90];
	s0 =	simm.s32 @p0 $0x1  }
0x13: {  	[smem:$0x3FAB] =	sst s0;
	s0 =	simm.s32 @!p1 $0x0  }
0x14: {  	s2 =	sld [smem:$0x3F8F];
	s0 =	simm.s32 @p1 $0x1  }
0x15: {  	[smem:$0x3FAC] =	sst s0;
	s0 =	simm.s32 @!p2 $0x0  }
0x16: {  	s3 =	sld [smem:$0x3FDB];
	s0 =	simm.s32 @p2 $0x1  }
0x17: {  	s4 =	simm.s32 $0x1BF5;
	[smem:$0x3FAE] =	sst s0  }
0x18: {  	s0 =	sld [smem:$0x3F91];
	_ =	swait.ge [sflag:s4], $0x0  }
0x19: {  	s7 =	sld [smem:$0x3F92]  }
0x1a: {  	s8 =	sadd.s32 $0xFFFFE003, lr  }
0x1b: {  	s9 =	sadd.s32 $0xFFFFFEF7, lr;
	s5 =	simm.s32 $0xFFFFFFFF;
	p2 =	slt.u32 s8, $0xFFFFF086  }
0x1c: {  	p1 =	slt.u32 s9, $0xF7A;
	s5 =	simm.s32 @!p2 $0x0  }
0x1d: {  	s5 =	simm.s32 @p1 $0x1;
	p0 =	seq.s32 s7, s2  }
0x1e: {  	s7 =	smul.u32 @!p0 $0xF7A, s2;
	p2 =	seq.s32 @!p0 s5, $0x0  }
0x1f: {  	s9 =	smul.u32 $0xF7A, s1;
	s8 =	simm.s32 @!p0 $0x1BF5;
	p2 =	por !p2, p0  }
0x20: {  	[sflag:s8] =	ssyncset.s32 @!p0 $0xFFFFF086;
	s6 =	sadd.s32 @!p0 s3, s7;
	s7 =	simm.s32 @!p0 $0x108  }
0x21: {  	s3 =	sadd.s32 s3, s9;
	s6 =	sadd.s32 @!p0 $0x88, s6;
	s7 =	simm.s32 @p2 $0x1082  }
0x22: {  	[simem:s7], [sflag:s8] =	dma.local @!p0 [hbm:s6], $0xF7A  }
0x23: {  	s9 =	sor.u32 $0xD0000000, s2;
	s6 =	simm.s32 $0x108;
	_ =	swait.ge @!p0 [sflag:s8], $0x0  }
0x24: {  	s3 =	sadd.s32 $0x88, s3;
	s6 =	simm.s32 @!p1 $0x1082;
	[sflag:s4] =	ssyncset.s32 $0xFFFFF086  }
0x25: {  	[simem:s6], [sflag:s4] =	dma.local [hbm:s3], $0xF7A  }
0x26: {  	[smem:$0x3F92] =	sst s1;
	(tag) =	ssettag s2;
	_ =	strace s9  }
0x27: {  	s1 =	sld [smem:$0x3FA2]  }
0x28: {  	s2 =	sld [smem:$0x3FA3]  }
0x29: {  	s4 =	sld [smem:$0x3FA5]  }
0x2a: {  	p0 =	seq.s32 s5, $0x0;
	s5 =	sld [smem:$0x3FA6]  }
0x2b: {  	s6 =	sld [smem:$0x3FA7]  }
0x2c: {  	s7 =	sld [smem:$0x3FA8]  }
0x2d: {  	s3 =	simm.s32 $0x108;
	s8 =	sld [smem:$0x3FA9]  }
0x2e: {  	s3 =	simm.s32 @!p0 $0x1082;
	s9 =	sld [smem:$0x3FAA]  }
0x2f: {  	lr =	sadd.s32 s0, s3;
	s0 =	sld [smem:$0x3FA1]  }
0x30: {  	s3 =	sld [smem:$0x3FA4]  }
0x31: {  	[smem:$0x3FAD] =	sst s10  }
0x32: {  	s10 =	sld [smem:$0x3FAB];
	_ =	sdelay $0x3  }
0x33: {  	p0 =	seq.s32 s10, $0x1;
	s10 =	sld [smem:$0x3FAD];
	_ =	sdelay $0x3  }
0x34: {  	[smem:$0x3FAD] =	sst s10  }
0x35: {  	s10 =	sld [smem:$0x3FAC];
	_ =	sdelay $0x3  }
0x36: {  	p1 =	seq.s32 s10, $0x1;
	s10 =	sld [smem:$0x3FAD];
	_ =	sdelay $0x3  }
0x37: {  	[smem:$0x3FAD] =	sst s10  }
0x38: {  	s10 =	sld [smem:$0x3FAE]  }
0x39: {  	_ = 	snop;
	(pc) =	sbr.ind lr, $3  }
0x3a: {  	_ = 	snop  }
0x3b: {  	_ = 	snop  }
0x3c: {  	p2 =	seq.s32 s10, $0x1;
	s10 =	sld [smem:$0x3FAD]  }
0x3d: {  	_ =	shalt  }
0x3e: {  	_ =	shalt  }
0x3f: {  	_ =	shalt  }
0x40: {  	_ =	shalt  }
0x41: {  	_ =	shalt  }
0x42: {  	_ =	shalt  }
0x43: {  	_ =	shalt  }
0x44: {  	_ =	shalt  }
0x45: {  	_ =	shalt  }
0x46: {  	_ =	shalt  }
0x47: {  	_ =	shalt  }
0x48: {  	_ =	shalt  }
0x49: {  	_ =	shalt  }
0x4a: {  	_ =	shalt  }
0x4b: {  	_ =	shalt  }
0x4c: {  	_ =	shalt  }
0x4d: {  	_ =	shalt  }
0x4e: {  	_ =	shalt  }
0x4f: {  	_ =	shalt  }
0x50: {  	_ =	shalt  }
0x51: {  	_ =	shalt  }
0x52: {  	_ =	shalt  }
0x53: {  	_ =	shalt  }
0x54: {  	_ =	shalt  }
0x55: {  	_ =	shalt  }
0x56: {  	_ =	shalt  }
0x57: {  	_ =	shalt  }
0x58: {  	_ =	shalt  }
0x59: {  	_ =	shalt  }
0x5a: {  	_ =	shalt  }
0x5b: {  	_ =	shalt  }
0x5c: {  	_ =	shalt  }
0x5d: {  	_ =	shalt  }
0x5e: {  	_ =	shalt  }
0x5f: {  	_ =	shalt  }
0x60: {  	_ =	shalt  }
0x61: {  	_ =	shalt  }
0x62: {  	_ =	shalt  }
0x63: {  	_ =	shalt  }
0x64: {  	_ =	shalt  }
0x65: {  	_ =	shalt  }
0x66: {  	_ =	shalt  }
0x67: {  	_ =	shalt  }
0x68: {  	_ =	shalt  }
0x69: {  	_ =	shalt  }
0x6a: {  	_ =	shalt  }
0x6b: {  	_ =	shalt  }
0x6c: {  	_ =	shalt  }
0x6d: {  	_ =	shalt  }
0x6e: {  	_ =	shalt  }
0x6f: {  	_ =	shalt  }
0x70: {  	_ =	shalt  }
0x71: {  	_ =	shalt  }
0x72: {  	_ =	shalt  }
0x73: {  	_ =	shalt  }
0x74: {  	_ =	shalt  }
0x75: {  	_ =	shalt  }
0x76: {  	_ =	shalt  }
0x77: {  	_ =	shalt  }
0x78: {  	_ =	shalt  }
0x79: {  	_ =	shalt  }
0x7a: {  	_ =	shalt  }
0x7b: {  	_ =	shalt  }
0x7c: {  	_ =	shalt  }
0x7d: {  	_ =	shalt  }
0x7e: {  	_ =	shalt  }
0x7f: {  	_ =	shalt  }
0x80: {  	_ =	shalt  }
0x81: {  	_ =	shalt  }
0x82: {  	_ =	shalt  }
0x83: {  	_ =	shalt  }
0x84: {  	_ =	shalt  }
0x85: {  	_ =	shalt  }
0x86: {  	_ =	shalt  }
0x87: {  	_ =	shalt  }
.Lfunc_end0:
.L_simem_size_0:
called_computation.1_lowered:
.L_overlay_start_0:
0x88: {  	s2 =	sld [smem:$0x3FD9]  }
0x89: {  	s3 =	sld [smem:$0x3FFE];
	_ =	sdelay $0x1  }
0x8a: {  	s1 =	srdreg.scid  }
0x8b: {  	s0 =	sand.u32 $0x1, s1  }
0x8c: {  	s16 =	sshll.u32 s0, $0xA;
	s2 =	sadd.s32 s3, s2  }
0x8d: {  	s2 =	sadd.s32 s2, s16  }
0x8e: {  	[smem:$0x3FB9] =	sst s2  }
0x8f: {  	_ = 	snop  }
0x90: {  	(tm) =	ssettm $0x1  }
0x91: {  	s17 =	sld [smem:$0x3FFB];
	_ =	sdelay $0x3  }
0x92: {  	_ =	strace s17  }
0x93: {  	s2 =	sld [smem:$0x3FFC];
	_ =	sdelay $0x3  }
0x94: {  	_ =	strace s2  }
0x95: {  	s2 =	sld [smem:$0x3FFD];
	_ =	sdelay $0x3  }
0x96: {  	_ =	strace s2  }
0x97: {  	_ =	strace $0x8FFFFFFF  }
0x98: {  	s18 =	sld [smem:$0x3FDB];
	_ =	sdelay $0x1  }
0x99: {  	s19 =	simm.s32 $_scs_section_size  }
0x9a: {  	s4 =	simm.s32 $_size__tile_overlayer_lowered;
	s5 =	simm.s32 $_tile_overlayer_lowered  }
0x9b: {  	s22 =	simm.s32 $0x1BFF;
	s21 =	sshll.u32 s5, $0x1;
	s2 =	sadd.s32 s19, s18  }
0x9c: {  	s6 =	simm.s32 $0x0;
	s20 =	sshll.u32 s4, $0x1;
	s4 =	sadd.s32 s21, s2  }
0x9d: {  	[timem:s6], [sflag:s22] =	dma.local [hbm:s4], s20  }
0x9e: {  	_ =	swait.ge [sflag:s22], s20  }
0x9f: {  	s3 =	ssub.s32 $0x0, s20;
	[sflag:s22] =	ssyncset.done $0x0  }
0xa0: {  	[sflag:s22] =	ssyncadd.s32 s3;
	_ =	sdelay $0x1  }
0xa1: {  	s23 =	simm.s32 $0x1B8B  }
0xa2: {  	_ =	swait.ge [sflag:s23], $0x1  }
0xa3: {  	[sflag:s23] =	ssyncset.done $0x0  }
0xa4: {  	s25 =	simm.s32 $0x1B8E;
	s24 =	sld [smem:$0x3FFE];
	[sflag:s23] =	ssyncadd.s32 $0xFFFFFFFF  }
0xa5: {  	s26 =	simm.s32 $execute0_lowered;
	[smem:$0x3FD2] =	sst s25  }
0xa6: {  	s4 =	sshll.u32 s26, $0x1;
	_ =	strace $0x80000049;
	[dreg:$0x1] =	wrdreg $0xFFFFFFFF  }
0xa7: {  	s28 =	simm.s32 $_size_execute0_lowered;
	s2 =	sadd.s32 s2, s4;
	[dreg:$0x0] =	wrdreg $0x0  }
0xa8: {  	s4 =	sshll.u32 s28, $0x1;
	[dreg:$0x2] =	wrdreg s2  }
0xa9: {  	[dreg:$0x3] =	wrdreg s4  }
0xaa: {  	[dreg:$0x4] =	wrdreg $0xC0  }
0xab: {  	_ =	task [dreg:s6], $0x5FFFF  }
0xac: {  	[dreg:$0x1] =	wrdreg $0xFFFFFFFF  }
0xad: {  	[dreg:$0x0] =	wrdreg $0x60  }
0xae: {  	[dreg:$0x2] =	wrdreg s24  }
0xaf: {  	[dreg:$0x3] =	wrdreg $0x90000  }
0xb0: {  	[dreg:$0x4] =	wrdreg $0x9  }
0xb1: {  	_ =	task.clear_ibuf [dreg:s6], $0x5FFFF;
	_ =	strace $0x90000049  }
0xb2: {  	s29 =	simm.s32 $0x9;
	_ =	strace $0x8000004B  }
0xb3: {  	_ =	swait.ge [sflag:s29], $0x1  }
0xb4: {  	[sflag:s29] =	ssyncadd.s32 $0xFFFFFFFF  }
0xb5: {  	_ =	strace $0x9000004B  }
0xb6: {  	_ =	sfence  }
0xb7: {  	s30 =	sld [smem:$0x0];
	_ =	sdelay $0x2  }
0xb8: {  	s31 =	sshll.u32 s1, $0xD;
	s1 =	sshrl.u32 s1, $0x2  }
0xb9: {  	s3 =	sand.u32 $0x4000, s31;
	s1 =	sadd.s32 s1, s30  }
0xba: {  	s0 =	sor.u32 s3, s0;
	s1 =	sshll.u32 s1, $0x11  }
0xbb: {  	s0 =	sor.u32 s1, s0  }
0xbc: {  	s0 =	sadd.s32 $0x8F2B, s0  }
0xbd: {  	[sflag:s0] =	ssyncadd.remote.s32 $0x1  }
0xbe: {  	_ =	sfence.sel $0xFFFF  }
0xbf: {  	[dreg:$0x0] =	wrdreg $0xFFFFFFFF;
	(pc) =	sbr.abs _section_cstart, $3  }
0xc0: {  	[dreg:$0x1] =	wrdreg $0xFFFFFFFF  }
0xc1: {  	_ =	task.clear_ibuf [dreg:s6], $0x2FFFF;
	_ =	strace $0x9FFFFFFF  }
0xc2: {  	(tm) =	ssettm $0x7FFFFFFF  }
0xc3: {  	_ =	shalt  }
tec
execute0_lowered:
.L_overlay_start_1:
0x0: {  	(tag) =	ssettag $0x1  }
0x1: {  	s0 =	rddreg [dreg:$0x0]  }
0x2: {  	s1 =	rddreg [dreg:$0x1]  }
0x3: {  	s3 =	simm.s32 $0x0;
	s2 =	srdreg.scid;
	s11 =	stileid.u32  }
0x4: {  	s29 =	simm.s32 $0x2;
	s28 =	simm.s32 $0x580;
	s30 =	simm.s32 $0xD00  }
0x5: {  	s31 =	simm.s32 $0xD80;
	[smem:$0x7FF] =	sst s3;
	s6 =	smul.u32 $0x14000, s11  }
0x6: {  	s2 =	sand.u32 $0x1, s2;
	s4 =	sadd.s32 $0x17C00, s0;
	s14 =	smul.u32 $0x50000, s11  }
0x7: {  	s7 =	sadd.s32 $0xDC00, s0;
	s8 =	sadd.s32 $0x3C00, s0;
	s22 =	smul.u32 $0x500, s11  }
0x8: {  	s5 =	smul.u32 $0x140000, s2;
	_ =	strace $0x8000004A;
	s9 =	sshll.u32 s2, $0x4  }
0x9: {  	s10 =	ssub.s32 $0x2, s2;
	s19 =	smul.u32 $0x5000, s2;
	s2 =	simm.s32 $0xE00  }
0xa: {  	s9 =	sor.u32 s11, s9;
	s15 =	sshrl.u32 s10, $0x1;
	s5 =	sadd.s32 s6, s5  }
0xb: {  	s9 =	smul.u32 $0x500, s9;
	s6 =	sshrl.u32 s14, $0x2;
	s5 =	sshrl.u32 s5, $0x3  }
0xc: {  	s25 =	sadd.s32 s19, s7;
	s16 =	sadd.s32 s6, s1;
	s0 =	sadd.s32 s5, s0  }
0xd: {  	s5 =	ssub.s32 s10, s15;
	s17 =	sor.u32 $0x80, s9;
	s12 =	sadd.s32 s7, s9  }
0xe: {  	s9 =	sadd.s32 s8, s9;
	s21 =	sadd.s32 $0x4000, s16;
	[dreg:$0x3] =	wrdreg s16  }
0xf: {  	s23 =	sadd.s32 $0x8000, s16;
	s24 =	sadd.s32 $0xC000, s16;
	[dreg:$0x4] =	wrdreg s12  }
0x10: {  	s26 =	sadd.s32 $0x10000, s16;
	s16 =	sadd.s32 s22, s25;
	[dreg:$0x5] =	wrdreg s9  }
0x11: {  	s25 =	simm.s32 $0x5000;
	s15 =	simm.s32 $0x500;
	[dreg:$0xa] =	wrdreg s21  }
0x12: {  	s10 =	simm.s32 $0xF80;
	s18 =	sadd.s32 s7, s17;
	[dreg:$0xb] =	wrdreg s23  }
0x13: {  	s6 =	sadd.s32 s8, s17;
	s0 =	sadd.s32 $0x3EE00, s0;
	[dreg:$0xc] =	wrdreg s24  }
0x14: {  	s20 =	smax.u32 s5, $0x1;
	[dreg:$0xd] =	wrdreg s26;
	s21 =	simm.s32 $0x400  }
0x15: {  	s23 =	simm.s32 $0x80;
	s24 =	simm.s32 $0x4;
	[dreg:$0x6] =	wrdreg s18  }
0x16: {  	s26 =	simm.s32 $0x1;
	s5 =	simm.s32 $0xC80;
	[dreg:$0x7] =	wrdreg s6  }
.Ltmp0:
0x17: {  	s7 =	simm.s32 $0xE80;
	[dreg:$0x8] =	wrdreg s0;
	(pc) =	sbr.rel .LBB2_1-.Ltmp0, $4  }
0x18: {  	s9 =	simm.s32 $0xF00;
	s12 =	simm.s32 $0x0;
	[dreg:$0x9] =	wrdreg s20  }
0x19: {  	s0 =	sadd.s32 s19, s8;
	s18 =	simm.s32 $0x1000;
	s19 =	simm.s32 $0x5  }
0x1a: {  	s20 =	simm.s32 $0x600;
	s6 =	simm.s32 $0x700;
	s8 =	simm.s32 $0x780  }
0x1b: {  	v0 =	vimm.f32 $0.0e+00;
	s17 =	sadd.s32 s22, s0;
	s22 =	simm.s32 $0xC00;
	s0 =	simm.s32 $0x680  }
.LBB2_6:
0x1c: {  	s11 =	stileid.u32;
	[bflag:$0x0] =	sbarrier.arrive $0xFFFF  }
0x1d: {  	s11 =	sshll.u32 s11, $0x6;
	s12 =	rddreg [dreg:$0x3]  }
0x1e: {  	s13 =	rddreg [dreg:$0x8];
	s11 =	sor.u32 $0x1C05, s11;
	s12 =	sshrl.u32 s12, $0x3  }
0x1f: {  	[hbm:s13], [sflag:s11] =	dma.local [spmem:s12], $0x2800  }
0x20: {  	_ =	swait.ge [sflag:s19], $0x2800  }
0x21: {  	s13 =	rddreg [dreg:$0xe]  }
0x22: {  	s14 =	rddreg [dreg:$0x9];
	s12 =	sadd.s32 $0x1, s13  }
0x23: {  	p0 =	sne.s32 s12, s14  }
.Ltmp1:
0x24: {  	_ = 	snop;
	(pc) =	sbr.rel @!p0 .LBB2_7-.Ltmp1, $3  }
0x25: {  	_ =	sdelay $0x1  }
0x26: {  	[sflag:s19] =	ssyncset.done $0x0  }
0x27: {  	[sflag:s19] =	ssyncadd.s32 $0xFFFFD800  }
.LBB2_1:
0x28: {  	s11 =	sand.u32 $0xFE00, s3  }
0x29: {  	[dreg:$0xe] =	wrdreg s12;
	s14 =	sand.u32 $0x70, s3;
	s13 =	sshrl.u32 s11, $0x2  }
0x2a: {  	s12 =	simm.s32 $0x0;
	s11 =	simm.s32 $0x40;
	s13 =	sor.u32 s14, s13  }
.LBB2_2:
0x2b: {  	p0 =	sne.s32 s11, $0xFFC0  }
0x2c: {  	[tilespmem:s13+$0x1000] =	vst v0;
	s12 =	sadd.s32 $0x10, s12;
	s13 =	smov.u32 s11;
	s11 =	sadd.s32 $0x40, s11  }
.Ltmp2:
0x2d: {  	(pc) =	sbr.rel @p0 .LBB2_2-.Ltmp2, $4  }
0x2e: {  	_ = 	snop  }
0x2f: {  	s13 =	sand.u32 $0xFE00, s13  }
0x30: {  	s14 =	sand.u32 $0x70, s12;
	s13 =	sshrl.u32 s13, $0x2  }
0x31: {  	s13 =	sor.u32 s14, s13  }
0x32: {  	[tilespmem:s13+$0x1000] =	vst v0;
	s11 =	rddreg [dreg:$0x3]  }
0x33: {  	[spmem:s11] =	stream.linear.scatter [tilespmem:s18], [sflag:$0x5], $0x4000, $0x38;
	[tilespmem:$0x1D000] =	vst v63  }
0x34: {  	_ =	swait.ge [sflag:s19], $0x4000  }
0x35: {  	[sflag:s19] =	ssyncset.done $0x0  }
0x36: {  	s12 =	rddreg [dreg:$0xa];
	[sflag:s19] =	ssyncadd.s32 $0xFFFFC000  }
0x37: {  	[spmem:s12] =	stream.linear.scatter [tilespmem:s18], [sflag:$0x5], $0x4000, $0x38;
	[tilespmem:$0x1D000] =	vst v63  }
0x38: {  	_ =	swait.ge [sflag:s19], $0x4000  }
0x39: {  	[sflag:s19] =	ssyncset.done $0x0  }
0x3a: {  	s13 =	rddreg [dreg:$0xb];
	[sflag:s19] =	ssyncadd.s32 $0xFFFFC000  }
0x3b: {  	[spmem:s13] =	stream.linear.scatter [tilespmem:s18], [sflag:$0x5], $0x4000, $0x38;
	[tilespmem:$0x1D000] =	vst v63  }
0x3c: {  	_ =	swait.ge [sflag:s19], $0x4000  }
0x3d: {  	[sflag:s19] =	ssyncset.done $0x0  }
0x3e: {  	s14 =	rddreg [dreg:$0xc];
	[sflag:s19] =	ssyncadd.s32 $0xFFFFC000  }
0x3f: {  	[spmem:s14] =	stream.linear.scatter [tilespmem:s18], [sflag:$0x5], $0x4000, $0x38;
	[tilespmem:$0x1D000] =	vst v63  }
0x40: {  	_ =	swait.ge [sflag:s19], $0x4000  }
0x41: {  	[sflag:s19] =	ssyncset.done $0x0  }
0x42: {  	s12 =	rddreg [dreg:$0xd];
	[sflag:s19] =	ssyncadd.s32 $0xFFFFC000  }
0x43: {  	[spmem:s12] =	stream.linear.scatter [tilespmem:s18], [sflag:$0x5], $0x4000, $0x38;
	[tilespmem:$0x1D000] =	vst v63  }
0x44: {  	_ =	swait.ge [sflag:s19], $0x4000  }
0x45: {  	[sflag:s19] =	ssyncset.done $0x0  }
0x46: {  	[sflag:s19] =	ssyncadd.s32 $0xFFFFC000  }
0x47: {  	[bflag:$0x0] =	sbarrier.arrive $0xFFFF  }
0x48: {  	s11 =	simm.s32 $0x0;
	s12 =	rddreg [dreg:$0x4]  }
0x49: {  	[tilespmem:s11], [sflag:$0x5] =	stream.linear.gather [hbm4b:s12+s11], $0x400, $0x38;
	[tilespmem:$0x1D000] =	vst v63  }
0x4a: {  	_ =	swait.ge [sflag:s19], $0x400  }
0x4b: {  	[sflag:s19] =	ssyncset.done $0x0  }
0x4c: {  	s14 =	simm.s32 $0x800;
	s13 =	rddreg [dreg:$0x5];
	[sflag:s19] =	ssyncadd.s32 $0xFFFFFC00  }
0x4d: {  	[tilespmem:s14], [sflag:$0x5] =	stream.linear.gather [hbm4b:s13+s11], $0x400, $0x38;
	[tilespmem:$0x1D000] =	vst v63  }
0x4e: {  	_ =	swait.ge [sflag:s19], $0x400  }
0x4f: {  	[sflag:s19] =	ssyncset.done $0x0  }
0x50: {  	s13 =	rddreg [dreg:$0x6];
	[sflag:s19] =	ssyncadd.s32 $0xFFFFFC00  }
0x51: {  	[tilespmem:s21], [sflag:$0x4] =	stream.linear.gather [hbm4b:s13+s11], $0x400, $0x38;
	[tilespmem:$0x1D000] =	vst v63  }
0x52: {  	s14 =	rddreg [dreg:$0x7]  }
0x53: {  	[tilespmem:s22], [sflag:$0x4] =	stream.linear.gather [hbm4b:s14+s11], $0x400, $0x38;
	[tilespmem:$0x1D000] =	vst v63  }
0x54: {  	_ = 	snop  }
0x55: {  	[tilespmem:s18], [sflag:$0x1] =	stream.indirect.gather [hbm4b:s4+s23], $0x80, s11, s23, $0xb8;
	[tilespmem:$0x1D000] =	vst v63  }
.LBB2_4:
0x56: {  	p0 =	seq.s32 s11, $0x0  }
0x57: {  	s12 =	simm.s32 @!p0 $0x3  }
0x58: {  	_ =	swait.ge @!p0 [sflag:s12], $0x400  }
0x59: {  	[sflag:s12] =	ssyncset.done @!p0 $0x0  }
0x5a: {  	[sflag:s12] =	ssyncadd.s32 @!p0 $0xFFFFFC00  }
0x5b: {  	_ =	swait.ge @!p0 [sflag:s12], $0x400  }
0x5c: {  	s13 =	simm.s32 @!p0 $0x0;
	[sflag:s12] =	ssyncset.done @!p0 $0x0  }
0x5d: {  	s14 =	simm.s32 @!p0 $0x1000;
	[sflag:s12] =	ssyncadd.s32 @!p0 $0xFFFFFC00;
	s12 =	simm.s32 @!p0 $0x80  }
0x5e: {  	[tilespmem:s14], [sflag:$0x1] =	stream.indirect.gather @!p0 [hbm4b:s4+s12], $0x80, s13, s12, $0xb8;
	[tilespmem:$0x1D000] =	vst v63  }
0x5f: {  	_ =	swait.ge [sflag:s24], $0x400  }
0x60: {  	[sflag:s24] =	ssyncset.done $0x0  }
0x61: {  	[sflag:s24] =	ssyncadd.s32 $0xFFFFFC00  }
0x62: {  	_ =	swait.ge [sflag:s24], $0x400  }
0x63: {  	[sflag:s24] =	ssyncset.done $0x0  }
0x64: {  	[sflag:s24] =	ssyncadd.s32 $0xFFFFFC00  }
0x65: {  	[tilespmem:s25], [sflag:$0x2] =	stream.indirect.gather [hbm4b:s4+s23], $0x80, s23, s23, $0xb8;
	[tilespmem:$0x1D000] =	vst v63  }
0x66: {  	_ =	swait.ge [sflag:s26], $0x4000  }
0x67: {  	[sflag:s26] =	ssyncset.done $0x0  }
0x68: {  	s14 =	simm.s32 $0x800;
	[sflag:s26] =	ssyncadd.s32 $0xFFFFC000  }
0x69: {  	[spmem:s1] =	stream.indirect.scatter.add.f32 [tilespmem:s18], [sflag:$0x5], $0x80, s14, s23, $0xb8;
	[tilespmem:$0x1D000] =	vst v63  }
0x6a: {  	_ =	swait.ge [sflag:s19], $0x4000  }
0x6b: {  	[sflag:s19] =	ssyncset.done $0x0  }
0x6c: {  	s13 =	simm.s32 $0x100;
	[sflag:s19] =	ssyncadd.s32 $0xFFFFC000  }
0x6d: {  	[tilespmem:s18], [sflag:$0x1] =	stream.indirect.gather [hbm4b:s4+s23], $0x80, s13, s23, $0xb8;
	[tilespmem:$0x1D000] =	vst v63  }
0x6e: {  	_ =	swait.ge [sflag:s29], $0x4000  }
0x6f: {  	[sflag:s29] =	ssyncset.done $0x0  }
0x70: {  	s14 =	simm.s32 $0x880;
	[sflag:s29] =	ssyncadd.s32 $0xFFFFC000  }
0x71: {  	[spmem:s1] =	stream.indirect.scatter.add.f32 [tilespmem:s25], [sflag:$0x5], $0x80, s14, s23, $0xb8;
	[tilespmem:$0x1D000] =	vst v63  }
0x72: {  	_ =	swait.ge [sflag:s19], $0x4000  }
0x73: {  	[sflag:s19] =	ssyncset.done $0x0  }
0x74: {  	s13 =	simm.s32 $0x180;
	[sflag:s19] =	ssyncadd.s32 $0xFFFFC000  }
0x75: {  	[tilespmem:s25], [sflag:$0x2] =	stream.indirect.gather [hbm4b:s4+s23], $0x80, s13, s23, $0xb8;
	[tilespmem:$0x1D000] =	vst v63  }
0x76: {  	_ =	swait.ge [sflag:s26], $0x4000  }
0x77: {  	[sflag:s26] =	ssyncset.done $0x0  }
0x78: {  	s14 =	simm.s32 $0x900;
	[sflag:s26] =	ssyncadd.s32 $0xFFFFC000  }
0x79: {  	[spmem:s1] =	stream.indirect.scatter.add.f32 [tilespmem:s18], [sflag:$0x5], $0x80, s14, s23, $0xb8;
	[tilespmem:$0x1D000] =	vst v63  }
0x7a: {  	_ =	swait.ge [sflag:s19], $0x4000  }
0x7b: {  	[sflag:s19] =	ssyncset.done $0x0  }
0x7c: {  	s13 =	simm.s32 $0x200;
	[sflag:s19] =	ssyncadd.s32 $0xFFFFC000  }
0x7d: {  	[tilespmem:s18], [sflag:$0x1] =	stream.indirect.gather [hbm4b:s4+s23], $0x80, s13, s23, $0xb8;
	[tilespmem:$0x1D000] =	vst v63  }
0x7e: {  	_ =	swait.ge [sflag:s29], $0x4000  }
0x7f: {  	[sflag:s29] =	ssyncset.done $0x0  }
0x80: {  	s14 =	simm.s32 $0x980;
	[sflag:s29] =	ssyncadd.s32 $0xFFFFC000  }
0x81: {  	[spmem:s1] =	stream.indirect.scatter.add.f32 [tilespmem:s25], [sflag:$0x5], $0x80, s14, s23, $0xb8;
	[tilespmem:$0x1D000] =	vst v63  }
0x82: {  	_ =	swait.ge [sflag:s19], $0x4000  }
0x83: {  	[sflag:s19] =	ssyncset.done $0x0  }
0x84: {  	s13 =	simm.s32 $0x280;
	[sflag:s19] =	ssyncadd.s32 $0xFFFFC000  }
0x85: {  	[tilespmem:s25], [sflag:$0x2] =	stream.indirect.gather [hbm4b:s4+s23], $0x80, s13, s23, $0xb8;
	[tilespmem:$0x1D000] =	vst v63  }
0x86: {  	_ =	swait.ge [sflag:s26], $0x4000  }
0x87: {  	[sflag:s26] =	ssyncset.done $0x0  }
0x88: {  	s14 =	simm.s32 $0xA00;
	[sflag:s26] =	ssyncadd.s32 $0xFFFFC000  }
0x89: {  	[spmem:s1] =	stream.indirect.scatter.add.f32 [tilespmem:s18], [sflag:$0x5], $0x80, s14, s23, $0xb8;
	[tilespmem:$0x1D000] =	vst v63  }
0x8a: {  	_ =	swait.ge [sflag:s19], $0x4000  }
0x8b: {  	[sflag:s19] =	ssyncset.done $0x0  }
0x8c: {  	s13 =	simm.s32 $0x300;
	[sflag:s19] =	ssyncadd.s32 $0xFFFFC000  }
0x8d: {  	[tilespmem:s18], [sflag:$0x1] =	stream.indirect.gather [hbm4b:s4+s23], $0x80, s13, s23, $0xb8;
	[tilespmem:$0x1D000] =	vst v63  }
0x8e: {  	_ =	swait.ge [sflag:s29], $0x4000  }
0x8f: {  	[sflag:s29] =	ssyncset.done $0x0  }
0x90: {  	s14 =	simm.s32 $0xA80;
	[sflag:s29] =	ssyncadd.s32 $0xFFFFC000  }
0x91: {  	[spmem:s1] =	stream.indirect.scatter.add.f32 [tilespmem:s25], [sflag:$0x5], $0x80, s14, s23, $0xb8;
	[tilespmem:$0x1D000] =	vst v63  }
0x92: {  	_ =	swait.ge [sflag:s19], $0x4000  }
0x93: {  	[sflag:s19] =	ssyncset.done $0x0  }
0x94: {  	s13 =	simm.s32 $0x380;
	[sflag:s19] =	ssyncadd.s32 $0xFFFFC000  }
0x95: {  	[tilespmem:s25], [sflag:$0x2] =	stream.indirect.gather [hbm4b:s4+s23], $0x80, s13, s23, $0xb8;
	[tilespmem:$0x1D000] =	vst v63  }
0x96: {  	_ =	swait.ge [sflag:s26], $0x4000  }
0x97: {  	[sflag:s26] =	ssyncset.done $0x0  }
0x98: {  	s14 =	simm.s32 $0xB00;
	[sflag:s26] =	ssyncadd.s32 $0xFFFFC000  }
0x99: {  	[spmem:s1] =	stream.indirect.scatter.add.f32 [tilespmem:s18], [sflag:$0x5], $0x80, s14, s23, $0xb8;
	[tilespmem:$0x1D000] =	vst v63  }
0x9a: {  	_ =	swait.ge [sflag:s19], $0x4000  }
0x9b: {  	[sflag:s19] =	ssyncset.done $0x0  }
0x9c: {  	[sflag:s19] =	ssyncadd.s32 $0xFFFFC000  }
0x9d: {  	[tilespmem:s18], [sflag:$0x1] =	stream.indirect.gather [hbm4b:s4+s23], $0x80, s21, s23, $0xb8;
	[tilespmem:$0x1D000] =	vst v63  }
0x9e: {  	_ =	swait.ge [sflag:s29], $0x4000  }
0x9f: {  	[sflag:s29] =	ssyncset.done $0x0  }
0xa0: {  	s13 =	simm.s32 $0xB80;
	[sflag:s29] =	ssyncadd.s32 $0xFFFFC000  }
0xa1: {  	[spmem:s1] =	stream.indirect.scatter.add.f32 [tilespmem:s25], [sflag:$0x5], $0x80, s13, s23, $0xb8;
	[tilespmem:$0x1D000] =	vst v63  }
0xa2: {  	p0 =	seq.s32 s11, $0x400;
	_ =	swait.ge [sflag:s19], $0x4000  }
0xa3: {  	s12 =	sadd.s32 @!p0 s11, s16;
	[sflag:s19] =	ssyncset.done $0x0  }
0xa4: {  	s12 =	sadd.s32 @!p0 $0x100, s12;
	s13 =	simm.s32 @!p0 $0x0;
	[sflag:s19] =	ssyncadd.s32 $0xFFFFC000  }
0xa5: {  	[tilespmem:s13], [sflag:$0x3] =	stream.linear.gather @!p0 [hbm4b:s12+s13], $0x400, $0x38;
	[tilespmem:$0x1D000] =	vst v63  }
0xa6: {  	s12 =	sadd.s32 @!p0 s11, s17  }
0xa7: {  	s14 =	simm.s32 @!p0 $0x800;
	s12 =	sadd.s32 @!p0 $0x100, s12  }
0xa8: {  	[tilespmem:s14], [sflag:$0x3] =	stream.linear.gather @!p0 [hbm4b:s12+s13], $0x400, $0x38;
	[tilespmem:$0x1D000] =	vst v63  }
0xa9: {  	s14 =	simm.s32 $0x480  }
0xaa: {  	[tilespmem:s25], [sflag:$0x2] =	stream.indirect.gather [hbm4b:s4+s23], $0x80, s14, s23, $0xb8;
	[tilespmem:$0x1D000] =	vst v63  }
0xab: {  	_ =	swait.ge [sflag:s26], $0x4000  }
0xac: {  	[sflag:s26] =	ssyncset.done $0x0  }
0xad: {  	[sflag:s26] =	ssyncadd.s32 $0xFFFFC000  }
0xae: {  	[spmem:s1] =	stream.indirect.scatter.add.f32 [tilespmem:s18], [sflag:$0x5], $0x80, s22, s23, $0xb8;
	[tilespmem:$0x1D000] =	vst v63  }
0xaf: {  	_ =	swait.ge [sflag:s19], $0x4000  }
0xb0: {  	[sflag:s19] =	ssyncset.done $0x0  }
0xb1: {  	[sflag:s19] =	ssyncadd.s32 $0xFFFFC000  }
0xb2: {  	[tilespmem:s18], [sflag:$0x1] =	stream.indirect.gather [hbm4b:s4+s23], $0x80, s15, s23, $0xb8;
	[tilespmem:$0x1D000] =	vst v63  }
0xb3: {  	_ =	swait.ge [sflag:s29], $0x4000  }
0xb4: {  	[sflag:s29] =	ssyncset.done $0x0  }
0xb5: {  	[sflag:s29] =	ssyncadd.s32 $0xFFFFC000  }
0xb6: {  	[spmem:s1] =	stream.indirect.scatter.add.f32 [tilespmem:s25], [sflag:$0x5], $0x80, s5, s23, $0xb8;
	[tilespmem:$0x1D000] =	vst v63  }
0xb7: {  	_ =	swait.ge [sflag:s19], $0x4000  }
0xb8: {  	[sflag:s19] =	ssyncset.done $0x0  }
0xb9: {  	[sflag:s19] =	ssyncadd.s32 $0xFFFFC000  }
0xba: {  	[tilespmem:s25], [sflag:$0x2] =	stream.indirect.gather [hbm4b:s4+s23], $0x80, s28, s23, $0xb8;
	[tilespmem:$0x1D000] =	vst v63  }
0xbb: {  	_ =	swait.ge [sflag:s26], $0x4000  }
0xbc: {  	[sflag:s26] =	ssyncset.done $0x0  }
0xbd: {  	[sflag:s26] =	ssyncadd.s32 $0xFFFFC000  }
0xbe: {  	[spmem:s1] =	stream.indirect.scatter.add.f32 [tilespmem:s18], [sflag:$0x5], $0x80, s30, s23, $0xb8;
	[tilespmem:$0x1D000] =	vst v63  }
0xbf: {  	_ =	swait.ge [sflag:s19], $0x4000  }
0xc0: {  	[sflag:s19] =	ssyncset.done $0x0  }
0xc1: {  	[sflag:s19] =	ssyncadd.s32 $0xFFFFC000  }
0xc2: {  	[tilespmem:s18], [sflag:$0x1] =	stream.indirect.gather [hbm4b:s4+s23], $0x80, s20, s23, $0xb8;
	[tilespmem:$0x1D000] =	vst v63  }
0xc3: {  	_ =	swait.ge [sflag:s29], $0x4000  }
0xc4: {  	[sflag:s29] =	ssyncset.done $0x0  }
0xc5: {  	[sflag:s29] =	ssyncadd.s32 $0xFFFFC000  }
0xc6: {  	[spmem:s1] =	stream.indirect.scatter.add.f32 [tilespmem:s25], [sflag:$0x5], $0x80, s31, s23, $0xb8;
	[tilespmem:$0x1D000] =	vst v63  }
0xc7: {  	_ =	swait.ge [sflag:s19], $0x4000  }
0xc8: {  	[sflag:s19] =	ssyncset.done $0x0  }
0xc9: {  	[sflag:s19] =	ssyncadd.s32 $0xFFFFC000  }
0xca: {  	[tilespmem:s25], [sflag:$0x2] =	stream.indirect.gather [hbm4b:s4+s23], $0x80, s0, s23, $0xb8;
	[tilespmem:$0x1D000] =	vst v63  }
0xcb: {  	_ =	swait.ge [sflag:s26], $0x4000  }
0xcc: {  	[sflag:s26] =	ssyncset.done $0x0  }
0xcd: {  	[sflag:s26] =	ssyncadd.s32 $0xFFFFC000  }
0xce: {  	[spmem:s1] =	stream.indirect.scatter.add.f32 [tilespmem:s18], [sflag:$0x5], $0x80, s2, s23, $0xb8;
	[tilespmem:$0x1D000] =	vst v63  }
0xcf: {  	_ =	swait.ge [sflag:s19], $0x4000  }
0xd0: {  	[sflag:s19] =	ssyncset.done $0x0  }
0xd1: {  	[sflag:s19] =	ssyncadd.s32 $0xFFFFC000  }
0xd2: {  	[tilespmem:s18], [sflag:$0x1] =	stream.indirect.gather [hbm4b:s4+s23], $0x80, s6, s23, $0xb8;
	[tilespmem:$0x1D000] =	vst v63  }
0xd3: {  	_ =	swait.ge [sflag:s29], $0x4000  }
0xd4: {  	[sflag:s29] =	ssyncset.done $0x0  }
0xd5: {  	[sflag:s29] =	ssyncadd.s32 $0xFFFFC000  }
0xd6: {  	[spmem:s1] =	stream.indirect.scatter.add.f32 [tilespmem:s25], [sflag:$0x5], $0x80, s7, s23, $0xb8;
	[tilespmem:$0x1D000] =	vst v63  }
0xd7: {  	_ =	swait.ge [sflag:s19], $0x4000  }
0xd8: {  	[sflag:s19] =	ssyncset.done $0x0  }
0xd9: {  	[sflag:s19] =	ssyncadd.s32 $0xFFFFC000  }
0xda: {  	[tilespmem:s25], [sflag:$0x2] =	stream.indirect.gather [hbm4b:s4+s23], $0x80, s8, s23, $0xb8;
	[tilespmem:$0x1D000] =	vst v63  }
0xdb: {  	_ =	swait.ge [sflag:s26], $0x4000  }
0xdc: {  	[sflag:s26] =	ssyncset.done $0x0  }
0xdd: {  	[sflag:s26] =	ssyncadd.s32 $0xFFFFC000  }
0xde: {  	[spmem:s1] =	stream.indirect.scatter.add.f32 [tilespmem:s18], [sflag:$0x5], $0x80, s9, s23, $0xb8;
	[tilespmem:$0x1D000] =	vst v63  }
0xdf: {  	_ =	swait.ge [sflag:s19], $0x4000  }
0xe0: {  	[sflag:s19] =	ssyncset.done $0x0  }
0xe1: {  	[sflag:s19] =	ssyncadd.s32 $0xFFFFC000  }
0xe2: {  	_ =	swait.ge [sflag:s29], $0x4000  }
0xe3: {  	[sflag:s29] =	ssyncset.done $0x0  }
.Ltmp3:
0xe4: {  	[sflag:s29] =	ssyncadd.s32 $0xFFFFC000;
	(pc) =	sbr.rel @p0 .LBB2_6-.Ltmp3, $4  }
0xe5: {  	[spmem:s1] =	stream.indirect.scatter.add.f32 [tilespmem:s25], [sflag:$0x5], $0x80, s10, s23, $0xb8;
	[tilespmem:$0x1D000] =	vst v63  }
0xe6: {  	_ =	swait.ge [sflag:s19], $0x4000  }
0xe7: {  	[sflag:s19] =	ssyncset.done $0x0  }
0xe8: {  	[sflag:s19] =	ssyncadd.s32 $0xFFFFC000  }
.Ltmp4:
0xe9: {  	s12 =	sadd.s32 s11, s16;
	(pc) =	sbr.rel .LBB2_4-.Ltmp4, $4  }
0xea: {  	s14 =	sadd.s32 s11, s17;
	s12 =	sadd.s32 $0x180, s12  }
0xeb: {  	[tilespmem:s21], [sflag:$0x4] =	stream.linear.gather [hbm4b:s12+s3], $0x400, $0x38;
	[tilespmem:$0x1D000] =	vst v63  }
0xec: {  	s11 =	sadd.s32 $0x100, s11;
	s12 =	sadd.s32 $0x180, s14  }
0xed: {  	[tilespmem:s22], [sflag:$0x4] =	stream.linear.gather [hbm4b:s12+s3], $0x400, $0x38;
	[tilespmem:$0x1D000] =	vst v63  }
.LBB2_7:
0xee: {  	_ =	sfence.sel $0x180000  }
0xef: {  	[bflag:$0x0] =	sbarrier.arrive $0xFFFF  }
0xf0: {  	_ =	strace $0x9000004A  }
0xf1: {  	s0 =	stileid.u32;
	[bflag:$0x2] =	sbarrier.arrive $0xFFFF  }
0xf2: {  	p0 =	sne.s32 s0, $0x0;
	s0 =	rddreg [dreg:$0x2]  }
0xf3: {  	s0 =	sadd.s32 @!p0 $0x100000, s0  }
0xf4: {  	[sflag:s0] =	ssyncadd.tile.s32 @!p0 $0x1;
	_ =	shalt  }
.Lfunc_end2:
_tile_overlayer_lowered:
.L_overlay_start_2:
0xf5: {  	(tag) =	ssettag $0x2  }
0xf6: {  	s0 =	rddreg [dreg:$0x0];
	s2 =	stileid.u32  }
0xf7: {  	s1 =	rddreg [dreg:$0x1];
	p0 =	sne.s32 s2, $0x0  }
0xf8: {  	s3 =	rddreg [dreg:$0x2];
	[bflag:$0x3] =	sbarrier.arrive $0xFFFF;
	s2 =	simm.s32 @!p0 $0x1C05  }
0xf9: {  	[timem:s3], [sflag:s2] =	dma.local @!p0 [hbm:s0], s1  }
0xfa: {  	s0 =	simm.s32 @!p0 $0x5  }
0xfb: {  	_ =	swait.ge @!p0 [sflag:s0], s1  }
0xfc: {  	s1 =	ssub.s32 @!p0 $0x0, s1;
	[sflag:s0] =	ssyncset.done @!p0 $0x0  }
0xfd: {  	[sflag:s0] =	ssyncadd.s32 @!p0 s1  }
0xfe: {  	[bflag:$0x3] =	sbarrier.arrive $0xFFFF  }
0xff: {  	_ =	shalt  }

// kernel: kernel.14.cloned.1.call-start
scs
__scs_entry_jumppad:
0x0: {  	(pc) =	sbr.rel $0x88, $3  }
0x1: {  	(tag) =	ssettag $0x0;
	lr =	simm.s32 $0x1  }
0x2: {  	[smem:$0x3F92] =	sst lr;
	_ =	strace $0xD0000000  }
0x3: {  	_ = 	snop  }
0x4: {  	_ = 	snop  }
0x5: {  	_ = 	snop  }
0x6: {  	_ = 	snop  }
0x7: {  	_ = 	snop  }
__scs_overlays_trampoline_lowered:
0x8: {  	[smem:$0x3FA1] =	sst s0  }
0x9: {  	[smem:$0x3FA2] =	sst s1  }
0xa: {  	[smem:$0x3FA3] =	sst s2  }
0xb: {  	[smem:$0x3FA4] =	sst s3  }
0xc: {  	[smem:$0x3FA5] =	sst s4  }
0xd: {  	[smem:$0x3FA6] =	sst s5  }
0xe: {  	[smem:$0x3FA7] =	sst s6  }
0xf: {  	[smem:$0x3FA8] =	sst s7  }
0x10: {  	[smem:$0x3FA9] =	sst s8  }
0x11: {  	[smem:$0x3FAA] =	sst s9;
	s0 =	simm.s32 @!p0 $0x0  }
0x12: {  	s1 =	sld [smem:$0x3F90];
	s0 =	simm.s32 @p0 $0x1  }
0x13: {  	[smem:$0x3FAB] =	sst s0;
	s0 =	simm.s32 @!p1 $0x0  }
0x14: {  	s2 =	sld [smem:$0x3F8F];
	s0 =	simm.s32 @p1 $0x1  }
0x15: {  	[smem:$0x3FAC] =	sst s0;
	s0 =	simm.s32 @!p2 $0x0  }
0x16: {  	s3 =	sld [smem:$0x3FDB];
	s0 =	simm.s32 @p2 $0x1  }
0x17: {  	s4 =	simm.s32 $0x1BF5;
	[smem:$0x3FAE] =	sst s0  }
0x18: {  	s0 =	sld [smem:$0x3F91];
	_ =	swait.ge [sflag:s4], $0x0  }
0x19: {  	s7 =	sld [smem:$0x3F92]  }
0x1a: {  	s8 =	sadd.s32 $0xFFFFE003, lr  }
0x1b: {  	s9 =	sadd.s32 $0xFFFFFEF7, lr;
	s5 =	simm.s32 $0xFFFFFFFF;
	p2 =	slt.u32 s8, $0xFFFFF086  }
0x1c: {  	p1 =	slt.u32 s9, $0xF7A;
	s5 =	simm.s32 @!p2 $0x0  }
0x1d: {  	s5 =	simm.s32 @p1 $0x1;
	p0 =	seq.s32 s7, s2  }
0x1e: {  	s7 =	smul.u32 @!p0 $0xF7A, s2;
	p2 =	seq.s32 @!p0 s5, $0x0  }
0x1f: {  	s9 =	smul.u32 $0xF7A, s1;
	s8 =	simm.s32 @!p0 $0x1BF5;
	p2 =	por !p2, p0  }
0x20: {  	[sflag:s8] =	ssyncset.s32 @!p0 $0xFFFFF086;
	s6 =	sadd.s32 @!p0 s3, s7;
	s7 =	simm.s32 @!p0 $0x108  }
0x21: {  	s3 =	sadd.s32 s3, s9;
	s6 =	sadd.s32 @!p0 $0x88, s6;
	s7 =	simm.s32 @p2 $0x1082  }
0x22: {  	[simem:s7], [sflag:s8] =	dma.local @!p0 [hbm:s6], $0xF7A  }
0x23: {  	s9 =	sor.u32 $0xD0000000, s2;
	s6 =	simm.s32 $0x108;
	_ =	swait.ge @!p0 [sflag:s8], $0x0  }
0x24: {  	s3 =	sadd.s32 $0x88, s3;
	s6 =	simm.s32 @!p1 $0x1082;
	[sflag:s4] =	ssyncset.s32 $0xFFFFF086  }
0x25: {  	[simem:s6], [sflag:s4] =	dma.local [hbm:s3], $0xF7A  }
0x26: {  	[smem:$0x3F92] =	sst s1;
	(tag) =	ssettag s2;
	_ =	strace s9  }
0x27: {  	s1 =	sld [smem:$0x3FA2]  }
0x28: {  	s2 =	sld [smem:$0x3FA3]  }
0x29: {  	s4 =	sld [smem:$0x3FA5]  }
0x2a: {  	p0 =	seq.s32 s5, $0x0;
	s5 =	sld [smem:$0x3FA6]  }
0x2b: {  	s6 =	sld [smem:$0x3FA7]  }
0x2c: {  	s7 =	sld [smem:$0x3FA8]  }
0x2d: {  	s3 =	simm.s32 $0x108;
	s8 =	sld [smem:$0x3FA9]  }
0x2e: {  	s3 =	simm.s32 @!p0 $0x1082;
	s9 =	sld [smem:$0x3FAA]  }
0x2f: {  	lr =	sadd.s32 s0, s3;
	s0 =	sld [smem:$0x3FA1]  }
0x30: {  	s3 =	sld [smem:$0x3FA4]  }
0x31: {  	[smem:$0x3FAD] =	sst s10  }
0x32: {  	s10 =	sld [smem:$0x3FAB];
	_ =	sdelay $0x3  }
0x33: {  	p0 =	seq.s32 s10, $0x1;
	s10 =	sld [smem:$0x3FAD];
	_ =	sdelay $0x3  }
0x34: {  	[smem:$0x3FAD] =	sst s10  }
0x35: {  	s10 =	sld [smem:$0x3FAC];
	_ =	sdelay $0x3  }
0x36: {  	p1 =	seq.s32 s10, $0x1;
	s10 =	sld [smem:$0x3FAD];
	_ =	sdelay $0x3  }
0x37: {  	[smem:$0x3FAD] =	sst s10  }
0x38: {  	s10 =	sld [smem:$0x3FAE]  }
0x39: {  	_ = 	snop;
	(pc) =	sbr.ind lr, $3  }
0x3a: {  	_ = 	snop  }
0x3b: {  	_ = 	snop  }
0x3c: {  	p2 =	seq.s32 s10, $0x1;
	s10 =	sld [smem:$0x3FAD]  }
0x3d: {  	_ =	shalt  }
0x3e: {  	_ =	shalt  }
0x3f: {  	_ =	shalt  }
0x40: {  	_ =	shalt  }
0x41: {  	_ =	shalt  }
0x42: {  	_ =	shalt  }
0x43: {  	_ =	shalt  }
0x44: {  	_ =	shalt  }
0x45: {  	_ =	shalt  }
0x46: {  	_ =	shalt  }
0x47: {  	_ =	shalt  }
0x48: {  	_ =	shalt  }
0x49: {  	_ =	shalt  }
0x4a: {  	_ =	shalt  }
0x4b: {  	_ =	shalt  }
0x4c: {  	_ =	shalt  }
0x4d: {  	_ =	shalt  }
0x4e: {  	_ =	shalt  }
0x4f: {  	_ =	shalt  }
0x50: {  	_ =	shalt  }
0x51: {  	_ =	shalt  }
0x52: {  	_ =	shalt  }
0x53: {  	_ =	shalt  }
0x54: {  	_ =	shalt  }
0x55: {  	_ =	shalt  }
0x56: {  	_ =	shalt  }
0x57: {  	_ =	shalt  }
0x58: {  	_ =	shalt  }
0x59: {  	_ =	shalt  }
0x5a: {  	_ =	shalt  }
0x5b: {  	_ =	shalt  }
0x5c: {  	_ =	shalt  }
0x5d: {  	_ =	shalt  }
0x5e: {  	_ =	shalt  }
0x5f: {  	_ =	shalt  }
0x60: {  	_ =	shalt  }
0x61: {  	_ =	shalt  }
0x62: {  	_ =	shalt  }
0x63: {  	_ =	shalt  }
0x64: {  	_ =	shalt  }
0x65: {  	_ =	shalt  }
0x66: {  	_ =	shalt  }
0x67: {  	_ =	shalt  }
0x68: {  	_ =	shalt  }
0x69: {  	_ =	shalt  }
0x6a: {  	_ =	shalt  }
0x6b: {  	_ =	shalt  }
0x6c: {  	_ =	shalt  }
0x6d: {  	_ =	shalt  }
0x6e: {  	_ =	shalt  }
0x6f: {  	_ =	shalt  }
0x70: {  	_ =	shalt  }
0x71: {  	_ =	shalt  }
0x72: {  	_ =	shalt  }
0x73: {  	_ =	shalt  }
0x74: {  	_ =	shalt  }
0x75: {  	_ =	shalt  }
0x76: {  	_ =	shalt  }
0x77: {  	_ =	shalt  }
0x78: {  	_ =	shalt  }
0x79: {  	_ =	shalt  }
0x7a: {  	_ =	shalt  }
0x7b: {  	_ =	shalt  }
0x7c: {  	_ =	shalt  }
0x7d: {  	_ =	shalt  }
0x7e: {  	_ =	shalt  }
0x7f: {  	_ =	shalt  }
0x80: {  	_ =	shalt  }
0x81: {  	_ =	shalt  }
0x82: {  	_ =	shalt  }
0x83: {  	_ =	shalt  }
0x84: {  	_ =	shalt  }
0x85: {  	_ =	shalt  }
0x86: {  	_ =	shalt  }
0x87: {  	_ =	shalt  }
.Lfunc_end0:
.L_simem_size_0:
called_computation.2_lowered:
.L_overlay_start_0:
0x88: {  	s2 =	sld [smem:$0x3FD9]  }
0x89: {  	s3 =	sld [smem:$0x3FFE];
	_ =	sdelay $0x1  }
0x8a: {  	s1 =	srdreg.scid  }
0x8b: {  	s0 =	sand.u32 $0x1, s1  }
0x8c: {  	s16 =	sshll.u32 s0, $0xA;
	s2 =	sadd.s32 s3, s2  }
0x8d: {  	s2 =	sadd.s32 s2, s16  }
0x8e: {  	[smem:$0x3FB9] =	sst s2  }
0x8f: {  	_ = 	snop  }
0x90: {  	(tm) =	ssettm $0x1  }
0x91: {  	s17 =	sld [smem:$0x3FFB];
	_ =	sdelay $0x3  }
0x92: {  	_ =	strace s17  }
0x93: {  	s2 =	sld [smem:$0x3FFC];
	_ =	sdelay $0x3  }
0x94: {  	_ =	strace s2  }
0x95: {  	s2 =	sld [smem:$0x3FFD];
	_ =	sdelay $0x3  }
0x96: {  	_ =	strace s2  }
0x97: {  	_ =	strace $0x8FFFFFFF  }
0x98: {  	s18 =	sld [smem:$0x3FDB];
	_ =	sdelay $0x1  }
0x99: {  	s19 =	simm.s32 $_scs_section_size  }
0x9a: {  	s4 =	simm.s32 $_size__tile_overlayer_lowered;
	s5 =	simm.s32 $_tile_overlayer_lowered  }
0x9b: {  	s22 =	simm.s32 $0x1BFF;
	s21 =	sshll.u32 s5, $0x1;
	s2 =	sadd.s32 s19, s18  }
0x9c: {  	s6 =	simm.s32 $0x0;
	s20 =	sshll.u32 s4, $0x1;
	s4 =	sadd.s32 s21, s2  }
0x9d: {  	[timem:s6], [sflag:s22] =	dma.local [hbm:s4], s20  }
0x9e: {  	_ =	swait.ge [sflag:s22], s20  }
0x9f: {  	s3 =	ssub.s32 $0x0, s20;
	[sflag:s22] =	ssyncset.done $0x0  }
0xa0: {  	[sflag:s22] =	ssyncadd.s32 s3;
	_ =	sdelay $0x1  }
0xa1: {  	s23 =	simm.s32 $0x1B8B  }
0xa2: {  	_ =	swait.ge [sflag:s23], $0x1  }
0xa3: {  	[sflag:s23] =	ssyncset.done $0x0  }
0xa4: {  	s25 =	simm.s32 $0x1B8E;
	s24 =	sld [smem:$0x3FFE];
	[sflag:s23] =	ssyncadd.s32 $0xFFFFFFFF  }
0xa5: {  	s26 =	simm.s32 $execute0_lowered;
	[smem:$0x3FD2] =	sst s25  }
0xa6: {  	s4 =	sshll.u32 s26, $0x1;
	_ =	strace $0x8000004C;
	[dreg:$0x1] =	wrdreg $0xFFFFFFFF  }
0xa7: {  	s28 =	simm.s32 $_size_execute0_lowered;
	s2 =	sadd.s32 s2, s4;
	[dreg:$0x0] =	wrdreg $0x0  }
0xa8: {  	s4 =	sshll.u32 s28, $0x1;
	[dreg:$0x2] =	wrdreg s2  }
0xa9: {  	[dreg:$0x3] =	wrdreg s4  }
0xaa: {  	[dreg:$0x4] =	wrdreg $0xC0  }
0xab: {  	_ =	task [dreg:s6], $0x5FFFF  }
0xac: {  	[dreg:$0x1] =	wrdreg $0xFFFFFFFF  }
0xad: {  	[dreg:$0x0] =	wrdreg $0x60  }
0xae: {  	[dreg:$0x2] =	wrdreg s24  }
0xaf: {  	[dreg:$0x3] =	wrdreg $0x90000  }
0xb0: {  	[dreg:$0x4] =	wrdreg $0x9  }
0xb1: {  	_ =	task.clear_ibuf [dreg:s6], $0x5FFFF;
	_ =	strace $0x9000004C  }
0xb2: {  	s29 =	simm.s32 $0x9;
	_ =	strace $0x8000004E  }
0xb3: {  	_ =	swait.ge [sflag:s29], $0x1  }
0xb4: {  	[sflag:s29] =	ssyncadd.s32 $0xFFFFFFFF  }
0xb5: {  	_ =	strace $0x9000004E  }
0xb6: {  	_ =	sfence  }
0xb7: {  	s30 =	sld [smem:$0x0];
	_ =	sdelay $0x2  }
0xb8: {  	s31 =	sshll.u32 s1, $0xD;
	s1 =	sshrl.u32 s1, $0x2  }
0xb9: {  	s3 =	sand.u32 $0x4000, s31;
	s1 =	sadd.s32 s1, s30  }
0xba: {  	s0 =	sor.u32 s3, s0;
	s1 =	sshll.u32 s1, $0x11  }
0xbb: {  	s0 =	sor.u32 s1, s0  }
0xbc: {  	s0 =	sadd.s32 $0x8F2B, s0  }
0xbd: {  	[sflag:s0] =	ssyncadd.remote.s32 $0x1  }
0xbe: {  	_ =	sfence.sel $0xFFFF  }
0xbf: {  	[dreg:$0x0] =	wrdreg $0xFFFFFFFF;
	(pc) =	sbr.abs _section_cstart, $3  }
0xc0: {  	[dreg:$0x1] =	wrdreg $0xFFFFFFFF  }
0xc1: {  	_ =	task.clear_ibuf [dreg:s6], $0x2FFFF;
	_ =	strace $0x9FFFFFFF  }
0xc2: {  	(tm) =	ssettm $0x7FFFFFFF  }
0xc3: {  	_ =	shalt  }
tec
execute0_lowered:
.L_overlay_start_1:
0x0: {  	(tag) =	ssettag $0x1  }
0x1: {  	s0 =	rddreg [dreg:$0x0]  }
0x2: {  	s1 =	rddreg [dreg:$0x1]  }
0x3: {  	s3 =	simm.s32 $0x0;
	s2 =	srdreg.scid;
	s11 =	stileid.u32  }
0x4: {  	s29 =	simm.s32 $0x2;
	s28 =	simm.s32 $0x580;
	s30 =	simm.s32 $0xD00  }
0x5: {  	s31 =	simm.s32 $0xD80;
	[smem:$0x7FF] =	sst s3;
	s6 =	smul.u32 $0x14000, s11  }
0x6: {  	s2 =	sand.u32 $0x1, s2;
	s4 =	sadd.s32 $0x17C00, s0;
	s14 =	smul.u32 $0x50000, s11  }
0x7: {  	s7 =	sadd.s32 $0xDC00, s0;
	s8 =	sadd.s32 $0x3C00, s0;
	s22 =	smul.u32 $0x500, s11  }
0x8: {  	s5 =	smul.u32 $0x140000, s2;
	_ =	strace $0x8000004D;
	s9 =	sshll.u32 s2, $0x4  }
0x9: {  	s10 =	ssub.s32 $0x2, s2;
	s19 =	smul.u32 $0x5000, s2;
	s2 =	simm.s32 $0xE00  }
0xa: {  	s9 =	sor.u32 s11, s9;
	s15 =	sshrl.u32 s10, $0x1;
	s5 =	sadd.s32 s6, s5  }
0xb: {  	s9 =	smul.u32 $0x500, s9;
	s6 =	sshrl.u32 s14, $0x2;
	s5 =	sshrl.u32 s5, $0x3  }
0xc: {  	s25 =	sadd.s32 s19, s7;
	s16 =	sadd.s32 s6, s1;
	s0 =	sadd.s32 s5, s0  }
0xd: {  	s5 =	ssub.s32 s10, s15;
	s17 =	sor.u32 $0x80, s9;
	s12 =	sadd.s32 s7, s9  }
0xe: {  	s9 =	sadd.s32 s8, s9;
	s21 =	sadd.s32 $0x4000, s16;
	[dreg:$0x3] =	wrdreg s16  }
0xf: {  	s23 =	sadd.s32 $0x8000, s16;
	s24 =	sadd.s32 $0xC000, s16;
	[dreg:$0x4] =	wrdreg s12  }
0x10: {  	s26 =	sadd.s32 $0x10000, s16;
	s16 =	sadd.s32 s22, s25;
	[dreg:$0x5] =	wrdreg s9  }
0x11: {  	s25 =	simm.s32 $0x5000;
	s15 =	simm.s32 $0x500;
	[dreg:$0xa] =	wrdreg s21  }
0x12: {  	s10 =	simm.s32 $0xF80;
	s18 =	sadd.s32 s7, s17;
	[dreg:$0xb] =	wrdreg s23  }
0x13: {  	s6 =	sadd.s32 s8, s17;
	s0 =	sadd.s32 $0x3EE00, s0;
	[dreg:$0xc] =	wrdreg s24  }
0x14: {  	s20 =	smax.u32 s5, $0x1;
	[dreg:$0xd] =	wrdreg s26;
	s21 =	simm.s32 $0x400  }
0x15: {  	s23 =	simm.s32 $0x80;
	s24 =	simm.s32 $0x4;
	[dreg:$0x6] =	wrdreg s18  }
0x16: {  	s26 =	simm.s32 $0x1;
	s5 =	simm.s32 $0xC80;
	[dreg:$0x7] =	wrdreg s6  }
.Ltmp0:
0x17: {  	s7 =	simm.s32 $0xE80;
	[dreg:$0x8] =	wrdreg s0;
	(pc) =	sbr.rel .LBB2_1-.Ltmp0, $4  }
0x18: {  	s9 =	simm.s32 $0xF00;
	s12 =	simm.s32 $0x0;
	[dreg:$0x9] =	wrdreg s20  }
0x19: {  	s0 =	sadd.s32 s19, s8;
	s18 =	simm.s32 $0x1000;
	s19 =	simm.s32 $0x5  }
0x1a: {  	s20 =	simm.s32 $0x600;
	s6 =	simm.s32 $0x700;
	s8 =	simm.s32 $0x780  }
0x1b: {  	v0 =	vimm.f32 $0.0e+00;
	s17 =	sadd.s32 s22, s0;
	s22 =	simm.s32 $0xC00;
	s0 =	simm.s32 $0x680  }
.LBB2_6:
0x1c: {  	s11 =	stileid.u32;
	[bflag:$0x0] =	sbarrier.arrive $0xFFFF  }
0x1d: {  	s11 =	sshll.u32 s11, $0x6;
	s12 =	rddreg [dreg:$0x3]  }
0x1e: {  	s13 =	rddreg [dreg:$0x8];
	s11 =	sor.u32 $0x1C05, s11;
	s12 =	sshrl.u32 s12, $0x3  }
0x1f: {  	[hbm:s13], [sflag:s11] =	dma.local [spmem:s12], $0x2800  }
0x20: {  	_ =	swait.ge [sflag:s19], $0x2800  }
0x21: {  	s13 =	rddreg [dreg:$0xe]  }
0x22: {  	s14 =	rddreg [dreg:$0x9];
	s12 =	sadd.s32 $0x1, s13  }
0x23: {  	p0 =	sne.s32 s12, s14  }
.Ltmp1:
0x24: {  	_ = 	snop;
	(pc) =	sbr.rel @!p0 .LBB2_7-.Ltmp1, $3  }
0x25: {  	_ =	sdelay $0x1  }
0x26: {  	[sflag:s19] =	ssyncset.done $0x0  }
0x27: {  	[sflag:s19] =	ssyncadd.s32 $0xFFFFD800  }
.LBB2_1:
0x28: {  	s11 =	sand.u32 $0xFE00, s3  }
0x29: {  	[dreg:$0xe] =	wrdreg s12;
	s14 =	sand.u32 $0x70, s3;
	s13 =	sshrl.u32 s11, $0x2  }
0x2a: {  	s12 =	simm.s32 $0x0;
	s11 =	simm.s32 $0x40;
	s13 =	sor.u32 s14, s13  }
.LBB2_2:
0x2b: {  	p0 =	sne.s32 s11, $0xFFC0  }
0x2c: {  	[tilespmem:s13+$0x1000] =	vst v0;
	s12 =	sadd.s32 $0x10, s12;
	s13 =	smov.u32 s11;
	s11 =	sadd.s32 $0x40, s11  }
.Ltmp2:
0x2d: {  	(pc) =	sbr.rel @p0 .LBB2_2-.Ltmp2, $4  }
0x2e: {  	_ = 	snop  }
0x2f: {  	s13 =	sand.u32 $0xFE00, s13  }
0x30: {  	s14 =	sand.u32 $0x70, s12;
	s13 =	sshrl.u32 s13, $0x2  }
0x31: {  	s13 =	sor.u32 s14, s13  }
0x32: {  	[tilespmem:s13+$0x1000] =	vst v0;
	s11 =	rddreg [dreg:$0x3]  }
0x33: {  	[spmem:s11] =	stream.linear.scatter [tilespmem:s18], [sflag:$0x5], $0x4000, $0x38;
	[tilespmem:$0x1D000] =	vst v63  }
0x34: {  	_ =	swait.ge [sflag:s19], $0x4000  }
0x35: {  	[sflag:s19] =	ssyncset.done $0x0  }
0x36: {  	s12 =	rddreg [dreg:$0xa];
	[sflag:s19] =	ssyncadd.s32 $0xFFFFC000  }
0x37: {  	[spmem:s12] =	stream.linear.scatter [tilespmem:s18], [sflag:$0x5], $0x4000, $0x38;
	[tilespmem:$0x1D000] =	vst v63  }
0x38: {  	_ =	swait.ge [sflag:s19], $0x4000  }
0x39: {  	[sflag:s19] =	ssyncset.done $0x0  }
0x3a: {  	s13 =	rddreg [dreg:$0xb];
	[sflag:s19] =	ssyncadd.s32 $0xFFFFC000  }
0x3b: {  	[spmem:s13] =	stream.linear.scatter [tilespmem:s18], [sflag:$0x5], $0x4000, $0x38;
	[tilespmem:$0x1D000] =	vst v63  }
0x3c: {  	_ =	swait.ge [sflag:s19], $0x4000  }
0x3d: {  	[sflag:s19] =	ssyncset.done $0x0  }
0x3e: {  	s14 =	rddreg [dreg:$0xc];
	[sflag:s19] =	ssyncadd.s32 $0xFFFFC000  }
0x3f: {  	[spmem:s14] =	stream.linear.scatter [tilespmem:s18], [sflag:$0x5], $0x4000, $0x38;
	[tilespmem:$0x1D000] =	vst v63  }
0x40: {  	_ =	swait.ge [sflag:s19], $0x4000  }
0x41: {  	[sflag:s19] =	ssyncset.done $0x0  }
0x42: {  	s12 =	rddreg [dreg:$0xd];
	[sflag:s19] =	ssyncadd.s32 $0xFFFFC000  }
0x43: {  	[spmem:s12] =	stream.linear.scatter [tilespmem:s18], [sflag:$0x5], $0x4000, $0x38;
	[tilespmem:$0x1D000] =	vst v63  }
0x44: {  	_ =	swait.ge [sflag:s19], $0x4000  }
0x45: {  	[sflag:s19] =	ssyncset.done $0x0  }
0x46: {  	[sflag:s19] =	ssyncadd.s32 $0xFFFFC000  }
0x47: {  	[bflag:$0x0] =	sbarrier.arrive $0xFFFF  }
0x48: {  	s11 =	simm.s32 $0x0;
	s12 =	rddreg [dreg:$0x4]  }
0x49: {  	[tilespmem:s11], [sflag:$0x5] =	stream.linear.gather [hbm4b:s12+s11], $0x400, $0x38;
	[tilespmem:$0x1D000] =	vst v63  }
0x4a: {  	_ =	swait.ge [sflag:s19], $0x400  }
0x4b: {  	[sflag:s19] =	ssyncset.done $0x0  }
0x4c: {  	s14 =	simm.s32 $0x800;
	s13 =	rddreg [dreg:$0x5];
	[sflag:s19] =	ssyncadd.s32 $0xFFFFFC00  }
0x4d: {  	[tilespmem:s14], [sflag:$0x5] =	stream.linear.gather [hbm4b:s13+s11], $0x400, $0x38;
	[tilespmem:$0x1D000] =	vst v63  }
0x4e: {  	_ =	swait.ge [sflag:s19], $0x400  }
0x4f: {  	[sflag:s19] =	ssyncset.done $0x0  }
0x50: {  	s13 =	rddreg [dreg:$0x6];
	[sflag:s19] =	ssyncadd.s32 $0xFFFFFC00  }
0x51: {  	[tilespmem:s21], [sflag:$0x4] =	stream.linear.gather [hbm4b:s13+s11], $0x400, $0x38;
	[tilespmem:$0x1D000] =	vst v63  }
0x52: {  	s14 =	rddreg [dreg:$0x7]  }
0x53: {  	[tilespmem:s22], [sflag:$0x4] =	stream.linear.gather [hbm4b:s14+s11], $0x400, $0x38;
	[tilespmem:$0x1D000] =	vst v63  }
0x54: {  	_ = 	snop  }
0x55: {  	[tilespmem:s18], [sflag:$0x1] =	stream.indirect.gather [hbm4b:s4+s23], $0x80, s11, s23, $0xb8;
	[tilespmem:$0x1D000] =	vst v63  }
.LBB2_4:
0x56: {  	p0 =	seq.s32 s11, $0x0  }
0x57: {  	s12 =	simm.s32 @!p0 $0x3  }
0x58: {  	_ =	swait.ge @!p0 [sflag:s12], $0x400  }
0x59: {  	[sflag:s12] =	ssyncset.done @!p0 $0x0  }
0x5a: {  	[sflag:s12] =	ssyncadd.s32 @!p0 $0xFFFFFC00  }
0x5b: {  	_ =	swait.ge @!p0 [sflag:s12], $0x400  }
0x5c: {  	s13 =	simm.s32 @!p0 $0x0;
	[sflag:s12] =	ssyncset.done @!p0 $0x0  }
0x5d: {  	s14 =	simm.s32 @!p0 $0x1000;
	[sflag:s12] =	ssyncadd.s32 @!p0 $0xFFFFFC00;
	s12 =	simm.s32 @!p0 $0x80  }
0x5e: {  	[tilespmem:s14], [sflag:$0x1] =	stream.indirect.gather @!p0 [hbm4b:s4+s12], $0x80, s13, s12, $0xb8;
	[tilespmem:$0x1D000] =	vst v63  }
0x5f: {  	_ =	swait.ge [sflag:s24], $0x400  }
0x60: {  	[sflag:s24] =	ssyncset.done $0x0  }
0x61: {  	[sflag:s24] =	ssyncadd.s32 $0xFFFFFC00  }
0x62: {  	_ =	swait.ge [sflag:s24], $0x400  }
0x63: {  	[sflag:s24] =	ssyncset.done $0x0  }
0x64: {  	[sflag:s24] =	ssyncadd.s32 $0xFFFFFC00  }
0x65: {  	[tilespmem:s25], [sflag:$0x2] =	stream.indirect.gather [hbm4b:s4+s23], $0x80, s23, s23, $0xb8;
	[tilespmem:$0x1D000] =	vst v63  }
0x66: {  	_ =	swait.ge [sflag:s26], $0x4000  }
0x67: {  	[sflag:s26] =	ssyncset.done $0x0  }
0x68: {  	s14 =	simm.s32 $0x800;
	[sflag:s26] =	ssyncadd.s32 $0xFFFFC000  }
0x69: {  	[spmem:s1] =	stream.indirect.scatter.add.f32 [tilespmem:s18], [sflag:$0x5], $0x80, s14, s23, $0xb8;
	[tilespmem:$0x1D000] =	vst v63  }
0x6a: {  	_ =	swait.ge [sflag:s19], $0x4000  }
0x6b: {  	[sflag:s19] =	ssyncset.done $0x0  }
0x6c: {  	s13 =	simm.s32 $0x100;
	[sflag:s19] =	ssyncadd.s32 $0xFFFFC000  }
0x6d: {  	[tilespmem:s18], [sflag:$0x1] =	stream.indirect.gather [hbm4b:s4+s23], $0x80, s13, s23, $0xb8;
	[tilespmem:$0x1D000] =	vst v63  }
0x6e: {  	_ =	swait.ge [sflag:s29], $0x4000  }
0x6f: {  	[sflag:s29] =	ssyncset.done $0x0  }
0x70: {  	s14 =	simm.s32 $0x880;
	[sflag:s29] =	ssyncadd.s32 $0xFFFFC000  }
0x71: {  	[spmem:s1] =	stream.indirect.scatter.add.f32 [tilespmem:s25], [sflag:$0x5], $0x80, s14, s23, $0xb8;
	[tilespmem:$0x1D000] =	vst v63  }
0x72: {  	_ =	swait.ge [sflag:s19], $0x4000  }
0x73: {  	[sflag:s19] =	ssyncset.done $0x0  }
0x74: {  	s13 =	simm.s32 $0x180;
	[sflag:s19] =	ssyncadd.s32 $0xFFFFC000  }
0x75: {  	[tilespmem:s25], [sflag:$0x2] =	stream.indirect.gather [hbm4b:s4+s23], $0x80, s13, s23, $0xb8;
	[tilespmem:$0x1D000] =	vst v63  }
0x76: {  	_ =	swait.ge [sflag:s26], $0x4000  }
0x77: {  	[sflag:s26] =	ssyncset.done $0x0  }
0x78: {  	s14 =	simm.s32 $0x900;
	[sflag:s26] =	ssyncadd.s32 $0xFFFFC000  }
0x79: {  	[spmem:s1] =	stream.indirect.scatter.add.f32 [tilespmem:s18], [sflag:$0x5], $0x80, s14, s23, $0xb8;
	[tilespmem:$0x1D000] =	vst v63  }
0x7a: {  	_ =	swait.ge [sflag:s19], $0x4000  }
0x7b: {  	[sflag:s19] =	ssyncset.done $0x0  }
0x7c: {  	s13 =	simm.s32 $0x200;
	[sflag:s19] =	ssyncadd.s32 $0xFFFFC000  }
0x7d: {  	[tilespmem:s18], [sflag:$0x1] =	stream.indirect.gather [hbm4b:s4+s23], $0x80, s13, s23, $0xb8;
	[tilespmem:$0x1D000] =	vst v63  }
0x7e: {  	_ =	swait.ge [sflag:s29], $0x4000  }
0x7f: {  	[sflag:s29] =	ssyncset.done $0x0  }
0x80: {  	s14 =	simm.s32 $0x980;
	[sflag:s29] =	ssyncadd.s32 $0xFFFFC000  }
0x81: {  	[spmem:s1] =	stream.indirect.scatter.add.f32 [tilespmem:s25], [sflag:$0x5], $0x80, s14, s23, $0xb8;
	[tilespmem:$0x1D000] =	vst v63  }
0x82: {  	_ =	swait.ge [sflag:s19], $0x4000  }
0x83: {  	[sflag:s19] =	ssyncset.done $0x0  }
0x84: {  	s13 =	simm.s32 $0x280;
	[sflag:s19] =	ssyncadd.s32 $0xFFFFC000  }
0x85: {  	[tilespmem:s25], [sflag:$0x2] =	stream.indirect.gather [hbm4b:s4+s23], $0x80, s13, s23, $0xb8;
	[tilespmem:$0x1D000] =	vst v63  }
0x86: {  	_ =	swait.ge [sflag:s26], $0x4000  }
0x87: {  	[sflag:s26] =	ssyncset.done $0x0  }
0x88: {  	s14 =	simm.s32 $0xA00;
	[sflag:s26] =	ssyncadd.s32 $0xFFFFC000  }
0x89: {  	[spmem:s1] =	stream.indirect.scatter.add.f32 [tilespmem:s18], [sflag:$0x5], $0x80, s14, s23, $0xb8;
	[tilespmem:$0x1D000] =	vst v63  }
0x8a: {  	_ =	swait.ge [sflag:s19], $0x4000  }
0x8b: {  	[sflag:s19] =	ssyncset.done $0x0  }
0x8c: {  	s13 =	simm.s32 $0x300;
	[sflag:s19] =	ssyncadd.s32 $0xFFFFC000  }
0x8d: {  	[tilespmem:s18], [sflag:$0x1] =	stream.indirect.gather [hbm4b:s4+s23], $0x80, s13, s23, $0xb8;
	[tilespmem:$0x1D000] =	vst v63  }
0x8e: {  	_ =	swait.ge [sflag:s29], $0x4000  }
0x8f: {  	[sflag:s29] =	ssyncset.done $0x0  }
0x90: {  	s14 =	simm.s32 $0xA80;
	[sflag:s29] =	ssyncadd.s32 $0xFFFFC000  }
0x91: {  	[spmem:s1] =	stream.indirect.scatter.add.f32 [tilespmem:s25], [sflag:$0x5], $0x80, s14, s23, $0xb8;
	[tilespmem:$0x1D000] =	vst v63  }
0x92: {  	_ =	swait.ge [sflag:s19], $0x4000  }
0x93: {  	[sflag:s19] =	ssyncset.done $0x0  }
0x94: {  	s13 =	simm.s32 $0x380;
	[sflag:s19] =	ssyncadd.s32 $0xFFFFC000  }
0x95: {  	[tilespmem:s25], [sflag:$0x2] =	stream.indirect.gather [hbm4b:s4+s23], $0x80, s13, s23, $0xb8;
	[tilespmem:$0x1D000] =	vst v63  }
0x96: {  	_ =	swait.ge [sflag:s26], $0x4000  }
0x97: {  	[sflag:s26] =	ssyncset.done $0x0  }
0x98: {  	s14 =	simm.s32 $0xB00;
	[sflag:s26] =	ssyncadd.s32 $0xFFFFC000  }
0x99: {  	[spmem:s1] =	stream.indirect.scatter.add.f32 [tilespmem:s18], [sflag:$0x5], $0x80, s14, s23, $0xb8;
	[tilespmem:$0x1D000] =	vst v63  }
0x9a: {  	_ =	swait.ge [sflag:s19], $0x4000  }
0x9b: {  	[sflag:s19] =	ssyncset.done $0x0  }
0x9c: {  	[sflag:s19] =	ssyncadd.s32 $0xFFFFC000  }
0x9d: {  	[tilespmem:s18], [sflag:$0x1] =	stream.indirect.gather [hbm4b:s4+s23], $0x80, s21, s23, $0xb8;
	[tilespmem:$0x1D000] =	vst v63  }
0x9e: {  	_ =	swait.ge [sflag:s29], $0x4000  }
0x9f: {  	[sflag:s29] =	ssyncset.done $0x0  }
0xa0: {  	s13 =	simm.s32 $0xB80;
	[sflag:s29] =	ssyncadd.s32 $0xFFFFC000  }
0xa1: {  	[spmem:s1] =	stream.indirect.scatter.add.f32 [tilespmem:s25], [sflag:$0x5], $0x80, s13, s23, $0xb8;
	[tilespmem:$0x1D000] =	vst v63  }
0xa2: {  	p0 =	seq.s32 s11, $0x400;
	_ =	swait.ge [sflag:s19], $0x4000  }
0xa3: {  	s12 =	sadd.s32 @!p0 s11, s16;
	[sflag:s19] =	ssyncset.done $0x0  }
0xa4: {  	s12 =	sadd.s32 @!p0 $0x100, s12;
	s13 =	simm.s32 @!p0 $0x0;
	[sflag:s19] =	ssyncadd.s32 $0xFFFFC000  }
0xa5: {  	[tilespmem:s13], [sflag:$0x3] =	stream.linear.gather @!p0 [hbm4b:s12+s13], $0x400, $0x38;
	[tilespmem:$0x1D000] =	vst v63  }
0xa6: {  	s12 =	sadd.s32 @!p0 s11, s17  }
0xa7: {  	s14 =	simm.s32 @!p0 $0x800;
	s12 =	sadd.s32 @!p0 $0x100, s12  }
0xa8: {  	[tilespmem:s14], [sflag:$0x3] =	stream.linear.gather @!p0 [hbm4b:s12+s13], $0x400, $0x38;
	[tilespmem:$0x1D000] =	vst v63  }
0xa9: {  	s14 =	simm.s32 $0x480  }
0xaa: {  	[tilespmem:s25], [sflag:$0x2] =	stream.indirect.gather [hbm4b:s4+s23], $0x80, s14, s23, $0xb8;
	[tilespmem:$0x1D000] =	vst v63  }
0xab: {  	_ =	swait.ge [sflag:s26], $0x4000  }
0xac: {  	[sflag:s26] =	ssyncset.done $0x0  }
0xad: {  	[sflag:s26] =	ssyncadd.s32 $0xFFFFC000  }
0xae: {  	[spmem:s1] =	stream.indirect.scatter.add.f32 [tilespmem:s18], [sflag:$0x5], $0x80, s22, s23, $0xb8;
	[tilespmem:$0x1D000] =	vst v63  }
0xaf: {  	_ =	swait.ge [sflag:s19], $0x4000  }
0xb0: {  	[sflag:s19] =	ssyncset.done $0x0  }
0xb1: {  	[sflag:s19] =	ssyncadd.s32 $0xFFFFC000  }
0xb2: {  	[tilespmem:s18], [sflag:$0x1] =	stream.indirect.gather [hbm4b:s4+s23], $0x80, s15, s23, $0xb8;
	[tilespmem:$0x1D000] =	vst v63  }
0xb3: {  	_ =	swait.ge [sflag:s29], $0x4000  }
0xb4: {  	[sflag:s29] =	ssyncset.done $0x0  }
0xb5: {  	[sflag:s29] =	ssyncadd.s32 $0xFFFFC000  }
0xb6: {  	[spmem:s1] =	stream.indirect.scatter.add.f32 [tilespmem:s25], [sflag:$0x5], $0x80, s5, s23, $0xb8;
	[tilespmem:$0x1D000] =	vst v63  }
0xb7: {  	_ =	swait.ge [sflag:s19], $0x4000  }
0xb8: {  	[sflag:s19] =	ssyncset.done $0x0  }
0xb9: {  	[sflag:s19] =	ssyncadd.s32 $0xFFFFC000  }
0xba: {  	[tilespmem:s25], [sflag:$0x2] =	stream.indirect.gather [hbm4b:s4+s23], $0x80, s28, s23, $0xb8;
	[tilespmem:$0x1D000] =	vst v63  }
0xbb: {  	_ =	swait.ge [sflag:s26], $0x4000  }
0xbc: {  	[sflag:s26] =	ssyncset.done $0x0  }
0xbd: {  	[sflag:s26] =	ssyncadd.s32 $0xFFFFC000  }
0xbe: {  	[spmem:s1] =	stream.indirect.scatter.add.f32 [tilespmem:s18], [sflag:$0x5], $0x80, s30, s23, $0xb8;
	[tilespmem:$0x1D000] =	vst v63  }
0xbf: {  	_ =	swait.ge [sflag:s19], $0x4000  }
0xc0: {  	[sflag:s19] =	ssyncset.done $0x0  }
0xc1: {  	[sflag:s19] =	ssyncadd.s32 $0xFFFFC000  }
0xc2: {  	[tilespmem:s18], [sflag:$0x1] =	stream.indirect.gather [hbm4b:s4+s23], $0x80, s20, s23, $0xb8;
	[tilespmem:$0x1D000] =	vst v63  }
0xc3: {  	_ =	swait.ge [sflag:s29], $0x4000  }
0xc4: {  	[sflag:s29] =	ssyncset.done $0x0  }
0xc5: {  	[sflag:s29] =	ssyncadd.s32 $0xFFFFC000  }
0xc6: {  	[spmem:s1] =	stream.indirect.scatter.add.f32 [tilespmem:s25], [sflag:$0x5], $0x80, s31, s23, $0xb8;
	[tilespmem:$0x1D000] =	vst v63  }
0xc7: {  	_ =	swait.ge [sflag:s19], $0x4000  }
0xc8: {  	[sflag:s19] =	ssyncset.done $0x0  }
0xc9: {  	[sflag:s19] =	ssyncadd.s32 $0xFFFFC000  }
0xca: {  	[tilespmem:s25], [sflag:$0x2] =	stream.indirect.gather [hbm4b:s4+s23], $0x80, s0, s23, $0xb8;
	[tilespmem:$0x1D000] =	vst v63  }
0xcb: {  	_ =	swait.ge [sflag:s26], $0x4000  }
0xcc: {  	[sflag:s26] =	ssyncset.done $0x0  }
0xcd: {  	[sflag:s26] =	ssyncadd.s32 $0xFFFFC000  }
0xce: {  	[spmem:s1] =	stream.indirect.scatter.add.f32 [tilespmem:s18], [sflag:$0x5], $0x80, s2, s23, $0xb8;
	[tilespmem:$0x1D000] =	vst v63  }
0xcf: {  	_ =	swait.ge [sflag:s19], $0x4000  }
0xd0: {  	[sflag:s19] =	ssyncset.done $0x0  }
0xd1: {  	[sflag:s19] =	ssyncadd.s32 $0xFFFFC000  }
0xd2: {  	[tilespmem:s18], [sflag:$0x1] =	stream.indirect.gather [hbm4b:s4+s23], $0x80, s6, s23, $0xb8;
	[tilespmem:$0x1D000] =	vst v63  }
0xd3: {  	_ =	swait.ge [sflag:s29], $0x4000  }
0xd4: {  	[sflag:s29] =	ssyncset.done $0x0  }
0xd5: {  	[sflag:s29] =	ssyncadd.s32 $0xFFFFC000  }
0xd6: {  	[spmem:s1] =	stream.indirect.scatter.add.f32 [tilespmem:s25], [sflag:$0x5], $0x80, s7, s23, $0xb8;
	[tilespmem:$0x1D000] =	vst v63  }
0xd7: {  	_ =	swait.ge [sflag:s19], $0x4000  }
0xd8: {  	[sflag:s19] =	ssyncset.done $0x0  }
0xd9: {  	[sflag:s19] =	ssyncadd.s32 $0xFFFFC000  }
0xda: {  	[tilespmem:s25], [sflag:$0x2] =	stream.indirect.gather [hbm4b:s4+s23], $0x80, s8, s23, $0xb8;
	[tilespmem:$0x1D000] =	vst v63  }
0xdb: {  	_ =	swait.ge [sflag:s26], $0x4000  }
0xdc: {  	[sflag:s26] =	ssyncset.done $0x0  }
0xdd: {  	[sflag:s26] =	ssyncadd.s32 $0xFFFFC000  }
0xde: {  	[spmem:s1] =	stream.indirect.scatter.add.f32 [tilespmem:s18], [sflag:$0x5], $0x80, s9, s23, $0xb8;
	[tilespmem:$0x1D000] =	vst v63  }
0xdf: {  	_ =	swait.ge [sflag:s19], $0x4000  }
0xe0: {  	[sflag:s19] =	ssyncset.done $0x0  }
0xe1: {  	[sflag:s19] =	ssyncadd.s32 $0xFFFFC000  }
0xe2: {  	_ =	swait.ge [sflag:s29], $0x4000  }
0xe3: {  	[sflag:s29] =	ssyncset.done $0x0  }
.Ltmp3:
0xe4: {  	[sflag:s29] =	ssyncadd.s32 $0xFFFFC000;
	(pc) =	sbr.rel @p0 .LBB2_6-.Ltmp3, $4  }
0xe5: {  	[spmem:s1] =	stream.indirect.scatter.add.f32 [tilespmem:s25], [sflag:$0x5], $0x80, s10, s23, $0xb8;
	[tilespmem:$0x1D000] =	vst v63  }
0xe6: {  	_ =	swait.ge [sflag:s19], $0x4000  }
0xe7: {  	[sflag:s19] =	ssyncset.done $0x0  }
0xe8: {  	[sflag:s19] =	ssyncadd.s32 $0xFFFFC000  }
.Ltmp4:
0xe9: {  	s12 =	sadd.s32 s11, s16;
	(pc) =	sbr.rel .LBB2_4-.Ltmp4, $4  }
0xea: {  	s14 =	sadd.s32 s11, s17;
	s12 =	sadd.s32 $0x180, s12  }
0xeb: {  	[tilespmem:s21], [sflag:$0x4] =	stream.linear.gather [hbm4b:s12+s3], $0x400, $0x38;
	[tilespmem:$0x1D000] =	vst v63  }
0xec: {  	s11 =	sadd.s32 $0x100, s11;
	s12 =	sadd.s32 $0x180, s14  }
0xed: {  	[tilespmem:s22], [sflag:$0x4] =	stream.linear.gather [hbm4b:s12+s3], $0x400, $0x38;
	[tilespmem:$0x1D000] =	vst v63  }
.LBB2_7:
0xee: {  	_ =	sfence.sel $0x180000  }
0xef: {  	[bflag:$0x0] =	sbarrier.arrive $0xFFFF  }
0xf0: {  	_ =	strace $0x9000004D  }
0xf1: {  	s0 =	stileid.u32;
	[bflag:$0x2] =	sbarrier.arrive $0xFFFF  }
0xf2: {  	p0 =	sne.s32 s0, $0x0;
	s0 =	rddreg [dreg:$0x2]  }
0xf3: {  	s0 =	sadd.s32 @!p0 $0x100000, s0  }
0xf4: {  	[sflag:s0] =	ssyncadd.tile.s32 @!p0 $0x1;
	_ =	shalt  }
.Lfunc_end2:
_tile_overlayer_lowered:
.L_overlay_start_2:
0xf5: {  	(tag) =	ssettag $0x2  }
0xf6: {  	s0 =	rddreg [dreg:$0x0];
	s2 =	stileid.u32  }
0xf7: {  	s1 =	rddreg [dreg:$0x1];
	p0 =	sne.s32 s2, $0x0  }
0xf8: {  	s3 =	rddreg [dreg:$0x2];
	[bflag:$0x3] =	sbarrier.arrive $0xFFFF;
	s2 =	simm.s32 @!p0 $0x1C05  }
0xf9: {  	[timem:s3], [sflag:s2] =	dma.local @!p0 [hbm:s0], s1  }
0xfa: {  	s0 =	simm.s32 @!p0 $0x5  }
0xfb: {  	_ =	swait.ge @!p0 [sflag:s0], s1  }
0xfc: {  	s1 =	ssub.s32 @!p0 $0x0, s1;
	[sflag:s0] =	ssyncset.done @!p0 $0x0  }
0xfd: {  	[sflag:s0] =	ssyncadd.s32 @!p0 s1  }
0xfe: {  	[bflag:$0x3] =	sbarrier.arrive $0xFFFF  }
0xff: {  	_ =	shalt  }

// kernel: kernel.8.cloned.1.call-start
scs
__scs_entry_jumppad:
0x0: {  	(pc) =	sbr.rel $0x88, $3  }
0x1: {  	(tag) =	ssettag $0x0;
	lr =	simm.s32 $0x1  }
0x2: {  	[smem:$0x3F92] =	sst lr;
	_ =	strace $0xD0000000  }
0x3: {  	_ = 	snop  }
0x4: {  	_ = 	snop  }
0x5: {  	_ = 	snop  }
0x6: {  	_ = 	snop  }
0x7: {  	_ = 	snop  }
__scs_overlays_trampoline_lowered:
0x8: {  	[smem:$0x3FA1] =	sst s0  }
0x9: {  	[smem:$0x3FA2] =	sst s1  }
0xa: {  	[smem:$0x3FA3] =	sst s2  }
0xb: {  	[smem:$0x3FA4] =	sst s3  }
0xc: {  	[smem:$0x3FA5] =	sst s4  }
0xd: {  	[smem:$0x3FA6] =	sst s5  }
0xe: {  	[smem:$0x3FA7] =	sst s6  }
0xf: {  	[smem:$0x3FA8] =	sst s7  }
0x10: {  	[smem:$0x3FA9] =	sst s8  }
0x11: {  	[smem:$0x3FAA] =	sst s9;
	s0 =	simm.s32 @!p0 $0x0  }
0x12: {  	s1 =	sld [smem:$0x3F90];
	s0 =	simm.s32 @p0 $0x1  }
0x13: {  	[smem:$0x3FAB] =	sst s0;
	s0 =	simm.s32 @!p1 $0x0  }
0x14: {  	s2 =	sld [smem:$0x3F8F];
	s0 =	simm.s32 @p1 $0x1  }
0x15: {  	[smem:$0x3FAC] =	sst s0;
	s0 =	simm.s32 @!p2 $0x0  }
0x16: {  	s3 =	sld [smem:$0x3FDB];
	s0 =	simm.s32 @p2 $0x1  }
0x17: {  	s4 =	simm.s32 $0x1BF5;
	[smem:$0x3FAE] =	sst s0  }
0x18: {  	s0 =	sld [smem:$0x3F91];
	_ =	swait.ge [sflag:s4], $0x0  }
0x19: {  	s7 =	sld [smem:$0x3F92]  }
0x1a: {  	s8 =	sadd.s32 $0xFFFFE003, lr  }
0x1b: {  	s9 =	sadd.s32 $0xFFFFFEF7, lr;
	s5 =	simm.s32 $0xFFFFFFFF;
	p2 =	slt.u32 s8, $0xFFFFF086  }
0x1c: {  	p1 =	slt.u32 s9, $0xF7A;
	s5 =	simm.s32 @!p2 $0x0  }
0x1d: {  	s5 =	simm.s32 @p1 $0x1;
	p0 =	seq.s32 s7, s2  }
0x1e: {  	s7 =	smul.u32 @!p0 $0xF7A, s2;
	p2 =	seq.s32 @!p0 s5, $0x0  }
0x1f: {  	s9 =	smul.u32 $0xF7A, s1;
	s8 =	simm.s32 @!p0 $0x1BF5;
	p2 =	por !p2, p0  }
0x20: {  	[sflag:s8] =	ssyncset.s32 @!p0 $0xFFFFF086;
	s6 =	sadd.s32 @!p0 s3, s7;
	s7 =	simm.s32 @!p0 $0x108  }
0x21: {  	s3 =	sadd.s32 s3, s9;
	s6 =	sadd.s32 @!p0 $0x88, s6;
	s7 =	simm.s32 @p2 $0x1082  }
0x22: {  	[simem:s7], [sflag:s8] =	dma.local @!p0 [hbm:s6], $0xF7A  }
0x23: {  	s9 =	sor.u32 $0xD0000000, s2;
	s6 =	simm.s32 $0x108;
	_ =	swait.ge @!p0 [sflag:s8], $0x0  }
0x24: {  	s3 =	sadd.s32 $0x88, s3;
	s6 =	simm.s32 @!p1 $0x1082;
	[sflag:s4] =	ssyncset.s32 $0xFFFFF086  }
0x25: {  	[simem:s6], [sflag:s4] =	dma.local [hbm:s3], $0xF7A  }
0x26: {  	[smem:$0x3F92] =	sst s1;
	(tag) =	ssettag s2;
	_ =	strace s9  }
0x27: {  	s1 =	sld [smem:$0x3FA2]  }
0x28: {  	s2 =	sld [smem:$0x3FA3]  }
0x29: {  	s4 =	sld [smem:$0x3FA5]  }
0x2a: {  	p0 =	seq.s32 s5, $0x0;
	s5 =	sld [smem:$0x3FA6]  }
0x2b: {  	s6 =	sld [smem:$0x3FA7]  }
0x2c: {  	s7 =	sld [smem:$0x3FA8]  }
0x2d: {  	s3 =	simm.s32 $0x108;
	s8 =	sld [smem:$0x3FA9]  }
0x2e: {  	s3 =	simm.s32 @!p0 $0x1082;
	s9 =	sld [smem:$0x3FAA]  }
0x2f: {  	lr =	sadd.s32 s0, s3;
	s0 =	sld [smem:$0x3FA1]  }
0x30: {  	s3 =	sld [smem:$0x3FA4]  }
0x31: {  	[smem:$0x3FAD] =	sst s10  }
0x32: {  	s10 =	sld [smem:$0x3FAB];
	_ =	sdelay $0x3  }
0x33: {  	p0 =	seq.s32 s10, $0x1;
	s10 =	sld [smem:$0x3FAD];
	_ =	sdelay $0x3  }
0x34: {  	[smem:$0x3FAD] =	sst s10  }
0x35: {  	s10 =	sld [smem:$0x3FAC];
	_ =	sdelay $0x3  }
0x36: {  	p1 =	seq.s32 s10, $0x1;
	s10 =	sld [smem:$0x3FAD];
	_ =	sdelay $0x3  }
0x37: {  	[smem:$0x3FAD] =	sst s10  }
0x38: {  	s10 =	sld [smem:$0x3FAE]  }
0x39: {  	_ = 	snop;
	(pc) =	sbr.ind lr, $3  }
0x3a: {  	_ = 	snop  }
0x3b: {  	_ = 	snop  }
0x3c: {  	p2 =	seq.s32 s10, $0x1;
	s10 =	sld [smem:$0x3FAD]  }
0x3d: {  	_ =	shalt  }
0x3e: {  	_ =	shalt  }
0x3f: {  	_ =	shalt  }
0x40: {  	_ =	shalt  }
0x41: {  	_ =	shalt  }
0x42: {  	_ =	shalt  }
0x43: {  	_ =	shalt  }
0x44: {  	_ =	shalt  }
0x45: {  	_ =	shalt  }
0x46: {  	_ =	shalt  }
0x47: {  	_ =	shalt  }
0x48: {  	_ =	shalt  }
0x49: {  	_ =	shalt  }
0x4a: {  	_ =	shalt  }
0x4b: {  	_ =	shalt  }
0x4c: {  	_ =	shalt  }
0x4d: {  	_ =	shalt  }
0x4e: {  	_ =	shalt  }
0x4f: {  	_ =	shalt  }
0x50: {  	_ =	shalt  }
0x51: {  	_ =	shalt  }
0x52: {  	_ =	shalt  }
0x53: {  	_ =	shalt  }
0x54: {  	_ =	shalt  }
0x55: {  	_ =	shalt  }
0x56: {  	_ =	shalt  }
0x57: {  	_ =	shalt  }
0x58: {  	_ =	shalt  }
0x59: {  	_ =	shalt  }
0x5a: {  	_ =	shalt  }
0x5b: {  	_ =	shalt  }
0x5c: {  	_ =	shalt  }
0x5d: {  	_ =	shalt  }
0x5e: {  	_ =	shalt  }
0x5f: {  	_ =	shalt  }
0x60: {  	_ =	shalt  }
0x61: {  	_ =	shalt  }
0x62: {  	_ =	shalt  }
0x63: {  	_ =	shalt  }
0x64: {  	_ =	shalt  }
0x65: {  	_ =	shalt  }
0x66: {  	_ =	shalt  }
0x67: {  	_ =	shalt  }
0x68: {  	_ =	shalt  }
0x69: {  	_ =	shalt  }
0x6a: {  	_ =	shalt  }
0x6b: {  	_ =	shalt  }
0x6c: {  	_ =	shalt  }
0x6d: {  	_ =	shalt  }
0x6e: {  	_ =	shalt  }
0x6f: {  	_ =	shalt  }
0x70: {  	_ =	shalt  }
0x71: {  	_ =	shalt  }
0x72: {  	_ =	shalt  }
0x73: {  	_ =	shalt  }
0x74: {  	_ =	shalt  }
0x75: {  	_ =	shalt  }
0x76: {  	_ =	shalt  }
0x77: {  	_ =	shalt  }
0x78: {  	_ =	shalt  }
0x79: {  	_ =	shalt  }
0x7a: {  	_ =	shalt  }
0x7b: {  	_ =	shalt  }
0x7c: {  	_ =	shalt  }
0x7d: {  	_ =	shalt  }
0x7e: {  	_ =	shalt  }
0x7f: {  	_ =	shalt  }
0x80: {  	_ =	shalt  }
0x81: {  	_ =	shalt  }
0x82: {  	_ =	shalt  }
0x83: {  	_ =	shalt  }
0x84: {  	_ =	shalt  }
0x85: {  	_ =	shalt  }
0x86: {  	_ =	shalt  }
0x87: {  	_ =	shalt  }
.Lfunc_end0:
.L_simem_size_0:
called_computation_lowered:
.L_overlay_start_0:
0x88: {  	s2 =	sld [smem:$0x3FD9]  }
0x89: {  	s3 =	sld [smem:$0x3FFE];
	_ =	sdelay $0x1  }
0x8a: {  	s1 =	srdreg.scid  }
0x8b: {  	s0 =	sand.u32 $0x1, s1  }
0x8c: {  	s16 =	sshll.u32 s0, $0xA;
	s2 =	sadd.s32 s3, s2  }
0x8d: {  	s2 =	sadd.s32 s2, s16  }
0x8e: {  	[smem:$0x3FB9] =	sst s2  }
0x8f: {  	_ = 	snop  }
0x90: {  	(tm) =	ssettm $0x1  }
0x91: {  	s17 =	sld [smem:$0x3FFB];
	_ =	sdelay $0x3  }
0x92: {  	_ =	strace s17  }
0x93: {  	s2 =	sld [smem:$0x3FFC];
	_ =	sdelay $0x3  }
0x94: {  	_ =	strace s2  }
0x95: {  	s2 =	sld [smem:$0x3FFD];
	_ =	sdelay $0x3  }
0x96: {  	_ =	strace s2  }
0x97: {  	_ =	strace $0x8FFFFFFF  }
0x98: {  	s18 =	sld [smem:$0x3FDB];
	_ =	sdelay $0x1  }
0x99: {  	s19 =	simm.s32 $_scs_section_size  }
0x9a: {  	s4 =	simm.s32 $_size__tile_overlayer_lowered;
	s5 =	simm.s32 $_tile_overlayer_lowered  }
0x9b: {  	s22 =	simm.s32 $0x1BFF;
	s21 =	sshll.u32 s5, $0x1;
	s2 =	sadd.s32 s19, s18  }
0x9c: {  	s6 =	simm.s32 $0x0;
	s20 =	sshll.u32 s4, $0x1;
	s4 =	sadd.s32 s21, s2  }
0x9d: {  	[timem:s6], [sflag:s22] =	dma.local [hbm:s4], s20  }
0x9e: {  	_ =	swait.ge [sflag:s22], s20  }
0x9f: {  	s3 =	ssub.s32 $0x0, s20;
	[sflag:s22] =	ssyncset.done $0x0  }
0xa0: {  	[sflag:s22] =	ssyncadd.s32 s3;
	_ =	sdelay $0x1  }
0xa1: {  	s23 =	simm.s32 $0x1B8B  }
0xa2: {  	_ =	swait.ge [sflag:s23], $0x1  }
0xa3: {  	[sflag:s23] =	ssyncset.done $0x0  }
0xa4: {  	s25 =	simm.s32 $0x1B8E;
	s24 =	sld [smem:$0x3FFE];
	[sflag:s23] =	ssyncadd.s32 $0xFFFFFFFF  }
0xa5: {  	s26 =	simm.s32 $execute0_lowered;
	[smem:$0x3FD2] =	sst s25  }
0xa6: {  	s4 =	sshll.u32 s26, $0x1;
	_ =	strace $0x80000046;
	[dreg:$0x1] =	wrdreg $0xFFFFFFFF  }
0xa7: {  	s28 =	simm.s32 $_size_execute0_lowered;
	s2 =	sadd.s32 s2, s4;
	[dreg:$0x0] =	wrdreg $0x0  }
0xa8: {  	s4 =	sshll.u32 s28, $0x1;
	[dreg:$0x2] =	wrdreg s2  }
0xa9: {  	[dreg:$0x3] =	wrdreg s4  }
0xaa: {  	[dreg:$0x4] =	wrdreg $0xC0  }
0xab: {  	_ =	task [dreg:s6], $0x5FFFF  }
0xac: {  	[dreg:$0x1] =	wrdreg $0xFFFFFFFF  }
0xad: {  	[dreg:$0x0] =	wrdreg $0x60  }
0xae: {  	[dreg:$0x2] =	wrdreg s24  }
0xaf: {  	[dreg:$0x3] =	wrdreg $0xA8000  }
0xb0: {  	[dreg:$0x4] =	wrdreg $0x9  }
0xb1: {  	_ =	task.clear_ibuf [dreg:s6], $0x5FFFF;
	_ =	strace $0x90000046  }
0xb2: {  	s29 =	simm.s32 $0x9;
	_ =	strace $0x80000048  }
0xb3: {  	_ =	swait.ge [sflag:s29], $0x1  }
0xb4: {  	[sflag:s29] =	ssyncadd.s32 $0xFFFFFFFF  }
0xb5: {  	_ =	strace $0x90000048  }
0xb6: {  	_ =	sfence  }
0xb7: {  	s30 =	sld [smem:$0x0];
	_ =	sdelay $0x2  }
0xb8: {  	s31 =	sshll.u32 s1, $0xD;
	s1 =	sshrl.u32 s1, $0x2  }
0xb9: {  	s3 =	sand.u32 $0x4000, s31;
	s1 =	sadd.s32 s1, s30  }
0xba: {  	s0 =	sor.u32 s3, s0;
	s1 =	sshll.u32 s1, $0x11  }
0xbb: {  	s0 =	sor.u32 s1, s0  }
0xbc: {  	s0 =	sadd.s32 $0x8F2B, s0  }
0xbd: {  	[sflag:s0] =	ssyncadd.remote.s32 $0x1  }
0xbe: {  	_ =	sfence.sel $0xFFFF  }
0xbf: {  	[dreg:$0x0] =	wrdreg $0xFFFFFFFF;
	(pc) =	sbr.abs _section_cstart, $3  }
0xc0: {  	[dreg:$0x1] =	wrdreg $0xFFFFFFFF  }
0xc1: {  	_ =	task.clear_ibuf [dreg:s6], $0x2FFFF;
	_ =	strace $0x9FFFFFFF  }
0xc2: {  	(tm) =	ssettm $0x7FFFFFFF  }
0xc3: {  	_ =	shalt  }
tec
execute0_lowered:
.L_overlay_start_1:
0x0: {  	(tag) =	ssettag $0x1  }
0x1: {  	s5 =	rddreg [dreg:$0x0]  }
0x2: {  	s0 =	srdreg.scid;
	s2 =	rddreg [dreg:$0x1]  }
0x3: {  	s3 =	simm.s32 $0x0;
	s12 =	simm.s32 $0x6800;
	s13 =	simm.s32 $0x2  }
0x4: {  	s14 =	simm.s32 $0x80;
	s15 =	simm.s32 $0x2800;
	s4 =	sand.u32 $0x1, s0  }
0x5: {  	s16 =	simm.s32 $0x1;
	s0 =	stileid.u32;
	s7 =	smul.u32 $0x140000, s4  }
0x6: {  	[smem:$0x7FF] =	sst s3;
	s1 =	sshll.u32 s4, $0x4;
	s8 =	smul.u32 $0x14000, s0  }
0x7: {  	s9 =	smul.u32 $0x50000, s0;
	s4 =	ssub.s32 $0x2, s4;
	s1 =	sor.u32 s0, s1  }
0x8: {  	s31 =	sshrl.u32 s4, $0x1;
	s6 =	smul.u32 $0x500, s1;
	s1 =	rddreg [dreg:$0x2]  }
0x9: {  	_ =	strace $0x80000047;
	s7 =	sadd.s32 s8, s7;
	s9 =	sshrl.u32 s9, $0x2  }
0xa: {  	s8 =	ssub.s32 s4, s31;
	s7 =	sshrl.u32 s7, $0x3;
	s4 =	sadd.s32 s9, s2  }
0xb: {  	s6 =	sadd.s32 s6, s5;
	s7 =	sadd.s32 s7, s5;
	s9 =	sadd.s32 $0x8000, s4  }
0xc: {  	s10 =	sadd.s32 $0xC000, s4;
	s11 =	sadd.s32 $0x10000, s4;
	s5 =	sadd.s32 $0x3C00, s6  }
0xd: {  	v0 =	vimm.f32 $1.000000000e+00;
	v1 =	vimm.f32 $0.0e+00;
	s6 =	sadd.s32 $0x17C00, s7;
	s7 =	smax.u32 s8, $0x1;
	s8 =	sadd.s32 $0x4000, s4  }
.LBB2_1:
0xe: {  	s17 =	simm.s32 $0x0;
	s18 =	simm.s32 $0x0  }
.LBB2_2:
0xf: {  	p0 =	sne.s32 s18, $0xFFC0  }
.Ltmp0:
0x10: {  	_ = 	snop;
	(pc) =	sbr.rel @p0 .LBB2_2-.Ltmp0, $4  }
0x11: {  	s19 =	sand.u32 $0xFE00, s18  }
0x12: {  	s20 =	sand.u32 $0x70, s17;
	s19 =	sshrl.u32 s19, $0x2  }
0x13: {  	s19 =	sor.u32 s20, s19  }
0x14: {  	s17 =	sadd.s32 $0x10, s17;
	s18 =	sadd.s32 $0x40, s18;
	[tilespmem:s19+$0x2800] =	vst v0  }
0x15: {  	s17 =	simm.s32 $0x0  }
0x16: {  	s18 =	sand.u32 $0xFE00, s17  }
0x17: {  	s19 =	sand.u32 $0x70, s17;
	s20 =	sshrl.u32 s18, $0x2  }
0x18: {  	s18 =	simm.s32 $0x40;
	s19 =	sor.u32 s19, s20  }
.LBB2_4:
0x19: {  	p0 =	sne.s32 s18, $0xFFC0  }
0x1a: {  	[tilespmem:s19+$0x6800] =	vst v1;
	s17 =	sadd.s32 $0x10, s17;
	s19 =	smov.u32 s18;
	s18 =	sadd.s32 $0x40, s18  }
.Ltmp1:
0x1b: {  	(pc) =	sbr.rel @p0 .LBB2_4-.Ltmp1, $4  }
0x1c: {  	_ = 	snop  }
0x1d: {  	s19 =	sand.u32 $0xFE00, s19  }
0x1e: {  	s20 =	sand.u32 $0x70, s17;
	s19 =	sshrl.u32 s19, $0x2  }
0x1f: {  	s19 =	sor.u32 s20, s19  }
0x20: {  	[tilespmem:s19+$0x6800] =	vst v1  }
0x21: {  	[spmem:s4] =	stream.linear.scatter [tilespmem:s12], [sflag:$0x2], $0x4000, $0x38;
	[tilespmem:$0x1E800] =	vst v63  }
0x22: {  	_ =	swait.ge [sflag:s13], $0x4000  }
0x23: {  	[sflag:s13] =	ssyncset.done $0x0  }
0x24: {  	[sflag:s13] =	ssyncadd.s32 $0xFFFFC000  }
0x25: {  	[spmem:s8] =	stream.linear.scatter [tilespmem:s12], [sflag:$0x2], $0x4000, $0x38;
	[tilespmem:$0x1E800] =	vst v63  }
0x26: {  	_ =	swait.ge [sflag:s13], $0x4000  }
0x27: {  	[sflag:s13] =	ssyncset.done $0x0  }
0x28: {  	[sflag:s13] =	ssyncadd.s32 $0xFFFFC000  }
0x29: {  	[spmem:s9] =	stream.linear.scatter [tilespmem:s12], [sflag:$0x2], $0x4000, $0x38;
	[tilespmem:$0x1E800] =	vst v63  }
0x2a: {  	_ =	swait.ge [sflag:s13], $0x4000  }
0x2b: {  	[sflag:s13] =	ssyncset.done $0x0  }
0x2c: {  	[sflag:s13] =	ssyncadd.s32 $0xFFFFC000  }
0x2d: {  	[spmem:s10] =	stream.linear.scatter [tilespmem:s12], [sflag:$0x2], $0x4000, $0x38;
	[tilespmem:$0x1E800] =	vst v63  }
0x2e: {  	_ =	swait.ge [sflag:s13], $0x4000  }
0x2f: {  	[sflag:s13] =	ssyncset.done $0x0  }
0x30: {  	[sflag:s13] =	ssyncadd.s32 $0xFFFFC000  }
0x31: {  	[spmem:s11] =	stream.linear.scatter [tilespmem:s12], [sflag:$0x2], $0x4000, $0x38;
	[tilespmem:$0x1E800] =	vst v63  }
0x32: {  	_ =	swait.ge [sflag:s13], $0x4000  }
0x33: {  	[sflag:s13] =	ssyncset.done $0x0  }
0x34: {  	s17 =	simm.s32 $0x0;
	[sflag:s13] =	ssyncadd.s32 $0xFFFFC000  }
0x35: {  	[tilespmem:s17], [sflag:$0x2] =	stream.linear.gather [hbm4b:s5+s17], $0x2800, $0x38;
	[tilespmem:$0x1E800] =	vst v63  }
0x36: {  	_ =	swait.ge [sflag:s13], $0x2800  }
0x37: {  	[sflag:s13] =	ssyncset.done $0x0  }
0x38: {  	[sflag:s13] =	ssyncadd.s32 $0xFFFFD800  }
0x39: {  	[bflag:$0x0] =	sbarrier.arrive $0xFFFF  }
.LBB2_6:
0x3a: {  	p0 =	sne.s32 s17, $0x9E00  }
.Ltmp2:
0x3b: {  	_ = 	snop;
	(pc) =	sbr.rel @p0 .LBB2_6-.Ltmp2, $3  }
0x3c: {  	_ =	sdelay $0x1  }
0x3d: {  	s18 =	sshra.s32 s17, $0x2;
	s17 =	sadd.s32 $0x200, s17  }
0x3e: {  	[spmem:s2] =	stream.indirect.scatter.add.f32 [tilespmem:s15], [sflag:$0x1], $0x80, s18, s14, $0xb8;
	[tilespmem:$0x1E800] =	vst v63  }
0x3f: {  	_ =	swait.ge [sflag:s16], $0x4000  }
0x40: {  	s17 =	simm.s32 $0x4F;
	[sflag:s16] =	ssyncset.done $0x0  }
.LBB2_8:
0x41: {  	p0 =	sne.s32 s17, $0x1;
	s17 =	sadd.s32 $0xFFFFFFFF, s17;
	[sflag:s16] =	ssyncadd.s32 $0xFFFFC000  }
.Ltmp3:
0x42: {  	(pc) =	sbr.rel @p0 .LBB2_8-.Ltmp3, $3  }
0x43: {  	_ =	sdelay $0x1  }
0x44: {  	_ =	swait.ge [sflag:s16], $0x4000  }
0x45: {  	[sflag:s16] =	ssyncset.done $0x0  }
0x46: {  	[sflag:s16] =	ssyncadd.s32 $0xFFFFC000;
	s3 =	sadd.s32 $0x1, s3  }
0x47: {  	s17 =	sshll.u32 s0, $0x6;
	s18 =	sshrl.u32 s4, $0x3;
	p0 =	sne.s32 s3, s7  }
.Ltmp4:
0x48: {  	[bflag:$0x0] =	sbarrier.arrive $0xFFFF;
	s17 =	sor.u32 $0x1C02, s17;
	(pc) =	sbr.rel @p0 .LBB2_1-.Ltmp4, $4  }
0x49: {  	[hbm:s6], [sflag:s17] =	dma.local [spmem:s18], $0x2800  }
0x4a: {  	_ =	swait.ge [sflag:s13], $0x2800  }
0x4b: {  	[sflag:s13] =	ssyncset.done $0x0  }
0x4c: {  	[sflag:s13] =	ssyncadd.s32 $0xFFFFD800  }
0x4d: {  	_ =	sfence.sel $0x180000  }
0x4e: {  	[bflag:$0x0] =	sbarrier.arrive $0xFFFF  }
0x4f: {  	p0 =	sne.s32 s0, $0x0;
	_ =	strace $0x90000047  }
0x50: {  	s0 =	sadd.s32 @!p0 $0x100000, s1;
	[bflag:$0x2] =	sbarrier.arrive $0xFFFF  }
0x51: {  	[sflag:s0] =	ssyncadd.tile.s32 @!p0 $0x1;
	_ =	shalt  }
.Lfunc_end2:
_tile_overlayer_lowered:
.L_overlay_start_2:
0x52: {  	(tag) =	ssettag $0x2  }
0x53: {  	s0 =	rddreg [dreg:$0x0];
	s2 =	stileid.u32  }
0x54: {  	s1 =	rddreg [dreg:$0x1];
	p0 =	sne.s32 s2, $0x0  }
0x55: {  	s3 =	rddreg [dreg:$0x2];
	[bflag:$0x3] =	sbarrier.arrive $0xFFFF;
	s2 =	simm.s32 @!p0 $0x1C02  }
0x56: {  	[timem:s3], [sflag:s2] =	dma.local @!p0 [hbm:s0], s1  }
0x57: {  	s0 =	simm.s32 @!p0 $0x2  }
0x58: {  	_ =	swait.ge @!p0 [sflag:s0], s1  }
0x59: {  	s1 =	ssub.s32 @!p0 $0x0, s1;
	[sflag:s0] =	ssyncset.done @!p0 $0x0  }
0x5a: {  	[sflag:s0] =	ssyncadd.s32 @!p0 s1  }
0x5b: {  	[bflag:$0x3] =	sbarrier.arrive $0xFFFF  }
0x5c: {  	_ =	shalt  }

</sc_bundles>
